<compile_context>
chip_gen: v7x
topology: tpu7x:2x2x1
jax: 0.10.2.dev20260603
libtpu: 0.0.44.dev20260713+nightly
codegen_flags: <defaults>
</compile_context>

<pallas_src>
import functools

import jax
import jax.numpy as jnp
from jax import lax
from jax.experimental import pallas as pl
from jax.experimental.pallas import tpu as pltpu
from jax.experimental.pallas import tpu_sc as plsc

BATCH = 16384
NF = 100
NFIELD = 26
EMB = 16
B_CH = 2048
GRID = BATCH // B_CH

NC = 2



def _sc_body(v_hbm, fi_hbm, out_hbm, fi_v, e_v, obuf, esem, osem):
    wid = lax.axis_index("s") * NC + lax.axis_index("c")

    @pl.when(wid == 0)
    def _lookup():
        pltpu.sync_copy(fi_hbm, fi_v)
        pltpu.make_async_copy(v_hbm.at[fi_v], e_v, esem).start()
        pltpu.make_async_copy(v_hbm.at[fi_v], e_v, esem).wait()
        for f in range(NF):
            obuf[pl.ds(f * EMB, EMB)] = e_v[f, :EMB]
        pltpu.make_async_copy(obuf, out_hbm, osem).start()
        pltpu.make_async_copy(obuf, out_hbm, osem).wait()


_sc_lookup = functools.partial(
    pl.kernel,
    out_type=jax.ShapeDtypeStruct((NF * EMB,), jnp.float32),
    mesh=plsc.VectorSubcoreMesh(core_axis_name="c", subcore_axis_name="s"),
    scratch_types=[
        pltpu.VMEM((NF,), jnp.int32),
        pltpu.VMEM((NF, 128), jnp.float32),
        pltpu.VMEM((NF * EMB,), jnp.float32),
        pltpu.SemaphoreType.DMA,
        pltpu.SemaphoreType.DMA,
    ],
)(_sc_body)



def _tc_body(e_ref, x_ref, out_ref, et_ref):
    @pl.when(pl.program_id(0) == 0)
    def _build_et():
        et_ref[...] = e_ref[...].T

    for f in range(NF):
        x_row = x_ref[f:f + 1, :]
        e_col = et_ref[:, f:f + 1]
        out_ref[f] = e_col * x_row


def kernel(inputs, V, field_index):
    x_t = inputs.T
    v_pad = jnp.pad(V, ((0, 0), (0, 128 - EMB)))
    e_flat = _sc_lookup(v_pad, field_index)
    e2 = e_flat.reshape(NF, EMB)
    out_t = pl.pallas_call(
        _tc_body,
        grid=(GRID,),
        in_specs=[
            pl.BlockSpec((NF, EMB), lambda i: (0, 0)),
            pl.BlockSpec((NF, B_CH), lambda i: (0, i)),
        ],
        out_specs=pl.BlockSpec((NF, EMB, B_CH), lambda i: (0, 0, i)),
        out_shape=jax.ShapeDtypeStruct((NF, EMB, BATCH), jnp.float32),
        scratch_shapes=[pltpu.VMEM((EMB, NF), jnp.float32)],
        compiler_params=pltpu.CompilerParams(
            dimension_semantics=("arbitrary",),
        ),
    )(e2, x_t)
    return jnp.transpose(out_t, (2, 0, 1))

# --- scband reference (transcript-rebuilt; emitter-appended) ---
"""Pipeline reference for scband-deep-fm-51049981280550 (READ-ONLY COPY).

The authoritative reference and input builder live on the scoring server;
editing this copy changes nothing except your own understanding.
"""

import jax, jax.numpy as jnp
import numpy as np

BATCH = 16384
NUM_FEATURE = 100
NUM_FIELD = 26
EMBED = 16


def setup_inputs(seed: int = 0) -> dict:
    key = jax.random.key(seed)
    k1, k2 = jax.random.split(key)
    inputs = jax.random.normal(k1, (BATCH, NUM_FEATURE), dtype=jnp.float32)
    # Learned parameter V per init_kwargs (num_field, embedding_size)
    V = jax.random.normal(k2, (NUM_FIELD, EMBED), dtype=jnp.float32)
    # field_index: constant mapping feature -> field (init arg)
    field_index = jnp.array([i % NUM_FIELD for i in range(NUM_FEATURE)], dtype=jnp.int32)
    return {"inputs": inputs, "V": V, "field_index": field_index}


def reference(inputs, V, field_index):
    # embeds = tf.nn.embedding_lookup(V, field_index) -> [num_feature, embed]
    embeds = jnp.take(V, field_index, axis=0)
    # x_batch = tf.reshape(inputs, [-1, num_feature, 1])
    x_batch = jnp.reshape(inputs, (-1, NUM_FEATURE, 1))
    # embeddings = tf.multiply(embeds, x_batch) -> [batch, num_feature, embed]
    embeddings = jnp.multiply(embeds, x_batch)
    return embeddings

if __name__ == "__main__":
    import jax
    _d = setup_inputs()
    print(jax.jit(kernel)(*tuple(_d.values())))

</pallas_src>

<mosaic_0001>
#map = affine_map<(d0, d1) -> (0, 0)>
#map1 = affine_map<(d0, d1) -> (0)>
module attributes {stable_mosaic.version = 14 : i64} {
  func.func @_sc_body(%arg0: i32, %arg1: i32, %arg2: memref<26x128xf32, #tpu.memory_space<hbm>>, %arg3: memref<100xi32, #tpu.memory_space<hbm>>, %arg4: memref<1600xf32, #tpu.memory_space<hbm>>, %arg5: memref<100xi32, #tpu.memory_space<vmem>>, %arg6: memref<100x128xf32, #tpu.memory_space<vmem>>, %arg7: memref<1600xf32, #tpu.memory_space<vmem>>, %arg8: memref<!tpu.dma_semaphore, #tpu.memory_space<semaphore_mem>>, %arg9: memref<!tpu.dma_semaphore, #tpu.memory_space<semaphore_mem>>) attributes {dimension_semantics = [#tpu.dimension_semantics<core_parallel>, #tpu.dimension_semantics<subcore_parallel>], iteration_bounds = array<i64: 2, 16>, scalar_prefetch = 0 : i64, scratch_operands = 5 : i64, tpu.core_type = #tpu.core_type<sc_vector_subcore>, window_params = [{transform_indices = #map}, {transform_indices = #map1}, {transform_indices = #map1}]} {
    %mul3A = arith.constant 2 : i32
    %mul3A_0 = arith.muli %arg1, %mul3A : i32
    %add3A = arith.addi %mul3A_0, %arg0 : i32
    %eq3A = arith.constant 0 : i32
    %eq3A_1 = arith.cmpi eq, %add3A, %eq3A : i32
    %convert_element_type3A = arith.extui %eq3A_1 : i1 to i32
    %cond3A = arith.constant 0 : i32
    %cond3A_2 = arith.cmpi ne, %convert_element_type3A, %cond3A : i32
    scf.if %cond3A_2 {
      "tpu.region"() ({
        %run_scoped3A = tpu.sem_alloc : memref<!tpu.dma_semaphore, #tpu.memory_space<semaphore_mem>>
        tpu.enqueue_dma source(%arg3 : memref<100xi32, #tpu.memory_space<hbm>>) target(%arg5 : memref<100xi32, #tpu.memory_space<vmem>>) target_semaphore(%run_scoped3A : memref<!tpu.dma_semaphore, #tpu.memory_space<semaphore_mem>>)
        tpu.wait_dma2 semaphore(%run_scoped3A : memref<!tpu.dma_semaphore, #tpu.memory_space<semaphore_mem>>) src(%arg3 : memref<100xi32, #tpu.memory_space<hbm>>) dst(%arg5 : memref<100xi32, #tpu.memory_space<vmem>>)
        tpu.yield
      }) : () -> ()
      %dma_start3A = arith.constant 0 : i32
      %dma_start3A_3 = arith.constant 0 : i32
      %dma_start3A_4 = tpu.memref_slice %arg2[%dma_start3A, %dma_start3A_3] : memref<26x128xf32, #tpu.memory_space<hbm>> -> memref<26x128xf32, #tpu.memory_space<hbm>>
      tpu.enqueue_indirect_dma source(%dma_start3A_4 : memref<26x128xf32, #tpu.memory_space<hbm>>) target(%arg6 : memref<100x128xf32, #tpu.memory_space<vmem>>) offsets(%arg5 : memref<100xi32, #tpu.memory_space<vmem>>) semaphore(%arg8 : memref<!tpu.dma_semaphore, #tpu.memory_space<semaphore_mem>>)
      %dma_wait3A = arith.constant 0 : i32
      %dma_wait3A_5 = arith.constant 0 : i32
      %dma_wait3A_6 = tpu.memref_slice %arg2[%dma_wait3A, %dma_wait3A_5] : memref<26x128xf32, #tpu.memory_space<hbm>> -> memref<26x128xf32, #tpu.memory_space<hbm>>
      tpu.wait_indirect_dma semaphore(%arg8 : memref<!tpu.dma_semaphore, #tpu.memory_space<semaphore_mem>>) src(%dma_wait3A_6 : memref<26x128xf32, #tpu.memory_space<hbm>>) dst(%arg6 : memref<100x128xf32, #tpu.memory_space<vmem>>)
      %get3A = arith.constant 0 : i32
      %get3A_7 = arith.index_cast %get3A : i32 to index
      %get3A_8 = arith.constant 0 : index
      %get3A_9 = tpu.vector_load %arg6[%get3A_7, %get3A_8] {strides = array<i32>} : memref<100x128xf32, #tpu.memory_space<vmem>>, vector<1x16xf32>,
      %get3A_10 = vector.shape_cast %get3A_9 : vector<1x16xf32> to vector<16xf32>
      %swap3A = arith.constant 0 : index
      %swap3A_11 = tpu.vector_load %arg7[%swap3A] {strides = array<i32>} : memref<1600xf32, #tpu.memory_space<vmem>>, vector<16xf32>,
      %swap3A_12 = vector.shape_cast %swap3A_11 : vector<16xf32> to vector<16xf32>
      %swap3A_13 = vector.shape_cast %get3A_10 : vector<16xf32> to vector<16xf32>
      tpu.vector_store %arg7[%swap3A], %swap3A_13 {strides = array<i32>} : memref<1600xf32, #tpu.memory_space<vmem>>, vector<16xf32>,
      %get3A_14 = arith.constant 1 : i32
      %get3A_15 = arith.index_cast %get3A_14 : i32 to index
      %get3A_16 = arith.constant 0 : index
      %get3A_17 = tpu.vector_load %arg6[%get3A_15, %get3A_16] {strides = array<i32>} : memref<100x128xf32, #tpu.memory_space<vmem>>, vector<1x16xf32>,
      %get3A_18 = vector.shape_cast %get3A_17 : vector<1x16xf32> to vector<16xf32>
      %swap3A_19 = arith.constant 16 : index
      %swap3A_20 = tpu.vector_load %arg7[%swap3A_19] {strides = array<i32>} : memref<1600xf32, #tpu.memory_space<vmem>>, vector<16xf32>,
      %swap3A_21 = vector.shape_cast %swap3A_20 : vector<16xf32> to vector<16xf32>
      %swap3A_22 = vector.shape_cast %get3A_18 : vector<16xf32> to vector<16xf32>
      tpu.vector_store %arg7[%swap3A_19], %swap3A_22 {strides = array<i32>} : memref<1600xf32, #tpu.memory_space<vmem>>, vector<16xf32>,
      %get3A_23 = arith.constant 2 : i32
      %get3A_24 = arith.index_cast %get3A_23 : i32 to index
      %get3A_25 = arith.constant 0 : index
      %get3A_26 = tpu.vector_load %arg6[%get3A_24, %get3A_25] {strides = array<i32>} : memref<100x128xf32, #tpu.memory_space<vmem>>, vector<1x16xf32>,
      %get3A_27 = vector.shape_cast %get3A_26 : vector<1x16xf32> to vector<16xf32>
      %swap3A_28 = arith.constant 32 : index
      %swap3A_29 = tpu.vector_load %arg7[%swap3A_28] {strides = array<i32>} : memref<1600xf32, #tpu.memory_space<vmem>>, vector<16xf32>,
      %swap3A_30 = vector.shape_cast %swap3A_29 : vector<16xf32> to vector<16xf32>
      %swap3A_31 = vector.shape_cast %get3A_27 : vector<16xf32> to vector<16xf32>
      tpu.vector_store %arg7[%swap3A_28], %swap3A_31 {strides = array<i32>} : memref<1600xf32, #tpu.memory_space<vmem>>, vector<16xf32>,
      %get3A_32 = arith.constant 3 : i32
      %get3A_33 = arith.index_cast %get3A_32 : i32 to index
      %get3A_34 = arith.constant 0 : index
      %get3A_35 = tpu.vector_load %arg6[%get3A_33, %get3A_34] {strides = array<i32>} : memref<100x128xf32, #tpu.memory_space<vmem>>, vector<1x16xf32>,
      %get3A_36 = vector.shape_cast %get3A_35 : vector<1x16xf32> to vector<16xf32>
      %swap3A_37 = arith.constant 48 : index
      %swap3A_38 = tpu.vector_load %arg7[%swap3A_37] {strides = array<i32>} : memref<1600xf32, #tpu.memory_space<vmem>>, vector<16xf32>,
      %swap3A_39 = vector.shape_cast %swap3A_38 : vector<16xf32> to vector<16xf32>
      %swap3A_40 = vector.shape_cast %get3A_36 : vector<16xf32> to vector<16xf32>
      tpu.vector_store %arg7[%swap3A_37], %swap3A_40 {strides = array<i32>} : memref<1600xf32, #tpu.memory_space<vmem>>, vector<16xf32>,
      %get3A_41 = arith.constant 4 : i32
      %get3A_42 = arith.index_cast %get3A_41 : i32 to index
      %get3A_43 = arith.constant 0 : index
      %get3A_44 = tpu.vector_load %arg6[%get3A_42, %get3A_43] {strides = array<i32>} : memref<100x128xf32, #tpu.memory_space<vmem>>, vector<1x16xf32>,
      %get3A_45 = vector.shape_cast %get3A_44 : vector<1x16xf32> to vector<16xf32>
      %swap3A_46 = arith.constant 64 : index
      %swap3A_47 = tpu.vector_load %arg7[%swap3A_46] {strides = array<i32>} : memref<1600xf32, #tpu.memory_space<vmem>>, vector<16xf32>,
      %swap3A_48 = vector.shape_cast %swap3A_47 : vector<16xf32> to vector<16xf32>
      %swap3A_49 = vector.shape_cast %get3A_45 : vector<16xf32> to vector<16xf32>
      tpu.vector_store %arg7[%swap3A_46], %swap3A_49 {strides = array<i32>} : memref<1600xf32, #tpu.memory_space<vmem>>, vector<16xf32>,
      %get3A_50 = arith.constant 5 : i32
      %get3A_51 = arith.index_cast %get3A_50 : i32 to index
      %get3A_52 = arith.constant 0 : index
      %get3A_53 = tpu.vector_load %arg6[%get3A_51, %get3A_52] {strides = array<i32>} : memref<100x128xf32, #tpu.memory_space<vmem>>, vector<1x16xf32>,
      %get3A_54 = vector.shape_cast %get3A_53 : vector<1x16xf32> to vector<16xf32>
      %swap3A_55 = arith.constant 80 : index
      %swap3A_56 = tpu.vector_load %arg7[%swap3A_55] {strides = array<i32>} : memref<1600xf32, #tpu.memory_space<vmem>>, vector<16xf32>,
      %swap3A_57 = vector.shape_cast %swap3A_56 : vector<16xf32> to vector<16xf32>
      %swap3A_58 = vector.shape_cast %get3A_54 : vector<16xf32> to vector<16xf32>
      tpu.vector_store %arg7[%swap3A_55], %swap3A_58 {strides = array<i32>} : memref<1600xf32, #tpu.memory_space<vmem>>, vector<16xf32>,
      %get3A_59 = arith.constant 6 : i32
      %get3A_60 = arith.index_cast %get3A_59 : i32 to index
      %get3A_61 = arith.constant 0 : index
      %get3A_62 = tpu.vector_load %arg6[%get3A_60, %get3A_61] {strides = array<i32>} : memref<100x128xf32, #tpu.memory_space<vmem>>, vector<1x16xf32>,
      %get3A_63 = vector.shape_cast %get3A_62 : vector<1x16xf32> to vector<16xf32>
      %swap3A_64 = arith.constant 96 : index
      %swap3A_65 = tpu.vector_load %arg7[%swap3A_64] {strides = array<i32>} : memref<1600xf32, #tpu.memory_space<vmem>>, vector<16xf32>,
      %swap3A_66 = vector.shape_cast %swap3A_65 : vector<16xf32> to vector<16xf32>
      %swap3A_67 = vector.shape_cast %get3A_63 : vector<16xf32> to vector<16xf32>
      tpu.vector_store %arg7[%swap3A_64], %swap3A_67 {strides = array<i32>} : memref<1600xf32, #tpu.memory_space<vmem>>, vector<16xf32>,
      %get3A_68 = arith.constant 7 : i32
      %get3A_69 = arith.index_cast %get3A_68 : i32 to index
      %get3A_70 = arith.constant 0 : index
      %get3A_71 = tpu.vector_load %arg6[%get3A_69, %get3A_70] {strides = array<i32>} : memref<100x128xf32, #tpu.memory_space<vmem>>, vector<1x16xf32>,
      %get3A_72 = vector.shape_cast %get3A_71 : vector<1x16xf32> to vector<16xf32>
      %swap3A_73 = arith.constant 112 : index
      %swap3A_74 = tpu.vector_load %arg7[%swap3A_73] {strides = array<i32>} : memref<1600xf32, #tpu.memory_space<vmem>>, vector<16xf32>,
      %swap3A_75 = vector.shape_cast %swap3A_74 : vector<16xf32> to vector<16xf32>
      %swap3A_76 = vector.shape_cast %get3A_72 : vector<16xf32> to vector<16xf32>
      tpu.vector_store %arg7[%swap3A_73], %swap3A_76 {strides = array<i32>} : memref<1600xf32, #tpu.memory_space<vmem>>, vector<16xf32>,
      %get3A_77 = arith.constant 8 : i32
      %get3A_78 = arith.index_cast %get3A_77 : i32 to index
      %get3A_79 = arith.constant 0 : index
      %get3A_80 = tpu.vector_load %arg6[%get3A_78, %get3A_79] {strides = array<i32>} : memref<100x128xf32, #tpu.memory_space<vmem>>, vector<1x16xf32>,
      %get3A_81 = vector.shape_cast %get3A_80 : vector<1x16xf32> to vector<16xf32>
      %swap3A_82 = arith.constant 128 : index
      %swap3A_83 = tpu.vector_load %arg7[%swap3A_82] {strides = array<i32>} : memref<1600xf32, #tpu.memory_space<vmem>>, vector<16xf32>,
      %swap3A_84 = vector.shape_cast %swap3A_83 : vector<16xf32> to vector<16xf32>
      %swap3A_85 = vector.shape_cast %get3A_81 : vector<16xf32> to vector<16xf32>
      tpu.vector_store %arg7[%swap3A_82], %swap3A_85 {strides = array<i32>} : memref<1600xf32, #tpu.memory_space<vmem>>, vector<16xf32>,
      %get3A_86 = arith.constant 9 : i32
      %get3A_87 = arith.index_cast %get3A_86 : i32 to index
      %get3A_88 = arith.constant 0 : index
      %get3A_89 = tpu.vector_load %arg6[%get3A_87, %get3A_88] {strides = array<i32>} : memref<100x128xf32, #tpu.memory_space<vmem>>, vector<1x16xf32>,
      %get3A_90 = vector.shape_cast %get3A_89 : vector<1x16xf32> to vector<16xf32>
      %swap3A_91 = arith.constant 144 : index
      %swap3A_92 = tpu.vector_load %arg7[%swap3A_91] {strides = array<i32>} : memref<1600xf32, #tpu.memory_space<vmem>>, vector<16xf32>,
      %swap3A_93 = vector.shape_cast %swap3A_92 : vector<16xf32> to vector<16xf32>
      %swap3A_94 = vector.shape_cast %get3A_90 : vector<16xf32> to vector<16xf32>
      tpu.vector_store %arg7[%swap3A_91], %swap3A_94 {strides = array<i32>} : memref<1600xf32, #tpu.memory_space<vmem>>, vector<16xf32>,
      %get3A_95 = arith.constant 10 : i32
      %get3A_96 = arith.index_cast %get3A_95 : i32 to index
      %get3A_97 = arith.constant 0 : index
      %get3A_98 = tpu.vector_load %arg6[%get3A_96, %get3A_97] {strides = array<i32>} : memref<100x128xf32, #tpu.memory_space<vmem>>, vector<1x16xf32>,
      %get3A_99 = vector.shape_cast %get3A_98 : vector<1x16xf32> to vector<16xf32>
      %swap3A_100 = arith.constant 160 : index
      %swap3A_101 = tpu.vector_load %arg7[%swap3A_100] {strides = array<i32>} : memref<1600xf32, #tpu.memory_space<vmem>>, vector<16xf32>,
      %swap3A_102 = vector.shape_cast %swap3A_101 : vector<16xf32> to vector<16xf32>
      %swap3A_103 = vector.shape_cast %get3A_99 : vector<16xf32> to vector<16xf32>
      tpu.vector_store %arg7[%swap3A_100], %swap3A_103 {strides = array<i32>} : memref<1600xf32, #tpu.memory_space<vmem>>, vector<16xf32>,
      %get3A_104 = arith.constant 11 : i32
      %get3A_105 = arith.index_cast %get3A_104 : i32 to index
      %get3A_106 = arith.constant 0 : index
      %get3A_107 = tpu.vector_load %arg6[%get3A_105, %get3A_106] {strides = array<i32>} : memref<100x128xf32, #tpu.memory_space<vmem>>, vector<1x16xf32>,
      %get3A_108 = vector.shape_cast %get3A_107 : vector<1x16xf32> to vector<16xf32>
      %swap3A_109 = arith.constant 176 : index
      %swap3A_110 = tpu.vector_load %arg7[%swap3A_109] {strides = array<i32>} : memref<1600xf32, #tpu.memory_space<vmem>>, vector<16xf32>,
      %swap3A_111 = vector.shape_cast %swap3A_110 : vector<16xf32> to vector<16xf32>
      %swap3A_112 = vector.shape_cast %get3A_108 : vector<16xf32> to vector<16xf32>
      tpu.vector_store %arg7[%swap3A_109], %swap3A_112 {strides = array<i32>} : memref<1600xf32, #tpu.memory_space<vmem>>, vector<16xf32>,
      %get3A_113 = arith.constant 12 : i32
      %get3A_114 = arith.index_cast %get3A_113 : i32 to index
      %get3A_115 = arith.constant 0 : index
      %get3A_116 = tpu.vector_load %arg6[%get3A_114, %get3A_115] {strides = array<i32>} : memref<100x128xf32, #tpu.memory_space<vmem>>, vector<1x16xf32>,
      %get3A_117 = vector.shape_cast %get3A_116 : vector<1x16xf32> to vector<16xf32>
      %swap3A_118 = arith.constant 192 : index
      %swap3A_119 = tpu.vector_load %arg7[%swap3A_118] {strides = array<i32>} : memref<1600xf32, #tpu.memory_space<vmem>>, vector<16xf32>,
      %swap3A_120 = vector.shape_cast %swap3A_119 : vector<16xf32> to vector<16xf32>
      %swap3A_121 = vector.shape_cast %get3A_117 : vector<16xf32> to vector<16xf32>
      tpu.vector_store %arg7[%swap3A_118], %swap3A_121 {strides = array<i32>} : memref<1600xf32, #tpu.memory_space<vmem>>, vector<16xf32>,
      %get3A_122 = arith.constant 13 : i32
      %get3A_123 = arith.index_cast %get3A_122 : i32 to index
      %get3A_124 = arith.constant 0 : index
      %get3A_125 = tpu.vector_load %arg6[%get3A_123, %get3A_124] {strides = array<i32>} : memref<100x128xf32, #tpu.memory_space<vmem>>, vector<1x16xf32>,
      %get3A_126 = vector.shape_cast %get3A_125 : vector<1x16xf32> to vector<16xf32>
      %swap3A_127 = arith.constant 208 : index
      %swap3A_128 = tpu.vector_load %arg7[%swap3A_127] {strides = array<i32>} : memref<1600xf32, #tpu.memory_space<vmem>>, vector<16xf32>,
      %swap3A_129 = vector.shape_cast %swap3A_128 : vector<16xf32> to vector<16xf32>
      %swap3A_130 = vector.shape_cast %get3A_126 : vector<16xf32> to vector<16xf32>
      tpu.vector_store %arg7[%swap3A_127], %swap3A_130 {strides = array<i32>} : memref<1600xf32, #tpu.memory_space<vmem>>, vector<16xf32>,
      %get3A_131 = arith.constant 14 : i32
      %get3A_132 = arith.index_cast %get3A_131 : i32 to index
      %get3A_133 = arith.constant 0 : index
      %get3A_134 = tpu.vector_load %arg6[%get3A_132, %get3A_133] {strides = array<i32>} : memref<100x128xf32, #tpu.memory_space<vmem>>, vector<1x16xf32>,
      %get3A_135 = vector.shape_cast %get3A_134 : vector<1x16xf32> to vector<16xf32>
      %swap3A_136 = arith.constant 224 : index
      %swap3A_137 = tpu.vector_load %arg7[%swap3A_136] {strides = array<i32>} : memref<1600xf32, #tpu.memory_space<vmem>>, vector<16xf32>,
      %swap3A_138 = vector.shape_cast %swap3A_137 : vector<16xf32> to vector<16xf32>
      %swap3A_139 = vector.shape_cast %get3A_135 : vector<16xf32> to vector<16xf32>
      tpu.vector_store %arg7[%swap3A_136], %swap3A_139 {strides = array<i32>} : memref<1600xf32, #tpu.memory_space<vmem>>, vector<16xf32>,
      %get3A_140 = arith.constant 15 : i32
      %get3A_141 = arith.index_cast %get3A_140 : i32 to index
      %get3A_142 = arith.constant 0 : index
      %get3A_143 = tpu.vector_load %arg6[%get3A_141, %get3A_142] {strides = array<i32>} : memref<100x128xf32, #tpu.memory_space<vmem>>, vector<1x16xf32>,
      %get3A_144 = vector.shape_cast %get3A_143 : vector<1x16xf32> to vector<16xf32>
      %swap3A_145 = arith.constant 240 : index
      %swap3A_146 = tpu.vector_load %arg7[%swap3A_145] {strides = array<i32>} : memref<1600xf32, #tpu.memory_space<vmem>>, vector<16xf32>,
      %swap3A_147 = vector.shape_cast %swap3A_146 : vector<16xf32> to vector<16xf32>
      %swap3A_148 = vector.shape_cast %get3A_144 : vector<16xf32> to vector<16xf32>
      tpu.vector_store %arg7[%swap3A_145], %swap3A_148 {strides = array<i32>} : memref<1600xf32, #tpu.memory_space<vmem>>, vector<16xf32>,
      %get3A_149 = arith.constant 16 : i32
      %get3A_150 = arith.index_cast %get3A_149 : i32 to index
      %get3A_151 = arith.constant 0 : index
      %get3A_152 = tpu.vector_load %arg6[%get3A_150, %get3A_151] {strides = array<i32>} : memref<100x128xf32, #tpu.memory_space<vmem>>, vector<1x16xf32>,
      %get3A_153 = vector.shape_cast %get3A_152 : vector<1x16xf32> to vector<16xf32>
      %swap3A_154 = arith.constant 256 : index
      %swap3A_155 = tpu.vector_load %arg7[%swap3A_154] {strides = array<i32>} : memref<1600xf32, #tpu.memory_space<vmem>>, vector<16xf32>,
      %swap3A_156 = vector.shape_cast %swap3A_155 : vector<16xf32> to vector<16xf32>
      %swap3A_157 = vector.shape_cast %get3A_153 : vector<16xf32> to vector<16xf32>
      tpu.vector_store %arg7[%swap3A_154], %swap3A_157 {strides = array<i32>} : memref<1600xf32, #tpu.memory_space<vmem>>, vector<16xf32>,
      %get3A_158 = arith.constant 17 : i32
      %get3A_159 = arith.index_cast %get3A_158 : i32 to index
      %get3A_160 = arith.constant 0 : index
      %get3A_161 = tpu.vector_load %arg6[%get3A_159, %get3A_160] {strides = array<i32>} : memref<100x128xf32, #tpu.memory_space<vmem>>, vector<1x16xf32>,
      %get3A_162 = vector.shape_cast %get3A_161 : vector<1x16xf32> to vector<16xf32>
      %swap3A_163 = arith.constant 272 : index
      %swap3A_164 = tpu.vector_load %arg7[%swap3A_163] {strides = array<i32>} : memref<1600xf32, #tpu.memory_space<vmem>>, vector<16xf32>,
      %swap3A_165 = vector.shape_cast %swap3A_164 : vector<16xf32> to vector<16xf32>
      %swap3A_166 = vector.shape_cast %get3A_162 : vector<16xf32> to vector<16xf32>
      tpu.vector_store %arg7[%swap3A_163], %swap3A_166 {strides = array<i32>} : memref<1600xf32, #tpu.memory_space<vmem>>, vector<16xf32>,
      %get3A_167 = arith.constant 18 : i32
      %get3A_168 = arith.index_cast %get3A_167 : i32 to index
      %get3A_169 = arith.constant 0 : index
      %get3A_170 = tpu.vector_load %arg6[%get3A_168, %get3A_169] {strides = array<i32>} : memref<100x128xf32, #tpu.memory_space<vmem>>, vector<1x16xf32>,
      %get3A_171 = vector.shape_cast %get3A_170 : vector<1x16xf32> to vector<16xf32>
      %swap3A_172 = arith.constant 288 : index
      %swap3A_173 = tpu.vector_load %arg7[%swap3A_172] {strides = array<i32>} : memref<1600xf32, #tpu.memory_space<vmem>>, vector<16xf32>,
      %swap3A_174 = vector.shape_cast %swap3A_173 : vector<16xf32> to vector<16xf32>
      %swap3A_175 = vector.shape_cast %get3A_171 : vector<16xf32> to vector<16xf32>
      tpu.vector_store %arg7[%swap3A_172], %swap3A_175 {strides = array<i32>} : memref<1600xf32, #tpu.memory_space<vmem>>, vector<16xf32>,
      %get3A_176 = arith.constant 19 : i32
      %get3A_177 = arith.index_cast %get3A_176 : i32 to index
      %get3A_178 = arith.constant 0 : index
      %get3A_179 = tpu.vector_load %arg6[%get3A_177, %get3A_178] {strides = array<i32>} : memref<100x128xf32, #tpu.memory_space<vmem>>, vector<1x16xf32>,
      %get3A_180 = vector.shape_cast %get3A_179 : vector<1x16xf32> to vector<16xf32>
      %swap3A_181 = arith.constant 304 : index
      %swap3A_182 = tpu.vector_load %arg7[%swap3A_181] {strides = array<i32>} : memref<1600xf32, #tpu.memory_space<vmem>>, vector<16xf32>,
      %swap3A_183 = vector.shape_cast %swap3A_182 : vector<16xf32> to vector<16xf32>
      %swap3A_184 = vector.shape_cast %get3A_180 : vector<16xf32> to vector<16xf32>
      tpu.vector_store %arg7[%swap3A_181], %swap3A_184 {strides = array<i32>} : memref<1600xf32, #tpu.memory_space<vmem>>, vector<16xf32>,
      %get3A_185 = arith.constant 20 : i32
      %get3A_186 = arith.index_cast %get3A_185 : i32 to index
      %get3A_187 = arith.constant 0 : index
      %get3A_188 = tpu.vector_load %arg6[%get3A_186, %get3A_187] {strides = array<i32>} : memref<100x128xf32, #tpu.memory_space<vmem>>, vector<1x16xf32>,
      %get3A_189 = vector.shape_cast %get3A_188 : vector<1x16xf32> to vector<16xf32>
      %swap3A_190 = arith.constant 320 : index
      %swap3A_191 = tpu.vector_load %arg7[%swap3A_190] {strides = array<i32>} : memref<1600xf32, #tpu.memory_space<vmem>>, vector<16xf32>,
      %swap3A_192 = vector.shape_cast %swap3A_191 : vector<16xf32> to vector<16xf32>
      %swap3A_193 = vector.shape_cast %get3A_189 : vector<16xf32> to vector<16xf32>
      tpu.vector_store %arg7[%swap3A_190], %swap3A_193 {strides = array<i32>} : memref<1600xf32, #tpu.memory_space<vmem>>, vector<16xf32>,
      %get3A_194 = arith.constant 21 : i32
      %get3A_195 = arith.index_cast %get3A_194 : i32 to index
      %get3A_196 = arith.constant 0 : index
      %get3A_197 = tpu.vector_load %arg6[%get3A_195, %get3A_196] {strides = array<i32>} : memref<100x128xf32, #tpu.memory_space<vmem>>, vector<1x16xf32>,
      %get3A_198 = vector.shape_cast %get3A_197 : vector<1x16xf32> to vector<16xf32>
      %swap3A_199 = arith.constant 336 : index
      %swap3A_200 = tpu.vector_load %arg7[%swap3A_199] {strides = array<i32>} : memref<1600xf32, #tpu.memory_space<vmem>>, vector<16xf32>,
      %swap3A_201 = vector.shape_cast %swap3A_200 : vector<16xf32> to vector<16xf32>
      %swap3A_202 = vector.shape_cast %get3A_198 : vector<16xf32> to vector<16xf32>
      tpu.vector_store %arg7[%swap3A_199], %swap3A_202 {strides = array<i32>} : memref<1600xf32, #tpu.memory_space<vmem>>, vector<16xf32>,
      %get3A_203 = arith.constant 22 : i32
      %get3A_204 = arith.index_cast %get3A_203 : i32 to index
      %get3A_205 = arith.constant 0 : index
      %get3A_206 = tpu.vector_load %arg6[%get3A_204, %get3A_205] {strides = array<i32>} : memref<100x128xf32, #tpu.memory_space<vmem>>, vector<1x16xf32>,
      %get3A_207 = vector.shape_cast %get3A_206 : vector<1x16xf32> to vector<16xf32>
      %swap3A_208 = arith.constant 352 : index
      %swap3A_209 = tpu.vector_load %arg7[%swap3A_208] {strides = array<i32>} : memref<1600xf32, #tpu.memory_space<vmem>>, vector<16xf32>,
      %swap3A_210 = vector.shape_cast %swap3A_209 : vector<16xf32> to vector<16xf32>
      %swap3A_211 = vector.shape_cast %get3A_207 : vector<16xf32> to vector<16xf32>
      tpu.vector_store %arg7[%swap3A_208], %swap3A_211 {strides = array<i32>} : memref<1600xf32, #tpu.memory_space<vmem>>, vector<16xf32>,
      %get3A_212 = arith.constant 23 : i32
      %get3A_213 = arith.index_cast %get3A_212 : i32 to index
      %get3A_214 = arith.constant 0 : index
      %get3A_215 = tpu.vector_load %arg6[%get3A_213, %get3A_214] {strides = array<i32>} : memref<100x128xf32, #tpu.memory_space<vmem>>, vector<1x16xf32>,
      %get3A_216 = vector.shape_cast %get3A_215 : vector<1x16xf32> to vector<16xf32>
      %swap3A_217 = arith.constant 368 : index
      %swap3A_218 = tpu.vector_load %arg7[%swap3A_217] {strides = array<i32>} : memref<1600xf32, #tpu.memory_space<vmem>>, vector<16xf32>,
      %swap3A_219 = vector.shape_cast %swap3A_218 : vector<16xf32> to vector<16xf32>
      %swap3A_220 = vector.shape_cast %get3A_216 : vector<16xf32> to vector<16xf32>
      tpu.vector_store %arg7[%swap3A_217], %swap3A_220 {strides = array<i32>} : memref<1600xf32, #tpu.memory_space<vmem>>, vector<16xf32>,
      %get3A_221 = arith.constant 24 : i32
      %get3A_222 = arith.index_cast %get3A_221 : i32 to index
      %get3A_223 = arith.constant 0 : index
      %get3A_224 = tpu.vector_load %arg6[%get3A_222, %get3A_223] {strides = array<i32>} : memref<100x128xf32, #tpu.memory_space<vmem>>, vector<1x16xf32>,
      %get3A_225 = vector.shape_cast %get3A_224 : vector<1x16xf32> to vector<16xf32>
      %swap3A_226 = arith.constant 384 : index
      %swap3A_227 = tpu.vector_load %arg7[%swap3A_226] {strides = array<i32>} : memref<1600xf32, #tpu.memory_space<vmem>>, vector<16xf32>,
      %swap3A_228 = vector.shape_cast %swap3A_227 : vector<16xf32> to vector<16xf32>
      %swap3A_229 = vector.shape_cast %get3A_225 : vector<16xf32> to vector<16xf32>
      tpu.vector_store %arg7[%swap3A_226], %swap3A_229 {strides = array<i32>} : memref<1600xf32, #tpu.memory_space<vmem>>, vector<16xf32>,
      %get3A_230 = arith.constant 25 : i32
      %get3A_231 = arith.index_cast %get3A_230 : i32 to index
      %get3A_232 = arith.constant 0 : index
      %get3A_233 = tpu.vector_load %arg6[%get3A_231, %get3A_232] {strides = array<i32>} : memref<100x128xf32, #tpu.memory_space<vmem>>, vector<1x16xf32>,
      %get3A_234 = vector.shape_cast %get3A_233 : vector<1x16xf32> to vector<16xf32>
      %swap3A_235 = arith.constant 400 : index
      %swap3A_236 = tpu.vector_load %arg7[%swap3A_235] {strides = array<i32>} : memref<1600xf32, #tpu.memory_space<vmem>>, vector<16xf32>,
      %swap3A_237 = vector.shape_cast %swap3A_236 : vector<16xf32> to vector<16xf32>
      %swap3A_238 = vector.shape_cast %get3A_234 : vector<16xf32> to vector<16xf32>
      tpu.vector_store %arg7[%swap3A_235], %swap3A_238 {strides = array<i32>} : memref<1600xf32, #tpu.memory_space<vmem>>, vector<16xf32>,
      %get3A_239 = arith.constant 26 : i32
      %get3A_240 = arith.index_cast %get3A_239 : i32 to index
      %get3A_241 = arith.constant 0 : index
      %get3A_242 = tpu.vector_load %arg6[%get3A_240, %get3A_241] {strides = array<i32>} : memref<100x128xf32, #tpu.memory_space<vmem>>, vector<1x16xf32>,
      %get3A_243 = vector.shape_cast %get3A_242 : vector<1x16xf32> to vector<16xf32>
      %swap3A_244 = arith.constant 416 : index
      %swap3A_245 = tpu.vector_load %arg7[%swap3A_244] {strides = array<i32>} : memref<1600xf32, #tpu.memory_space<vmem>>, vector<16xf32>,
      %swap3A_246 = vector.shape_cast %swap3A_245 : vector<16xf32> to vector<16xf32>
      %swap3A_247 = vector.shape_cast %get3A_243 : vector<16xf32> to vector<16xf32>
      tpu.vector_store %arg7[%swap3A_244], %swap3A_247 {strides = array<i32>} : memref<1600xf32, #tpu.memory_space<vmem>>, vector<16xf32>,
      %get3A_248 = arith.constant 27 : i32
      %get3A_249 = arith.index_cast %get3A_248 : i32 to index
      %get3A_250 = arith.constant 0 : index
      %get3A_251 = tpu.vector_load %arg6[%get3A_249, %get3A_250] {strides = array<i32>} : memref<100x128xf32, #tpu.memory_space<vmem>>, vector<1x16xf32>,
      %get3A_252 = vector.shape_cast %get3A_251 : vector<1x16xf32> to vector<16xf32>
      %swap3A_253 = arith.constant 432 : index
      %swap3A_254 = tpu.vector_load %arg7[%swap3A_253] {strides = array<i32>} : memref<1600xf32, #tpu.memory_space<vmem>>, vector<16xf32>,
      %swap3A_255 = vector.shape_cast %swap3A_254 : vector<16xf32> to vector<16xf32>
      %swap3A_256 = vector.shape_cast %get3A_252 : vector<16xf32> to vector<16xf32>
      tpu.vector_store %arg7[%swap3A_253], %swap3A_256 {strides = array<i32>} : memref<1600xf32, #tpu.memory_space<vmem>>, vector<16xf32>,
      %get3A_257 = arith.constant 28 : i32
      %get3A_258 = arith.index_cast %get3A_257 : i32 to index
      %get3A_259 = arith.constant 0 : index
      %get3A_260 = tpu.vector_load %arg6[%get3A_258, %get3A_259] {strides = array<i32>} : memref<100x128xf32, #tpu.memory_space<vmem>>, vector<1x16xf32>,
      %get3A_261 = vector.shape_cast %get3A_260 : vector<1x16xf32> to vector<16xf32>
      %swap3A_262 = arith.constant 448 : index
      %swap3A_263 = tpu.vector_load %arg7[%swap3A_262] {strides = array<i32>} : memref<1600xf32, #tpu.memory_space<vmem>>, vector<16xf32>,
      %swap3A_264 = vector.shape_cast %swap3A_263 : vector<16xf32> to vector<16xf32>
      %swap3A_265 = vector.shape_cast %get3A_261 : vector<16xf32> to vector<16xf32>
      tpu.vector_store %arg7[%swap3A_262], %swap3A_265 {strides = array<i32>} : memref<1600xf32, #tpu.memory_space<vmem>>, vector<16xf32>,
      %get3A_266 = arith.constant 29 : i32
      %get3A_267 = arith.index_cast %get3A_266 : i32 to index
      %get3A_268 = arith.constant 0 : index
      %get3A_269 = tpu.vector_load %arg6[%get3A_267, %get3A_268] {strides = array<i32>} : memref<100x128xf32, #tpu.memory_space<vmem>>, vector<1x16xf32>,
      %get3A_270 = vector.shape_cast %get3A_269 : vector<1x16xf32> to vector<16xf32>
      %swap3A_271 = arith.constant 464 : index
      %swap3A_272 = tpu.vector_load %arg7[%swap3A_271] {strides = array<i32>} : memref<1600xf32, #tpu.memory_space<vmem>>, vector<16xf32>,
      %swap3A_273 = vector.shape_cast %swap3A_272 : vector<16xf32> to vector<16xf32>
      %swap3A_274 = vector.shape_cast %get3A_270 : vector<16xf32> to vector<16xf32>
      tpu.vector_store %arg7[%swap3A_271], %swap3A_274 {strides = array<i32>} : memref<1600xf32, #tpu.memory_space<vmem>>, vector<16xf32>,
      %get3A_275 = arith.constant 30 : i32
      %get3A_276 = arith.index_cast %get3A_275 : i32 to index
      %get3A_277 = arith.constant 0 : index
      %get3A_278 = tpu.vector_load %arg6[%get3A_276, %get3A_277] {strides = array<i32>} : memref<100x128xf32, #tpu.memory_space<vmem>>, vector<1x16xf32>,
      %get3A_279 = vector.shape_cast %get3A_278 : vector<1x16xf32> to vector<16xf32>
      %swap3A_280 = arith.constant 480 : index
      %swap3A_281 = tpu.vector_load %arg7[%swap3A_280] {strides = array<i32>} : memref<1600xf32, #tpu.memory_space<vmem>>, vector<16xf32>,
      %swap3A_282 = vector.shape_cast %swap3A_281 : vector<16xf32> to vector<16xf32>
      %swap3A_283 = vector.shape_cast %get3A_279 : vector<16xf32> to vector<16xf32>
      tpu.vector_store %arg7[%swap3A_280], %swap3A_283 {strides = array<i32>} : memref<1600xf32, #tpu.memory_space<vmem>>, vector<16xf32>,
      %get3A_284 = arith.constant 31 : i32
      %get3A_285 = arith.index_cast %get3A_284 : i32 to index
      %get3A_286 = arith.constant 0 : index
      %get3A_287 = tpu.vector_load %arg6[%get3A_285, %get3A_286] {strides = array<i32>} : memref<100x128xf32, #tpu.memory_space<vmem>>, vector<1x16xf32>,
      %get3A_288 = vector.shape_cast %get3A_287 : vector<1x16xf32> to vector<16xf32>
      %swap3A_289 = arith.constant 496 : index
      %swap3A_290 = tpu.vector_load %arg7[%swap3A_289] {strides = array<i32>} : memref<1600xf32, #tpu.memory_space<vmem>>, vector<16xf32>,
      %swap3A_291 = vector.shape_cast %swap3A_290 : vector<16xf32> to vector<16xf32>
      %swap3A_292 = vector.shape_cast %get3A_288 : vector<16xf32> to vector<16xf32>
      tpu.vector_store %arg7[%swap3A_289], %swap3A_292 {strides = array<i32>} : memref<1600xf32, #tpu.memory_space<vmem>>, vector<16xf32>,
      %get3A_293 = arith.constant 32 : i32
      %get3A_294 = arith.index_cast %get3A_293 : i32 to index
      %get3A_295 = arith.constant 0 : index
      %get3A_296 = tpu.vector_load %arg6[%get3A_294, %get3A_295] {strides = array<i32>} : memref<100x128xf32, #tpu.memory_space<vmem>>, vector<1x16xf32>,
      %get3A_297 = vector.shape_cast %get3A_296 : vector<1x16xf32> to vector<16xf32>
      %swap3A_298 = arith.constant 512 : index
      %swap3A_299 = tpu.vector_load %arg7[%swap3A_298] {strides = array<i32>} : memref<1600xf32, #tpu.memory_space<vmem>>, vector<16xf32>,
      %swap3A_300 = vector.shape_cast %swap3A_299 : vector<16xf32> to vector<16xf32>
      %swap3A_301 = vector.shape_cast %get3A_297 : vector<16xf32> to vector<16xf32>
      tpu.vector_store %arg7[%swap3A_298], %swap3A_301 {strides = array<i32>} : memref<1600xf32, #tpu.memory_space<vmem>>, vector<16xf32>,
      %get3A_302 = arith.constant 33 : i32
      %get3A_303 = arith.index_cast %get3A_302 : i32 to index
      %get3A_304 = arith.constant 0 : index
      %get3A_305 = tpu.vector_load %arg6[%get3A_303, %get3A_304] {strides = array<i32>} : memref<100x128xf32, #tpu.memory_space<vmem>>, vector<1x16xf32>,
      %get3A_306 = vector.shape_cast %get3A_305 : vector<1x16xf32> to vector<16xf32>
      %swap3A_307 = arith.constant 528 : index
      %swap3A_308 = tpu.vector_load %arg7[%swap3A_307] {strides = array<i32>} : memref<1600xf32, #tpu.memory_space<vmem>>, vector<16xf32>,
      %swap3A_309 = vector.shape_cast %swap3A_308 : vector<16xf32> to vector<16xf32>
      %swap3A_310 = vector.shape_cast %get3A_306 : vector<16xf32> to vector<16xf32>
      tpu.vector_store %arg7[%swap3A_307], %swap3A_310 {strides = array<i32>} : memref<1600xf32, #tpu.memory_space<vmem>>, vector<16xf32>,
      %get3A_311 = arith.constant 34 : i32
      %get3A_312 = arith.index_cast %get3A_311 : i32 to index
      %get3A_313 = arith.constant 0 : index
      %get3A_314 = tpu.vector_load %arg6[%get3A_312, %get3A_313] {strides = array<i32>} : memref<100x128xf32, #tpu.memory_space<vmem>>, vector<1x16xf32>,
      %get3A_315 = vector.shape_cast %get3A_314 : vector<1x16xf32> to vector<16xf32>
      %swap3A_316 = arith.constant 544 : index
      %swap3A_317 = tpu.vector_load %arg7[%swap3A_316] {strides = array<i32>} : memref<1600xf32, #tpu.memory_space<vmem>>, vector<16xf32>,
      %swap3A_318 = vector.shape_cast %swap3A_317 : vector<16xf32> to vector<16xf32>
      %swap3A_319 = vector.shape_cast %get3A_315 : vector<16xf32> to vector<16xf32>
      tpu.vector_store %arg7[%swap3A_316], %swap3A_319 {strides = array<i32>} : memref<1600xf32, #tpu.memory_space<vmem>>, vector<16xf32>,
      %get3A_320 = arith.constant 35 : i32
      %get3A_321 = arith.index_cast %get3A_320 : i32 to index
      %get3A_322 = arith.constant 0 : index
      %get3A_323 = tpu.vector_load %arg6[%get3A_321, %get3A_322] {strides = array<i32>} : memref<100x128xf32, #tpu.memory_space<vmem>>, vector<1x16xf32>,
      %get3A_324 = vector.shape_cast %get3A_323 : vector<1x16xf32> to vector<16xf32>
      %swap3A_325 = arith.constant 560 : index
      %swap3A_326 = tpu.vector_load %arg7[%swap3A_325] {strides = array<i32>} : memref<1600xf32, #tpu.memory_space<vmem>>, vector<16xf32>,
      %swap3A_327 = vector.shape_cast %swap3A_326 : vector<16xf32> to vector<16xf32>
      %swap3A_328 = vector.shape_cast %get3A_324 : vector<16xf32> to vector<16xf32>
      tpu.vector_store %arg7[%swap3A_325], %swap3A_328 {strides = array<i32>} : memref<1600xf32, #tpu.memory_space<vmem>>, vector<16xf32>,
      %get3A_329 = arith.constant 36 : i32
      %get3A_330 = arith.index_cast %get3A_329 : i32 to index
      %get3A_331 = arith.constant 0 : index
      %get3A_332 = tpu.vector_load %arg6[%get3A_330, %get3A_331] {strides = array<i32>} : memref<100x128xf32, #tpu.memory_space<vmem>>, vector<1x16xf32>,
      %get3A_333 = vector.shape_cast %get3A_332 : vector<1x16xf32> to vector<16xf32>
      %swap3A_334 = arith.constant 576 : index
      %swap3A_335 = tpu.vector_load %arg7[%swap3A_334] {strides = array<i32>} : memref<1600xf32, #tpu.memory_space<vmem>>, vector<16xf32>,
      %swap3A_336 = vector.shape_cast %swap3A_335 : vector<16xf32> to vector<16xf32>
      %swap3A_337 = vector.shape_cast %get3A_333 : vector<16xf32> to vector<16xf32>
      tpu.vector_store %arg7[%swap3A_334], %swap3A_337 {strides = array<i32>} : memref<1600xf32, #tpu.memory_space<vmem>>, vector<16xf32>,
      %get3A_338 = arith.constant 37 : i32
      %get3A_339 = arith.index_cast %get3A_338 : i32 to index
      %get3A_340 = arith.constant 0 : index
      %get3A_341 = tpu.vector_load %arg6[%get3A_339, %get3A_340] {strides = array<i32>} : memref<100x128xf32, #tpu.memory_space<vmem>>, vector<1x16xf32>,
      %get3A_342 = vector.shape_cast %get3A_341 : vector<1x16xf32> to vector<16xf32>
      %swap3A_343 = arith.constant 592 : index
      %swap3A_344 = tpu.vector_load %arg7[%swap3A_343] {strides = array<i32>} : memref<1600xf32, #tpu.memory_space<vmem>>, vector<16xf32>,
      %swap3A_345 = vector.shape_cast %swap3A_344 : vector<16xf32> to vector<16xf32>
      %swap3A_346 = vector.shape_cast %get3A_342 : vector<16xf32> to vector<16xf32>
      tpu.vector_store %arg7[%swap3A_343], %swap3A_346 {strides = array<i32>} : memref<1600xf32, #tpu.memory_space<vmem>>, vector<16xf32>,
      %get3A_347 = arith.constant 38 : i32
      %get3A_348 = arith.index_cast %get3A_347 : i32 to index
      %get3A_349 = arith.constant 0 : index
      %get3A_350 = tpu.vector_load %arg6[%get3A_348, %get3A_349] {strides = array<i32>} : memref<100x128xf32, #tpu.memory_space<vmem>>, vector<1x16xf32>,
      %get3A_351 = vector.shape_cast %get3A_350 : vector<1x16xf32> to vector<16xf32>
      %swap3A_352 = arith.constant 608 : index
      %swap3A_353 = tpu.vector_load %arg7[%swap3A_352] {strides = array<i32>} : memref<1600xf32, #tpu.memory_space<vmem>>, vector<16xf32>,
      %swap3A_354 = vector.shape_cast %swap3A_353 : vector<16xf32> to vector<16xf32>
      %swap3A_355 = vector.shape_cast %get3A_351 : vector<16xf32> to vector<16xf32>
      tpu.vector_store %arg7[%swap3A_352], %swap3A_355 {strides = array<i32>} : memref<1600xf32, #tpu.memory_space<vmem>>, vector<16xf32>,
      %get3A_356 = arith.constant 39 : i32
      %get3A_357 = arith.index_cast %get3A_356 : i32 to index
      %get3A_358 = arith.constant 0 : index
      %get3A_359 = tpu.vector_load %arg6[%get3A_357, %get3A_358] {strides = array<i32>} : memref<100x128xf32, #tpu.memory_space<vmem>>, vector<1x16xf32>,
      %get3A_360 = vector.shape_cast %get3A_359 : vector<1x16xf32> to vector<16xf32>
      %swap3A_361 = arith.constant 624 : index
      %swap3A_362 = tpu.vector_load %arg7[%swap3A_361] {strides = array<i32>} : memref<1600xf32, #tpu.memory_space<vmem>>, vector<16xf32>,
      %swap3A_363 = vector.shape_cast %swap3A_362 : vector<16xf32> to vector<16xf32>
      %swap3A_364 = vector.shape_cast %get3A_360 : vector<16xf32> to vector<16xf32>
      tpu.vector_store %arg7[%swap3A_361], %swap3A_364 {strides = array<i32>} : memref<1600xf32, #tpu.memory_space<vmem>>, vector<16xf32>,
      %get3A_365 = arith.constant 40 : i32
      %get3A_366 = arith.index_cast %get3A_365 : i32 to index
      %get3A_367 = arith.constant 0 : index
      %get3A_368 = tpu.vector_load %arg6[%get3A_366, %get3A_367] {strides = array<i32>} : memref<100x128xf32, #tpu.memory_space<vmem>>, vector<1x16xf32>,
      %get3A_369 = vector.shape_cast %get3A_368 : vector<1x16xf32> to vector<16xf32>
      %swap3A_370 = arith.constant 640 : index
      %swap3A_371 = tpu.vector_load %arg7[%swap3A_370] {strides = array<i32>} : memref<1600xf32, #tpu.memory_space<vmem>>, vector<16xf32>,
      %swap3A_372 = vector.shape_cast %swap3A_371 : vector<16xf32> to vector<16xf32>
      %swap3A_373 = vector.shape_cast %get3A_369 : vector<16xf32> to vector<16xf32>
      tpu.vector_store %arg7[%swap3A_370], %swap3A_373 {strides = array<i32>} : memref<1600xf32, #tpu.memory_space<vmem>>, vector<16xf32>,
      %get3A_374 = arith.constant 41 : i32
      %get3A_375 = arith.index_cast %get3A_374 : i32 to index
      %get3A_376 = arith.constant 0 : index
      %get3A_377 = tpu.vector_load %arg6[%get3A_375, %get3A_376] {strides = array<i32>} : memref<100x128xf32, #tpu.memory_space<vmem>>, vector<1x16xf32>,
      %get3A_378 = vector.shape_cast %get3A_377 : vector<1x16xf32> to vector<16xf32>
      %swap3A_379 = arith.constant 656 : index
      %swap3A_380 = tpu.vector_load %arg7[%swap3A_379] {strides = array<i32>} : memref<1600xf32, #tpu.memory_space<vmem>>, vector<16xf32>,
      %swap3A_381 = vector.shape_cast %swap3A_380 : vector<16xf32> to vector<16xf32>
      %swap3A_382 = vector.shape_cast %get3A_378 : vector<16xf32> to vector<16xf32>
      tpu.vector_store %arg7[%swap3A_379], %swap3A_382 {strides = array<i32>} : memref<1600xf32, #tpu.memory_space<vmem>>, vector<16xf32>,
      %get3A_383 = arith.constant 42 : i32
      %get3A_384 = arith.index_cast %get3A_383 : i32 to index
      %get3A_385 = arith.constant 0 : index
      %get3A_386 = tpu.vector_load %arg6[%get3A_384, %get3A_385] {strides = array<i32>} : memref<100x128xf32, #tpu.memory_space<vmem>>, vector<1x16xf32>,
      %get3A_387 = vector.shape_cast %get3A_386 : vector<1x16xf32> to vector<16xf32>
      %swap3A_388 = arith.constant 672 : index
      %swap3A_389 = tpu.vector_load %arg7[%swap3A_388] {strides = array<i32>} : memref<1600xf32, #tpu.memory_space<vmem>>, vector<16xf32>,
      %swap3A_390 = vector.shape_cast %swap3A_389 : vector<16xf32> to vector<16xf32>
      %swap3A_391 = vector.shape_cast %get3A_387 : vector<16xf32> to vector<16xf32>
      tpu.vector_store %arg7[%swap3A_388], %swap3A_391 {strides = array<i32>} : memref<1600xf32, #tpu.memory_space<vmem>>, vector<16xf32>,
      %get3A_392 = arith.constant 43 : i32
      %get3A_393 = arith.index_cast %get3A_392 : i32 to index
      %get3A_394 = arith.constant 0 : index
      %get3A_395 = tpu.vector_load %arg6[%get3A_393, %get3A_394] {strides = array<i32>} : memref<100x128xf32, #tpu.memory_space<vmem>>, vector<1x16xf32>,
      %get3A_396 = vector.shape_cast %get3A_395 : vector<1x16xf32> to vector<16xf32>
      %swap3A_397 = arith.constant 688 : index
      %swap3A_398 = tpu.vector_load %arg7[%swap3A_397] {strides = array<i32>} : memref<1600xf32, #tpu.memory_space<vmem>>, vector<16xf32>,
      %swap3A_399 = vector.shape_cast %swap3A_398 : vector<16xf32> to vector<16xf32>
      %swap3A_400 = vector.shape_cast %get3A_396 : vector<16xf32> to vector<16xf32>
      tpu.vector_store %arg7[%swap3A_397], %swap3A_400 {strides = array<i32>} : memref<1600xf32, #tpu.memory_space<vmem>>, vector<16xf32>,
      %get3A_401 = arith.constant 44 : i32
      %get3A_402 = arith.index_cast %get3A_401 : i32 to index
      %get3A_403 = arith.constant 0 : index
      %get3A_404 = tpu.vector_load %arg6[%get3A_402, %get3A_403] {strides = array<i32>} : memref<100x128xf32, #tpu.memory_space<vmem>>, vector<1x16xf32>,
      %get3A_405 = vector.shape_cast %get3A_404 : vector<1x16xf32> to vector<16xf32>
      %swap3A_406 = arith.constant 704 : index
      %swap3A_407 = tpu.vector_load %arg7[%swap3A_406] {strides = array<i32>} : memref<1600xf32, #tpu.memory_space<vmem>>, vector<16xf32>,
      %swap3A_408 = vector.shape_cast %swap3A_407 : vector<16xf32> to vector<16xf32>
      %swap3A_409 = vector.shape_cast %get3A_405 : vector<16xf32> to vector<16xf32>
      tpu.vector_store %arg7[%swap3A_406], %swap3A_409 {strides = array<i32>} : memref<1600xf32, #tpu.memory_space<vmem>>, vector<16xf32>,
      %get3A_410 = arith.constant 45 : i32
      %get3A_411 = arith.index_cast %get3A_410 : i32 to index
      %get3A_412 = arith.constant 0 : index
      %get3A_413 = tpu.vector_load %arg6[%get3A_411, %get3A_412] {strides = array<i32>} : memref<100x128xf32, #tpu.memory_space<vmem>>, vector<1x16xf32>,
      %get3A_414 = vector.shape_cast %get3A_413 : vector<1x16xf32> to vector<16xf32>
      %swap3A_415 = arith.constant 720 : index
      %swap3A_416 = tpu.vector_load %arg7[%swap3A_415] {strides = array<i32>} : memref<1600xf32, #tpu.memory_space<vmem>>, vector<16xf32>,
      %swap3A_417 = vector.shape_cast %swap3A_416 : vector<16xf32> to vector<16xf32>
      %swap3A_418 = vector.shape_cast %get3A_414 : vector<16xf32> to vector<16xf32>
      tpu.vector_store %arg7[%swap3A_415], %swap3A_418 {strides = array<i32>} : memref<1600xf32, #tpu.memory_space<vmem>>, vector<16xf32>,
      %get3A_419 = arith.constant 46 : i32
      %get3A_420 = arith.index_cast %get3A_419 : i32 to index
      %get3A_421 = arith.constant 0 : index
      %get3A_422 = tpu.vector_load %arg6[%get3A_420, %get3A_421] {strides = array<i32>} : memref<100x128xf32, #tpu.memory_space<vmem>>, vector<1x16xf32>,
      %get3A_423 = vector.shape_cast %get3A_422 : vector<1x16xf32> to vector<16xf32>
      %swap3A_424 = arith.constant 736 : index
      %swap3A_425 = tpu.vector_load %arg7[%swap3A_424] {strides = array<i32>} : memref<1600xf32, #tpu.memory_space<vmem>>, vector<16xf32>,
      %swap3A_426 = vector.shape_cast %swap3A_425 : vector<16xf32> to vector<16xf32>
      %swap3A_427 = vector.shape_cast %get3A_423 : vector<16xf32> to vector<16xf32>
      tpu.vector_store %arg7[%swap3A_424], %swap3A_427 {strides = array<i32>} : memref<1600xf32, #tpu.memory_space<vmem>>, vector<16xf32>,
      %get3A_428 = arith.constant 47 : i32
      %get3A_429 = arith.index_cast %get3A_428 : i32 to index
      %get3A_430 = arith.constant 0 : index
      %get3A_431 = tpu.vector_load %arg6[%get3A_429, %get3A_430] {strides = array<i32>} : memref<100x128xf32, #tpu.memory_space<vmem>>, vector<1x16xf32>,
      %get3A_432 = vector.shape_cast %get3A_431 : vector<1x16xf32> to vector<16xf32>
      %swap3A_433 = arith.constant 752 : index
      %swap3A_434 = tpu.vector_load %arg7[%swap3A_433] {strides = array<i32>} : memref<1600xf32, #tpu.memory_space<vmem>>, vector<16xf32>,
      %swap3A_435 = vector.shape_cast %swap3A_434 : vector<16xf32> to vector<16xf32>
      %swap3A_436 = vector.shape_cast %get3A_432 : vector<16xf32> to vector<16xf32>
      tpu.vector_store %arg7[%swap3A_433], %swap3A_436 {strides = array<i32>} : memref<1600xf32, #tpu.memory_space<vmem>>, vector<16xf32>,
      %get3A_437 = arith.constant 48 : i32
      %get3A_438 = arith.index_cast %get3A_437 : i32 to index
      %get3A_439 = arith.constant 0 : index
      %get3A_440 = tpu.vector_load %arg6[%get3A_438, %get3A_439] {strides = array<i32>} : memref<100x128xf32, #tpu.memory_space<vmem>>, vector<1x16xf32>,
      %get3A_441 = vector.shape_cast %get3A_440 : vector<1x16xf32> to vector<16xf32>
      %swap3A_442 = arith.constant 768 : index
      %swap3A_443 = tpu.vector_load %arg7[%swap3A_442] {strides = array<i32>} : memref<1600xf32, #tpu.memory_space<vmem>>, vector<16xf32>,
      %swap3A_444 = vector.shape_cast %swap3A_443 : vector<16xf32> to vector<16xf32>
      %swap3A_445 = vector.shape_cast %get3A_441 : vector<16xf32> to vector<16xf32>
      tpu.vector_store %arg7[%swap3A_442], %swap3A_445 {strides = array<i32>} : memref<1600xf32, #tpu.memory_space<vmem>>, vector<16xf32>,
      %get3A_446 = arith.constant 49 : i32
      %get3A_447 = arith.index_cast %get3A_446 : i32 to index
      %get3A_448 = arith.constant 0 : index
      %get3A_449 = tpu.vector_load %arg6[%get3A_447, %get3A_448] {strides = array<i32>} : memref<100x128xf32, #tpu.memory_space<vmem>>, vector<1x16xf32>,
      %get3A_450 = vector.shape_cast %get3A_449 : vector<1x16xf32> to vector<16xf32>
      %swap3A_451 = arith.constant 784 : index
      %swap3A_452 = tpu.vector_load %arg7[%swap3A_451] {strides = array<i32>} : memref<1600xf32, #tpu.memory_space<vmem>>, vector<16xf32>,
      %swap3A_453 = vector.shape_cast %swap3A_452 : vector<16xf32> to vector<16xf32>
      %swap3A_454 = vector.shape_cast %get3A_450 : vector<16xf32> to vector<16xf32>
      tpu.vector_store %arg7[%swap3A_451], %swap3A_454 {strides = array<i32>} : memref<1600xf32, #tpu.memory_space<vmem>>, vector<16xf32>,
      %get3A_455 = arith.constant 50 : i32
      %get3A_456 = arith.index_cast %get3A_455 : i32 to index
      %get3A_457 = arith.constant 0 : index
      %get3A_458 = tpu.vector_load %arg6[%get3A_456, %get3A_457] {strides = array<i32>} : memref<100x128xf32, #tpu.memory_space<vmem>>, vector<1x16xf32>,
      %get3A_459 = vector.shape_cast %get3A_458 : vector<1x16xf32> to vector<16xf32>
      %swap3A_460 = arith.constant 800 : index
      %swap3A_461 = tpu.vector_load %arg7[%swap3A_460] {strides = array<i32>} : memref<1600xf32, #tpu.memory_space<vmem>>, vector<16xf32>,
      %swap3A_462 = vector.shape_cast %swap3A_461 : vector<16xf32> to vector<16xf32>
      %swap3A_463 = vector.shape_cast %get3A_459 : vector<16xf32> to vector<16xf32>
      tpu.vector_store %arg7[%swap3A_460], %swap3A_463 {strides = array<i32>} : memref<1600xf32, #tpu.memory_space<vmem>>, vector<16xf32>,
      %get3A_464 = arith.constant 51 : i32
      %get3A_465 = arith.index_cast %get3A_464 : i32 to index
      %get3A_466 = arith.constant 0 : index
      %get3A_467 = tpu.vector_load %arg6[%get3A_465, %get3A_466] {strides = array<i32>} : memref<100x128xf32, #tpu.memory_space<vmem>>, vector<1x16xf32>,
      %get3A_468 = vector.shape_cast %get3A_467 : vector<1x16xf32> to vector<16xf32>
      %swap3A_469 = arith.constant 816 : index
      %swap3A_470 = tpu.vector_load %arg7[%swap3A_469] {strides = array<i32>} : memref<1600xf32, #tpu.memory_space<vmem>>, vector<16xf32>,
      %swap3A_471 = vector.shape_cast %swap3A_470 : vector<16xf32> to vector<16xf32>
      %swap3A_472 = vector.shape_cast %get3A_468 : vector<16xf32> to vector<16xf32>
      tpu.vector_store %arg7[%swap3A_469], %swap3A_472 {strides = array<i32>} : memref<1600xf32, #tpu.memory_space<vmem>>, vector<16xf32>,
      %get3A_473 = arith.constant 52 : i32
      %get3A_474 = arith.index_cast %get3A_473 : i32 to index
      %get3A_475 = arith.constant 0 : index
      %get3A_476 = tpu.vector_load %arg6[%get3A_474, %get3A_475] {strides = array<i32>} : memref<100x128xf32, #tpu.memory_space<vmem>>, vector<1x16xf32>,
      %get3A_477 = vector.shape_cast %get3A_476 : vector<1x16xf32> to vector<16xf32>
      %swap3A_478 = arith.constant 832 : index
      %swap3A_479 = tpu.vector_load %arg7[%swap3A_478] {strides = array<i32>} : memref<1600xf32, #tpu.memory_space<vmem>>, vector<16xf32>,
      %swap3A_480 = vector.shape_cast %swap3A_479 : vector<16xf32> to vector<16xf32>
      %swap3A_481 = vector.shape_cast %get3A_477 : vector<16xf32> to vector<16xf32>
      tpu.vector_store %arg7[%swap3A_478], %swap3A_481 {strides = array<i32>} : memref<1600xf32, #tpu.memory_space<vmem>>, vector<16xf32>,
      %get3A_482 = arith.constant 53 : i32
      %get3A_483 = arith.index_cast %get3A_482 : i32 to index
      %get3A_484 = arith.constant 0 : index
      %get3A_485 = tpu.vector_load %arg6[%get3A_483, %get3A_484] {strides = array<i32>} : memref<100x128xf32, #tpu.memory_space<vmem>>, vector<1x16xf32>,
      %get3A_486 = vector.shape_cast %get3A_485 : vector<1x16xf32> to vector<16xf32>
      %swap3A_487 = arith.constant 848 : index
      %swap3A_488 = tpu.vector_load %arg7[%swap3A_487] {strides = array<i32>} : memref<1600xf32, #tpu.memory_space<vmem>>, vector<16xf32>,
      %swap3A_489 = vector.shape_cast %swap3A_488 : vector<16xf32> to vector<16xf32>
      %swap3A_490 = vector.shape_cast %get3A_486 : vector<16xf32> to vector<16xf32>
      tpu.vector_store %arg7[%swap3A_487], %swap3A_490 {strides = array<i32>} : memref<1600xf32, #tpu.memory_space<vmem>>, vector<16xf32>,
      %get3A_491 = arith.constant 54 : i32
      %get3A_492 = arith.index_cast %get3A_491 : i32 to index
      %get3A_493 = arith.constant 0 : index
      %get3A_494 = tpu.vector_load %arg6[%get3A_492, %get3A_493] {strides = array<i32>} : memref<100x128xf32, #tpu.memory_space<vmem>>, vector<1x16xf32>,
      %get3A_495 = vector.shape_cast %get3A_494 : vector<1x16xf32> to vector<16xf32>
      %swap3A_496 = arith.constant 864 : index
      %swap3A_497 = tpu.vector_load %arg7[%swap3A_496] {strides = array<i32>} : memref<1600xf32, #tpu.memory_space<vmem>>, vector<16xf32>,
      %swap3A_498 = vector.shape_cast %swap3A_497 : vector<16xf32> to vector<16xf32>
      %swap3A_499 = vector.shape_cast %get3A_495 : vector<16xf32> to vector<16xf32>
      tpu.vector_store %arg7[%swap3A_496], %swap3A_499 {strides = array<i32>} : memref<1600xf32, #tpu.memory_space<vmem>>, vector<16xf32>,
      %get3A_500 = arith.constant 55 : i32
      %get3A_501 = arith.index_cast %get3A_500 : i32 to index
      %get3A_502 = arith.constant 0 : index
      %get3A_503 = tpu.vector_load %arg6[%get3A_501, %get3A_502] {strides = array<i32>} : memref<100x128xf32, #tpu.memory_space<vmem>>, vector<1x16xf32>,
      %get3A_504 = vector.shape_cast %get3A_503 : vector<1x16xf32> to vector<16xf32>
      %swap3A_505 = arith.constant 880 : index
      %swap3A_506 = tpu.vector_load %arg7[%swap3A_505] {strides = array<i32>} : memref<1600xf32, #tpu.memory_space<vmem>>, vector<16xf32>,
      %swap3A_507 = vector.shape_cast %swap3A_506 : vector<16xf32> to vector<16xf32>
      %swap3A_508 = vector.shape_cast %get3A_504 : vector<16xf32> to vector<16xf32>
      tpu.vector_store %arg7[%swap3A_505], %swap3A_508 {strides = array<i32>} : memref<1600xf32, #tpu.memory_space<vmem>>, vector<16xf32>,
      %get3A_509 = arith.constant 56 : i32
      %get3A_510 = arith.index_cast %get3A_509 : i32 to index
      %get3A_511 = arith.constant 0 : index
      %get3A_512 = tpu.vector_load %arg6[%get3A_510, %get3A_511] {strides = array<i32>} : memref<100x128xf32, #tpu.memory_space<vmem>>, vector<1x16xf32>,
      %get3A_513 = vector.shape_cast %get3A_512 : vector<1x16xf32> to vector<16xf32>
      %swap3A_514 = arith.constant 896 : index
      %swap3A_515 = tpu.vector_load %arg7[%swap3A_514] {strides = array<i32>} : memref<1600xf32, #tpu.memory_space<vmem>>, vector<16xf32>,
      %swap3A_516 = vector.shape_cast %swap3A_515 : vector<16xf32> to vector<16xf32>
      %swap3A_517 = vector.shape_cast %get3A_513 : vector<16xf32> to vector<16xf32>
      tpu.vector_store %arg7[%swap3A_514], %swap3A_517 {strides = array<i32>} : memref<1600xf32, #tpu.memory_space<vmem>>, vector<16xf32>,
      %get3A_518 = arith.constant 57 : i32
      %get3A_519 = arith.index_cast %get3A_518 : i32 to index
      %get3A_520 = arith.constant 0 : index
      %get3A_521 = tpu.vector_load %arg6[%get3A_519, %get3A_520] {strides = array<i32>} : memref<100x128xf32, #tpu.memory_space<vmem>>, vector<1x16xf32>,
      %get3A_522 = vector.shape_cast %get3A_521 : vector<1x16xf32> to vector<16xf32>
      %swap3A_523 = arith.constant 912 : index
      %swap3A_524 = tpu.vector_load %arg7[%swap3A_523] {strides = array<i32>} : memref<1600xf32, #tpu.memory_space<vmem>>, vector<16xf32>,
      %swap3A_525 = vector.shape_cast %swap3A_524 : vector<16xf32> to vector<16xf32>
      %swap3A_526 = vector.shape_cast %get3A_522 : vector<16xf32> to vector<16xf32>
      tpu.vector_store %arg7[%swap3A_523], %swap3A_526 {strides = array<i32>} : memref<1600xf32, #tpu.memory_space<vmem>>, vector<16xf32>,
      %get3A_527 = arith.constant 58 : i32
      %get3A_528 = arith.index_cast %get3A_527 : i32 to index
      %get3A_529 = arith.constant 0 : index
      %get3A_530 = tpu.vector_load %arg6[%get3A_528, %get3A_529] {strides = array<i32>} : memref<100x128xf32, #tpu.memory_space<vmem>>, vector<1x16xf32>,
      %get3A_531 = vector.shape_cast %get3A_530 : vector<1x16xf32> to vector<16xf32>
      %swap3A_532 = arith.constant 928 : index
      %swap3A_533 = tpu.vector_load %arg7[%swap3A_532] {strides = array<i32>} : memref<1600xf32, #tpu.memory_space<vmem>>, vector<16xf32>,
      %swap3A_534 = vector.shape_cast %swap3A_533 : vector<16xf32> to vector<16xf32>
      %swap3A_535 = vector.shape_cast %get3A_531 : vector<16xf32> to vector<16xf32>
      tpu.vector_store %arg7[%swap3A_532], %swap3A_535 {strides = array<i32>} : memref<1600xf32, #tpu.memory_space<vmem>>, vector<16xf32>,
      %get3A_536 = arith.constant 59 : i32
      %get3A_537 = arith.index_cast %get3A_536 : i32 to index
      %get3A_538 = arith.constant 0 : index
      %get3A_539 = tpu.vector_load %arg6[%get3A_537, %get3A_538] {strides = array<i32>} : memref<100x128xf32, #tpu.memory_space<vmem>>, vector<1x16xf32>,
      %get3A_540 = vector.shape_cast %get3A_539 : vector<1x16xf32> to vector<16xf32>
      %swap3A_541 = arith.constant 944 : index
      %swap3A_542 = tpu.vector_load %arg7[%swap3A_541] {strides = array<i32>} : memref<1600xf32, #tpu.memory_space<vmem>>, vector<16xf32>,
      %swap3A_543 = vector.shape_cast %swap3A_542 : vector<16xf32> to vector<16xf32>
      %swap3A_544 = vector.shape_cast %get3A_540 : vector<16xf32> to vector<16xf32>
      tpu.vector_store %arg7[%swap3A_541], %swap3A_544 {strides = array<i32>} : memref<1600xf32, #tpu.memory_space<vmem>>, vector<16xf32>,
      %get3A_545 = arith.constant 60 : i32
      %get3A_546 = arith.index_cast %get3A_545 : i32 to index
      %get3A_547 = arith.constant 0 : index
      %get3A_548 = tpu.vector_load %arg6[%get3A_546, %get3A_547] {strides = array<i32>} : memref<100x128xf32, #tpu.memory_space<vmem>>, vector<1x16xf32>,
      %get3A_549 = vector.shape_cast %get3A_548 : vector<1x16xf32> to vector<16xf32>
      %swap3A_550 = arith.constant 960 : index
      %swap3A_551 = tpu.vector_load %arg7[%swap3A_550] {strides = array<i32>} : memref<1600xf32, #tpu.memory_space<vmem>>, vector<16xf32>,
      %swap3A_552 = vector.shape_cast %swap3A_551 : vector<16xf32> to vector<16xf32>
      %swap3A_553 = vector.shape_cast %get3A_549 : vector<16xf32> to vector<16xf32>
      tpu.vector_store %arg7[%swap3A_550], %swap3A_553 {strides = array<i32>} : memref<1600xf32, #tpu.memory_space<vmem>>, vector<16xf32>,
      %get3A_554 = arith.constant 61 : i32
      %get3A_555 = arith.index_cast %get3A_554 : i32 to index
      %get3A_556 = arith.constant 0 : index
      %get3A_557 = tpu.vector_load %arg6[%get3A_555, %get3A_556] {strides = array<i32>} : memref<100x128xf32, #tpu.memory_space<vmem>>, vector<1x16xf32>,
      %get3A_558 = vector.shape_cast %get3A_557 : vector<1x16xf32> to vector<16xf32>
      %swap3A_559 = arith.constant 976 : index
      %swap3A_560 = tpu.vector_load %arg7[%swap3A_559] {strides = array<i32>} : memref<1600xf32, #tpu.memory_space<vmem>>, vector<16xf32>,
      %swap3A_561 = vector.shape_cast %swap3A_560 : vector<16xf32> to vector<16xf32>
      %swap3A_562 = vector.shape_cast %get3A_558 : vector<16xf32> to vector<16xf32>
      tpu.vector_store %arg7[%swap3A_559], %swap3A_562 {strides = array<i32>} : memref<1600xf32, #tpu.memory_space<vmem>>, vector<16xf32>,
      %get3A_563 = arith.constant 62 : i32
      %get3A_564 = arith.index_cast %get3A_563 : i32 to index
      %get3A_565 = arith.constant 0 : index
      %get3A_566 = tpu.vector_load %arg6[%get3A_564, %get3A_565] {strides = array<i32>} : memref<100x128xf32, #tpu.memory_space<vmem>>, vector<1x16xf32>,
      %get3A_567 = vector.shape_cast %get3A_566 : vector<1x16xf32> to vector<16xf32>
      %swap3A_568 = arith.constant 992 : index
      %swap3A_569 = tpu.vector_load %arg7[%swap3A_568] {strides = array<i32>} : memref<1600xf32, #tpu.memory_space<vmem>>, vector<16xf32>,
      %swap3A_570 = vector.shape_cast %swap3A_569 : vector<16xf32> to vector<16xf32>
      %swap3A_571 = vector.shape_cast %get3A_567 : vector<16xf32> to vector<16xf32>
      tpu.vector_store %arg7[%swap3A_568], %swap3A_571 {strides = array<i32>} : memref<1600xf32, #tpu.memory_space<vmem>>, vector<16xf32>,
      %get3A_572 = arith.constant 63 : i32
      %get3A_573 = arith.index_cast %get3A_572 : i32 to index
      %get3A_574 = arith.constant 0 : index
      %get3A_575 = tpu.vector_load %arg6[%get3A_573, %get3A_574] {strides = array<i32>} : memref<100x128xf32, #tpu.memory_space<vmem>>, vector<1x16xf32>,
      %get3A_576 = vector.shape_cast %get3A_575 : vector<1x16xf32> to vector<16xf32>
      %swap3A_577 = arith.constant 1008 : index
      %swap3A_578 = tpu.vector_load %arg7[%swap3A_577] {strides = array<i32>} : memref<1600xf32, #tpu.memory_space<vmem>>, vector<16xf32>,
      %swap3A_579 = vector.shape_cast %swap3A_578 : vector<16xf32> to vector<16xf32>
      %swap3A_580 = vector.shape_cast %get3A_576 : vector<16xf32> to vector<16xf32>
      tpu.vector_store %arg7[%swap3A_577], %swap3A_580 {strides = array<i32>} : memref<1600xf32, #tpu.memory_space<vmem>>, vector<16xf32>,
      %get3A_581 = arith.constant 64 : i32
      %get3A_582 = arith.index_cast %get3A_581 : i32 to index
      %get3A_583 = arith.constant 0 : index
      %get3A_584 = tpu.vector_load %arg6[%get3A_582, %get3A_583] {strides = array<i32>} : memref<100x128xf32, #tpu.memory_space<vmem>>, vector<1x16xf32>,
      %get3A_585 = vector.shape_cast %get3A_584 : vector<1x16xf32> to vector<16xf32>
      %swap3A_586 = arith.constant 1024 : index
      %swap3A_587 = tpu.vector_load %arg7[%swap3A_586] {strides = array<i32>} : memref<1600xf32, #tpu.memory_space<vmem>>, vector<16xf32>,
      %swap3A_588 = vector.shape_cast %swap3A_587 : vector<16xf32> to vector<16xf32>
      %swap3A_589 = vector.shape_cast %get3A_585 : vector<16xf32> to vector<16xf32>
      tpu.vector_store %arg7[%swap3A_586], %swap3A_589 {strides = array<i32>} : memref<1600xf32, #tpu.memory_space<vmem>>, vector<16xf32>,
      %get3A_590 = arith.constant 65 : i32
      %get3A_591 = arith.index_cast %get3A_590 : i32 to index
      %get3A_592 = arith.constant 0 : index
      %get3A_593 = tpu.vector_load %arg6[%get3A_591, %get3A_592] {strides = array<i32>} : memref<100x128xf32, #tpu.memory_space<vmem>>, vector<1x16xf32>,
      %get3A_594 = vector.shape_cast %get3A_593 : vector<1x16xf32> to vector<16xf32>
      %swap3A_595 = arith.constant 1040 : index
      %swap3A_596 = tpu.vector_load %arg7[%swap3A_595] {strides = array<i32>} : memref<1600xf32, #tpu.memory_space<vmem>>, vector<16xf32>,
      %swap3A_597 = vector.shape_cast %swap3A_596 : vector<16xf32> to vector<16xf32>
      %swap3A_598 = vector.shape_cast %get3A_594 : vector<16xf32> to vector<16xf32>
      tpu.vector_store %arg7[%swap3A_595], %swap3A_598 {strides = array<i32>} : memref<1600xf32, #tpu.memory_space<vmem>>, vector<16xf32>,
      %get3A_599 = arith.constant 66 : i32
      %get3A_600 = arith.index_cast %get3A_599 : i32 to index
      %get3A_601 = arith.constant 0 : index
      %get3A_602 = tpu.vector_load %arg6[%get3A_600, %get3A_601] {strides = array<i32>} : memref<100x128xf32, #tpu.memory_space<vmem>>, vector<1x16xf32>,
      %get3A_603 = vector.shape_cast %get3A_602 : vector<1x16xf32> to vector<16xf32>
      %swap3A_604 = arith.constant 1056 : index
      %swap3A_605 = tpu.vector_load %arg7[%swap3A_604] {strides = array<i32>} : memref<1600xf32, #tpu.memory_space<vmem>>, vector<16xf32>,
      %swap3A_606 = vector.shape_cast %swap3A_605 : vector<16xf32> to vector<16xf32>
      %swap3A_607 = vector.shape_cast %get3A_603 : vector<16xf32> to vector<16xf32>
      tpu.vector_store %arg7[%swap3A_604], %swap3A_607 {strides = array<i32>} : memref<1600xf32, #tpu.memory_space<vmem>>, vector<16xf32>,
      %get3A_608 = arith.constant 67 : i32
      %get3A_609 = arith.index_cast %get3A_608 : i32 to index
      %get3A_610 = arith.constant 0 : index
      %get3A_611 = tpu.vector_load %arg6[%get3A_609, %get3A_610] {strides = array<i32>} : memref<100x128xf32, #tpu.memory_space<vmem>>, vector<1x16xf32>,
      %get3A_612 = vector.shape_cast %get3A_611 : vector<1x16xf32> to vector<16xf32>
      %swap3A_613 = arith.constant 1072 : index
      %swap3A_614 = tpu.vector_load %arg7[%swap3A_613] {strides = array<i32>} : memref<1600xf32, #tpu.memory_space<vmem>>, vector<16xf32>,
      %swap3A_615 = vector.shape_cast %swap3A_614 : vector<16xf32> to vector<16xf32>
      %swap3A_616 = vector.shape_cast %get3A_612 : vector<16xf32> to vector<16xf32>
      tpu.vector_store %arg7[%swap3A_613], %swap3A_616 {strides = array<i32>} : memref<1600xf32, #tpu.memory_space<vmem>>, vector<16xf32>,
      %get3A_617 = arith.constant 68 : i32
      %get3A_618 = arith.index_cast %get3A_617 : i32 to index
      %get3A_619 = arith.constant 0 : index
      %get3A_620 = tpu.vector_load %arg6[%get3A_618, %get3A_619] {strides = array<i32>} : memref<100x128xf32, #tpu.memory_space<vmem>>, vector<1x16xf32>,
      %get3A_621 = vector.shape_cast %get3A_620 : vector<1x16xf32> to vector<16xf32>
      %swap3A_622 = arith.constant 1088 : index
      %swap3A_623 = tpu.vector_load %arg7[%swap3A_622] {strides = array<i32>} : memref<1600xf32, #tpu.memory_space<vmem>>, vector<16xf32>,
      %swap3A_624 = vector.shape_cast %swap3A_623 : vector<16xf32> to vector<16xf32>
      %swap3A_625 = vector.shape_cast %get3A_621 : vector<16xf32> to vector<16xf32>
      tpu.vector_store %arg7[%swap3A_622], %swap3A_625 {strides = array<i32>} : memref<1600xf32, #tpu.memory_space<vmem>>, vector<16xf32>,
      %get3A_626 = arith.constant 69 : i32
      %get3A_627 = arith.index_cast %get3A_626 : i32 to index
      %get3A_628 = arith.constant 0 : index
      %get3A_629 = tpu.vector_load %arg6[%get3A_627, %get3A_628] {strides = array<i32>} : memref<100x128xf32, #tpu.memory_space<vmem>>, vector<1x16xf32>,
      %get3A_630 = vector.shape_cast %get3A_629 : vector<1x16xf32> to vector<16xf32>
      %swap3A_631 = arith.constant 1104 : index
      %swap3A_632 = tpu.vector_load %arg7[%swap3A_631] {strides = array<i32>} : memref<1600xf32, #tpu.memory_space<vmem>>, vector<16xf32>,
      %swap3A_633 = vector.shape_cast %swap3A_632 : vector<16xf32> to vector<16xf32>
      %swap3A_634 = vector.shape_cast %get3A_630 : vector<16xf32> to vector<16xf32>
      tpu.vector_store %arg7[%swap3A_631], %swap3A_634 {strides = array<i32>} : memref<1600xf32, #tpu.memory_space<vmem>>, vector<16xf32>,
      %get3A_635 = arith.constant 70 : i32
      %get3A_636 = arith.index_cast %get3A_635 : i32 to index
      %get3A_637 = arith.constant 0 : index
      %get3A_638 = tpu.vector_load %arg6[%get3A_636, %get3A_637] {strides = array<i32>} : memref<100x128xf32, #tpu.memory_space<vmem>>, vector<1x16xf32>,
      %get3A_639 = vector.shape_cast %get3A_638 : vector<1x16xf32> to vector<16xf32>
      %swap3A_640 = arith.constant 1120 : index
      %swap3A_641 = tpu.vector_load %arg7[%swap3A_640] {strides = array<i32>} : memref<1600xf32, #tpu.memory_space<vmem>>, vector<16xf32>,
      %swap3A_642 = vector.shape_cast %swap3A_641 : vector<16xf32> to vector<16xf32>
      %swap3A_643 = vector.shape_cast %get3A_639 : vector<16xf32> to vector<16xf32>
      tpu.vector_store %arg7[%swap3A_640], %swap3A_643 {strides = array<i32>} : memref<1600xf32, #tpu.memory_space<vmem>>, vector<16xf32>,
      %get3A_644 = arith.constant 71 : i32
      %get3A_645 = arith.index_cast %get3A_644 : i32 to index
      %get3A_646 = arith.constant 0 : index
      %get3A_647 = tpu.vector_load %arg6[%get3A_645, %get3A_646] {strides = array<i32>} : memref<100x128xf32, #tpu.memory_space<vmem>>, vector<1x16xf32>,
      %get3A_648 = vector.shape_cast %get3A_647 : vector<1x16xf32> to vector<16xf32>
      %swap3A_649 = arith.constant 1136 : index
      %swap3A_650 = tpu.vector_load %arg7[%swap3A_649] {strides = array<i32>} : memref<1600xf32, #tpu.memory_space<vmem>>, vector<16xf32>,
      %swap3A_651 = vector.shape_cast %swap3A_650 : vector<16xf32> to vector<16xf32>
      %swap3A_652 = vector.shape_cast %get3A_648 : vector<16xf32> to vector<16xf32>
      tpu.vector_store %arg7[%swap3A_649], %swap3A_652 {strides = array<i32>} : memref<1600xf32, #tpu.memory_space<vmem>>, vector<16xf32>,
      %get3A_653 = arith.constant 72 : i32
      %get3A_654 = arith.index_cast %get3A_653 : i32 to index
      %get3A_655 = arith.constant 0 : index
      %get3A_656 = tpu.vector_load %arg6[%get3A_654, %get3A_655] {strides = array<i32>} : memref<100x128xf32, #tpu.memory_space<vmem>>, vector<1x16xf32>,
      %get3A_657 = vector.shape_cast %get3A_656 : vector<1x16xf32> to vector<16xf32>
      %swap3A_658 = arith.constant 1152 : index
      %swap3A_659 = tpu.vector_load %arg7[%swap3A_658] {strides = array<i32>} : memref<1600xf32, #tpu.memory_space<vmem>>, vector<16xf32>,
      %swap3A_660 = vector.shape_cast %swap3A_659 : vector<16xf32> to vector<16xf32>
      %swap3A_661 = vector.shape_cast %get3A_657 : vector<16xf32> to vector<16xf32>
      tpu.vector_store %arg7[%swap3A_658], %swap3A_661 {strides = array<i32>} : memref<1600xf32, #tpu.memory_space<vmem>>, vector<16xf32>,
      %get3A_662 = arith.constant 73 : i32
      %get3A_663 = arith.index_cast %get3A_662 : i32 to index
      %get3A_664 = arith.constant 0 : index
      %get3A_665 = tpu.vector_load %arg6[%get3A_663, %get3A_664] {strides = array<i32>} : memref<100x128xf32, #tpu.memory_space<vmem>>, vector<1x16xf32>,
      %get3A_666 = vector.shape_cast %get3A_665 : vector<1x16xf32> to vector<16xf32>
      %swap3A_667 = arith.constant 1168 : index
      %swap3A_668 = tpu.vector_load %arg7[%swap3A_667] {strides = array<i32>} : memref<1600xf32, #tpu.memory_space<vmem>>, vector<16xf32>,
      %swap3A_669 = vector.shape_cast %swap3A_668 : vector<16xf32> to vector<16xf32>
      %swap3A_670 = vector.shape_cast %get3A_666 : vector<16xf32> to vector<16xf32>
      tpu.vector_store %arg7[%swap3A_667], %swap3A_670 {strides = array<i32>} : memref<1600xf32, #tpu.memory_space<vmem>>, vector<16xf32>,
      %get3A_671 = arith.constant 74 : i32
      %get3A_672 = arith.index_cast %get3A_671 : i32 to index
      %get3A_673 = arith.constant 0 : index
      %get3A_674 = tpu.vector_load %arg6[%get3A_672, %get3A_673] {strides = array<i32>} : memref<100x128xf32, #tpu.memory_space<vmem>>, vector<1x16xf32>,
      %get3A_675 = vector.shape_cast %get3A_674 : vector<1x16xf32> to vector<16xf32>
      %swap3A_676 = arith.constant 1184 : index
      %swap3A_677 = tpu.vector_load %arg7[%swap3A_676] {strides = array<i32>} : memref<1600xf32, #tpu.memory_space<vmem>>, vector<16xf32>,
      %swap3A_678 = vector.shape_cast %swap3A_677 : vector<16xf32> to vector<16xf32>
      %swap3A_679 = vector.shape_cast %get3A_675 : vector<16xf32> to vector<16xf32>
      tpu.vector_store %arg7[%swap3A_676], %swap3A_679 {strides = array<i32>} : memref<1600xf32, #tpu.memory_space<vmem>>, vector<16xf32>,
      %get3A_680 = arith.constant 75 : i32
      %get3A_681 = arith.index_cast %get3A_680 : i32 to index
      %get3A_682 = arith.constant 0 : index
      %get3A_683 = tpu.vector_load %arg6[%get3A_681, %get3A_682] {strides = array<i32>} : memref<100x128xf32, #tpu.memory_space<vmem>>, vector<1x16xf32>,
      %get3A_684 = vector.shape_cast %get3A_683 : vector<1x16xf32> to vector<16xf32>
      %swap3A_685 = arith.constant 1200 : index
      %swap3A_686 = tpu.vector_load %arg7[%swap3A_685] {strides = array<i32>} : memref<1600xf32, #tpu.memory_space<vmem>>, vector<16xf32>,
      %swap3A_687 = vector.shape_cast %swap3A_686 : vector<16xf32> to vector<16xf32>
      %swap3A_688 = vector.shape_cast %get3A_684 : vector<16xf32> to vector<16xf32>
      tpu.vector_store %arg7[%swap3A_685], %swap3A_688 {strides = array<i32>} : memref<1600xf32, #tpu.memory_space<vmem>>, vector<16xf32>,
      %get3A_689 = arith.constant 76 : i32
      %get3A_690 = arith.index_cast %get3A_689 : i32 to index
      %get3A_691 = arith.constant 0 : index
      %get3A_692 = tpu.vector_load %arg6[%get3A_690, %get3A_691] {strides = array<i32>} : memref<100x128xf32, #tpu.memory_space<vmem>>, vector<1x16xf32>,
      %get3A_693 = vector.shape_cast %get3A_692 : vector<1x16xf32> to vector<16xf32>
      %swap3A_694 = arith.constant 1216 : index
      %swap3A_695 = tpu.vector_load %arg7[%swap3A_694] {strides = array<i32>} : memref<1600xf32, #tpu.memory_space<vmem>>, vector<16xf32>,
      %swap3A_696 = vector.shape_cast %swap3A_695 : vector<16xf32> to vector<16xf32>
      %swap3A_697 = vector.shape_cast %get3A_693 : vector<16xf32> to vector<16xf32>
      tpu.vector_store %arg7[%swap3A_694], %swap3A_697 {strides = array<i32>} : memref<1600xf32, #tpu.memory_space<vmem>>, vector<16xf32>,
      %get3A_698 = arith.constant 77 : i32
      %get3A_699 = arith.index_cast %get3A_698 : i32 to index
      %get3A_700 = arith.constant 0 : index
      %get3A_701 = tpu.vector_load %arg6[%get3A_699, %get3A_700] {strides = array<i32>} : memref<100x128xf32, #tpu.memory_space<vmem>>, vector<1x16xf32>,
      %get3A_702 = vector.shape_cast %get3A_701 : vector<1x16xf32> to vector<16xf32>
      %swap3A_703 = arith.constant 1232 : index
      %swap3A_704 = tpu.vector_load %arg7[%swap3A_703] {strides = array<i32>} : memref<1600xf32, #tpu.memory_space<vmem>>, vector<16xf32>,
      %swap3A_705 = vector.shape_cast %swap3A_704 : vector<16xf32> to vector<16xf32>
      %swap3A_706 = vector.shape_cast %get3A_702 : vector<16xf32> to vector<16xf32>
      tpu.vector_store %arg7[%swap3A_703], %swap3A_706 {strides = array<i32>} : memref<1600xf32, #tpu.memory_space<vmem>>, vector<16xf32>,
      %get3A_707 = arith.constant 78 : i32
      %get3A_708 = arith.index_cast %get3A_707 : i32 to index
      %get3A_709 = arith.constant 0 : index
      %get3A_710 = tpu.vector_load %arg6[%get3A_708, %get3A_709] {strides = array<i32>} : memref<100x128xf32, #tpu.memory_space<vmem>>, vector<1x16xf32>,
      %get3A_711 = vector.shape_cast %get3A_710 : vector<1x16xf32> to vector<16xf32>
      %swap3A_712 = arith.constant 1248 : index
      %swap3A_713 = tpu.vector_load %arg7[%swap3A_712] {strides = array<i32>} : memref<1600xf32, #tpu.memory_space<vmem>>, vector<16xf32>,
      %swap3A_714 = vector.shape_cast %swap3A_713 : vector<16xf32> to vector<16xf32>
      %swap3A_715 = vector.shape_cast %get3A_711 : vector<16xf32> to vector<16xf32>
      tpu.vector_store %arg7[%swap3A_712], %swap3A_715 {strides = array<i32>} : memref<1600xf32, #tpu.memory_space<vmem>>, vector<16xf32>,
      %get3A_716 = arith.constant 79 : i32
      %get3A_717 = arith.index_cast %get3A_716 : i32 to index
      %get3A_718 = arith.constant 0 : index
      %get3A_719 = tpu.vector_load %arg6[%get3A_717, %get3A_718] {strides = array<i32>} : memref<100x128xf32, #tpu.memory_space<vmem>>, vector<1x16xf32>,
      %get3A_720 = vector.shape_cast %get3A_719 : vector<1x16xf32> to vector<16xf32>
      %swap3A_721 = arith.constant 1264 : index
      %swap3A_722 = tpu.vector_load %arg7[%swap3A_721] {strides = array<i32>} : memref<1600xf32, #tpu.memory_space<vmem>>, vector<16xf32>,
      %swap3A_723 = vector.shape_cast %swap3A_722 : vector<16xf32> to vector<16xf32>
      %swap3A_724 = vector.shape_cast %get3A_720 : vector<16xf32> to vector<16xf32>
      tpu.vector_store %arg7[%swap3A_721], %swap3A_724 {strides = array<i32>} : memref<1600xf32, #tpu.memory_space<vmem>>, vector<16xf32>,
      %get3A_725 = arith.constant 80 : i32
      %get3A_726 = arith.index_cast %get3A_725 : i32 to index
      %get3A_727 = arith.constant 0 : index
      %get3A_728 = tpu.vector_load %arg6[%get3A_726, %get3A_727] {strides = array<i32>} : memref<100x128xf32, #tpu.memory_space<vmem>>, vector<1x16xf32>,
      %get3A_729 = vector.shape_cast %get3A_728 : vector<1x16xf32> to vector<16xf32>
      %swap3A_730 = arith.constant 1280 : index
      %swap3A_731 = tpu.vector_load %arg7[%swap3A_730] {strides = array<i32>} : memref<1600xf32, #tpu.memory_space<vmem>>, vector<16xf32>,
      %swap3A_732 = vector.shape_cast %swap3A_731 : vector<16xf32> to vector<16xf32>
      %swap3A_733 = vector.shape_cast %get3A_729 : vector<16xf32> to vector<16xf32>
      tpu.vector_store %arg7[%swap3A_730], %swap3A_733 {strides = array<i32>} : memref<1600xf32, #tpu.memory_space<vmem>>, vector<16xf32>,
      %get3A_734 = arith.constant 81 : i32
      %get3A_735 = arith.index_cast %get3A_734 : i32 to index
      %get3A_736 = arith.constant 0 : index
      %get3A_737 = tpu.vector_load %arg6[%get3A_735, %get3A_736] {strides = array<i32>} : memref<100x128xf32, #tpu.memory_space<vmem>>, vector<1x16xf32>,
      %get3A_738 = vector.shape_cast %get3A_737 : vector<1x16xf32> to vector<16xf32>
      %swap3A_739 = arith.constant 1296 : index
      %swap3A_740 = tpu.vector_load %arg7[%swap3A_739] {strides = array<i32>} : memref<1600xf32, #tpu.memory_space<vmem>>, vector<16xf32>,
      %swap3A_741 = vector.shape_cast %swap3A_740 : vector<16xf32> to vector<16xf32>
      %swap3A_742 = vector.shape_cast %get3A_738 : vector<16xf32> to vector<16xf32>
      tpu.vector_store %arg7[%swap3A_739], %swap3A_742 {strides = array<i32>} : memref<1600xf32, #tpu.memory_space<vmem>>, vector<16xf32>,
      %get3A_743 = arith.constant 82 : i32
      %get3A_744 = arith.index_cast %get3A_743 : i32 to index
      %get3A_745 = arith.constant 0 : index
      %get3A_746 = tpu.vector_load %arg6[%get3A_744, %get3A_745] {strides = array<i32>} : memref<100x128xf32, #tpu.memory_space<vmem>>, vector<1x16xf32>,
      %get3A_747 = vector.shape_cast %get3A_746 : vector<1x16xf32> to vector<16xf32>
      %swap3A_748 = arith.constant 1312 : index
      %swap3A_749 = tpu.vector_load %arg7[%swap3A_748] {strides = array<i32>} : memref<1600xf32, #tpu.memory_space<vmem>>, vector<16xf32>,
      %swap3A_750 = vector.shape_cast %swap3A_749 : vector<16xf32> to vector<16xf32>
      %swap3A_751 = vector.shape_cast %get3A_747 : vector<16xf32> to vector<16xf32>
      tpu.vector_store %arg7[%swap3A_748], %swap3A_751 {strides = array<i32>} : memref<1600xf32, #tpu.memory_space<vmem>>, vector<16xf32>,
      %get3A_752 = arith.constant 83 : i32
      %get3A_753 = arith.index_cast %get3A_752 : i32 to index
      %get3A_754 = arith.constant 0 : index
      %get3A_755 = tpu.vector_load %arg6[%get3A_753, %get3A_754] {strides = array<i32>} : memref<100x128xf32, #tpu.memory_space<vmem>>, vector<1x16xf32>,
      %get3A_756 = vector.shape_cast %get3A_755 : vector<1x16xf32> to vector<16xf32>
      %swap3A_757 = arith.constant 1328 : index
      %swap3A_758 = tpu.vector_load %arg7[%swap3A_757] {strides = array<i32>} : memref<1600xf32, #tpu.memory_space<vmem>>, vector<16xf32>,
      %swap3A_759 = vector.shape_cast %swap3A_758 : vector<16xf32> to vector<16xf32>
      %swap3A_760 = vector.shape_cast %get3A_756 : vector<16xf32> to vector<16xf32>
      tpu.vector_store %arg7[%swap3A_757], %swap3A_760 {strides = array<i32>} : memref<1600xf32, #tpu.memory_space<vmem>>, vector<16xf32>,
      %get3A_761 = arith.constant 84 : i32
      %get3A_762 = arith.index_cast %get3A_761 : i32 to index
      %get3A_763 = arith.constant 0 : index
      %get3A_764 = tpu.vector_load %arg6[%get3A_762, %get3A_763] {strides = array<i32>} : memref<100x128xf32, #tpu.memory_space<vmem>>, vector<1x16xf32>,
      %get3A_765 = vector.shape_cast %get3A_764 : vector<1x16xf32> to vector<16xf32>
      %swap3A_766 = arith.constant 1344 : index
      %swap3A_767 = tpu.vector_load %arg7[%swap3A_766] {strides = array<i32>} : memref<1600xf32, #tpu.memory_space<vmem>>, vector<16xf32>,
      %swap3A_768 = vector.shape_cast %swap3A_767 : vector<16xf32> to vector<16xf32>
      %swap3A_769 = vector.shape_cast %get3A_765 : vector<16xf32> to vector<16xf32>
      tpu.vector_store %arg7[%swap3A_766], %swap3A_769 {strides = array<i32>} : memref<1600xf32, #tpu.memory_space<vmem>>, vector<16xf32>,
      %get3A_770 = arith.constant 85 : i32
      %get3A_771 = arith.index_cast %get3A_770 : i32 to index
      %get3A_772 = arith.constant 0 : index
      %get3A_773 = tpu.vector_load %arg6[%get3A_771, %get3A_772] {strides = array<i32>} : memref<100x128xf32, #tpu.memory_space<vmem>>, vector<1x16xf32>,
      %get3A_774 = vector.shape_cast %get3A_773 : vector<1x16xf32> to vector<16xf32>
      %swap3A_775 = arith.constant 1360 : index
      %swap3A_776 = tpu.vector_load %arg7[%swap3A_775] {strides = array<i32>} : memref<1600xf32, #tpu.memory_space<vmem>>, vector<16xf32>,
      %swap3A_777 = vector.shape_cast %swap3A_776 : vector<16xf32> to vector<16xf32>
      %swap3A_778 = vector.shape_cast %get3A_774 : vector<16xf32> to vector<16xf32>
      tpu.vector_store %arg7[%swap3A_775], %swap3A_778 {strides = array<i32>} : memref<1600xf32, #tpu.memory_space<vmem>>, vector<16xf32>,
      %get3A_779 = arith.constant 86 : i32
      %get3A_780 = arith.index_cast %get3A_779 : i32 to index
      %get3A_781 = arith.constant 0 : index
      %get3A_782 = tpu.vector_load %arg6[%get3A_780, %get3A_781] {strides = array<i32>} : memref<100x128xf32, #tpu.memory_space<vmem>>, vector<1x16xf32>,
      %get3A_783 = vector.shape_cast %get3A_782 : vector<1x16xf32> to vector<16xf32>
      %swap3A_784 = arith.constant 1376 : index
      %swap3A_785 = tpu.vector_load %arg7[%swap3A_784] {strides = array<i32>} : memref<1600xf32, #tpu.memory_space<vmem>>, vector<16xf32>,
      %swap3A_786 = vector.shape_cast %swap3A_785 : vector<16xf32> to vector<16xf32>
      %swap3A_787 = vector.shape_cast %get3A_783 : vector<16xf32> to vector<16xf32>
      tpu.vector_store %arg7[%swap3A_784], %swap3A_787 {strides = array<i32>} : memref<1600xf32, #tpu.memory_space<vmem>>, vector<16xf32>,
      %get3A_788 = arith.constant 87 : i32
      %get3A_789 = arith.index_cast %get3A_788 : i32 to index
      %get3A_790 = arith.constant 0 : index
      %get3A_791 = tpu.vector_load %arg6[%get3A_789, %get3A_790] {strides = array<i32>} : memref<100x128xf32, #tpu.memory_space<vmem>>, vector<1x16xf32>,
      %get3A_792 = vector.shape_cast %get3A_791 : vector<1x16xf32> to vector<16xf32>
      %swap3A_793 = arith.constant 1392 : index
      %swap3A_794 = tpu.vector_load %arg7[%swap3A_793] {strides = array<i32>} : memref<1600xf32, #tpu.memory_space<vmem>>, vector<16xf32>,
      %swap3A_795 = vector.shape_cast %swap3A_794 : vector<16xf32> to vector<16xf32>
      %swap3A_796 = vector.shape_cast %get3A_792 : vector<16xf32> to vector<16xf32>
      tpu.vector_store %arg7[%swap3A_793], %swap3A_796 {strides = array<i32>} : memref<1600xf32, #tpu.memory_space<vmem>>, vector<16xf32>,
      %get3A_797 = arith.constant 88 : i32
      %get3A_798 = arith.index_cast %get3A_797 : i32 to index
      %get3A_799 = arith.constant 0 : index
      %get3A_800 = tpu.vector_load %arg6[%get3A_798, %get3A_799] {strides = array<i32>} : memref<100x128xf32, #tpu.memory_space<vmem>>, vector<1x16xf32>,
      %get3A_801 = vector.shape_cast %get3A_800 : vector<1x16xf32> to vector<16xf32>
      %swap3A_802 = arith.constant 1408 : index
      %swap3A_803 = tpu.vector_load %arg7[%swap3A_802] {strides = array<i32>} : memref<1600xf32, #tpu.memory_space<vmem>>, vector<16xf32>,
      %swap3A_804 = vector.shape_cast %swap3A_803 : vector<16xf32> to vector<16xf32>
      %swap3A_805 = vector.shape_cast %get3A_801 : vector<16xf32> to vector<16xf32>
      tpu.vector_store %arg7[%swap3A_802], %swap3A_805 {strides = array<i32>} : memref<1600xf32, #tpu.memory_space<vmem>>, vector<16xf32>,
      %get3A_806 = arith.constant 89 : i32
      %get3A_807 = arith.index_cast %get3A_806 : i32 to index
      %get3A_808 = arith.constant 0 : index
      %get3A_809 = tpu.vector_load %arg6[%get3A_807, %get3A_808] {strides = array<i32>} : memref<100x128xf32, #tpu.memory_space<vmem>>, vector<1x16xf32>,
      %get3A_810 = vector.shape_cast %get3A_809 : vector<1x16xf32> to vector<16xf32>
      %swap3A_811 = arith.constant 1424 : index
      %swap3A_812 = tpu.vector_load %arg7[%swap3A_811] {strides = array<i32>} : memref<1600xf32, #tpu.memory_space<vmem>>, vector<16xf32>,
      %swap3A_813 = vector.shape_cast %swap3A_812 : vector<16xf32> to vector<16xf32>
      %swap3A_814 = vector.shape_cast %get3A_810 : vector<16xf32> to vector<16xf32>
      tpu.vector_store %arg7[%swap3A_811], %swap3A_814 {strides = array<i32>} : memref<1600xf32, #tpu.memory_space<vmem>>, vector<16xf32>,
      %get3A_815 = arith.constant 90 : i32
      %get3A_816 = arith.index_cast %get3A_815 : i32 to index
      %get3A_817 = arith.constant 0 : index
      %get3A_818 = tpu.vector_load %arg6[%get3A_816, %get3A_817] {strides = array<i32>} : memref<100x128xf32, #tpu.memory_space<vmem>>, vector<1x16xf32>,
      %get3A_819 = vector.shape_cast %get3A_818 : vector<1x16xf32> to vector<16xf32>
      %swap3A_820 = arith.constant 1440 : index
      %swap3A_821 = tpu.vector_load %arg7[%swap3A_820] {strides = array<i32>} : memref<1600xf32, #tpu.memory_space<vmem>>, vector<16xf32>,
      %swap3A_822 = vector.shape_cast %swap3A_821 : vector<16xf32> to vector<16xf32>
      %swap3A_823 = vector.shape_cast %get3A_819 : vector<16xf32> to vector<16xf32>
      tpu.vector_store %arg7[%swap3A_820], %swap3A_823 {strides = array<i32>} : memref<1600xf32, #tpu.memory_space<vmem>>, vector<16xf32>,
      %get3A_824 = arith.constant 91 : i32
      %get3A_825 = arith.index_cast %get3A_824 : i32 to index
      %get3A_826 = arith.constant 0 : index
      %get3A_827 = tpu.vector_load %arg6[%get3A_825, %get3A_826] {strides = array<i32>} : memref<100x128xf32, #tpu.memory_space<vmem>>, vector<1x16xf32>,
      %get3A_828 = vector.shape_cast %get3A_827 : vector<1x16xf32> to vector<16xf32>
      %swap3A_829 = arith.constant 1456 : index
      %swap3A_830 = tpu.vector_load %arg7[%swap3A_829] {strides = array<i32>} : memref<1600xf32, #tpu.memory_space<vmem>>, vector<16xf32>,
      %swap3A_831 = vector.shape_cast %swap3A_830 : vector<16xf32> to vector<16xf32>
      %swap3A_832 = vector.shape_cast %get3A_828 : vector<16xf32> to vector<16xf32>
      tpu.vector_store %arg7[%swap3A_829], %swap3A_832 {strides = array<i32>} : memref<1600xf32, #tpu.memory_space<vmem>>, vector<16xf32>,
      %get3A_833 = arith.constant 92 : i32
      %get3A_834 = arith.index_cast %get3A_833 : i32 to index
      %get3A_835 = arith.constant 0 : index
      %get3A_836 = tpu.vector_load %arg6[%get3A_834, %get3A_835] {strides = array<i32>} : memref<100x128xf32, #tpu.memory_space<vmem>>, vector<1x16xf32>,
      %get3A_837 = vector.shape_cast %get3A_836 : vector<1x16xf32> to vector<16xf32>
      %swap3A_838 = arith.constant 1472 : index
      %swap3A_839 = tpu.vector_load %arg7[%swap3A_838] {strides = array<i32>} : memref<1600xf32, #tpu.memory_space<vmem>>, vector<16xf32>,
      %swap3A_840 = vector.shape_cast %swap3A_839 : vector<16xf32> to vector<16xf32>
      %swap3A_841 = vector.shape_cast %get3A_837 : vector<16xf32> to vector<16xf32>
      tpu.vector_store %arg7[%swap3A_838], %swap3A_841 {strides = array<i32>} : memref<1600xf32, #tpu.memory_space<vmem>>, vector<16xf32>,
      %get3A_842 = arith.constant 93 : i32
      %get3A_843 = arith.index_cast %get3A_842 : i32 to index
      %get3A_844 = arith.constant 0 : index
      %get3A_845 = tpu.vector_load %arg6[%get3A_843, %get3A_844] {strides = array<i32>} : memref<100x128xf32, #tpu.memory_space<vmem>>, vector<1x16xf32>,
      %get3A_846 = vector.shape_cast %get3A_845 : vector<1x16xf32> to vector<16xf32>
      %swap3A_847 = arith.constant 1488 : index
      %swap3A_848 = tpu.vector_load %arg7[%swap3A_847] {strides = array<i32>} : memref<1600xf32, #tpu.memory_space<vmem>>, vector<16xf32>,
      %swap3A_849 = vector.shape_cast %swap3A_848 : vector<16xf32> to vector<16xf32>
      %swap3A_850 = vector.shape_cast %get3A_846 : vector<16xf32> to vector<16xf32>
      tpu.vector_store %arg7[%swap3A_847], %swap3A_850 {strides = array<i32>} : memref<1600xf32, #tpu.memory_space<vmem>>, vector<16xf32>,
      %get3A_851 = arith.constant 94 : i32
      %get3A_852 = arith.index_cast %get3A_851 : i32 to index
      %get3A_853 = arith.constant 0 : index
      %get3A_854 = tpu.vector_load %arg6[%get3A_852, %get3A_853] {strides = array<i32>} : memref<100x128xf32, #tpu.memory_space<vmem>>, vector<1x16xf32>,
      %get3A_855 = vector.shape_cast %get3A_854 : vector<1x16xf32> to vector<16xf32>
      %swap3A_856 = arith.constant 1504 : index
      %swap3A_857 = tpu.vector_load %arg7[%swap3A_856] {strides = array<i32>} : memref<1600xf32, #tpu.memory_space<vmem>>, vector<16xf32>,
      %swap3A_858 = vector.shape_cast %swap3A_857 : vector<16xf32> to vector<16xf32>
      %swap3A_859 = vector.shape_cast %get3A_855 : vector<16xf32> to vector<16xf32>
      tpu.vector_store %arg7[%swap3A_856], %swap3A_859 {strides = array<i32>} : memref<1600xf32, #tpu.memory_space<vmem>>, vector<16xf32>,
      %get3A_860 = arith.constant 95 : i32
      %get3A_861 = arith.index_cast %get3A_860 : i32 to index
      %get3A_862 = arith.constant 0 : index
      %get3A_863 = tpu.vector_load %arg6[%get3A_861, %get3A_862] {strides = array<i32>} : memref<100x128xf32, #tpu.memory_space<vmem>>, vector<1x16xf32>,
      %get3A_864 = vector.shape_cast %get3A_863 : vector<1x16xf32> to vector<16xf32>
      %swap3A_865 = arith.constant 1520 : index
      %swap3A_866 = tpu.vector_load %arg7[%swap3A_865] {strides = array<i32>} : memref<1600xf32, #tpu.memory_space<vmem>>, vector<16xf32>,
      %swap3A_867 = vector.shape_cast %swap3A_866 : vector<16xf32> to vector<16xf32>
      %swap3A_868 = vector.shape_cast %get3A_864 : vector<16xf32> to vector<16xf32>
      tpu.vector_store %arg7[%swap3A_865], %swap3A_868 {strides = array<i32>} : memref<1600xf32, #tpu.memory_space<vmem>>, vector<16xf32>,
      %get3A_869 = arith.constant 96 : i32
      %get3A_870 = arith.index_cast %get3A_869 : i32 to index
      %get3A_871 = arith.constant 0 : index
      %get3A_872 = tpu.vector_load %arg6[%get3A_870, %get3A_871] {strides = array<i32>} : memref<100x128xf32, #tpu.memory_space<vmem>>, vector<1x16xf32>,
      %get3A_873 = vector.shape_cast %get3A_872 : vector<1x16xf32> to vector<16xf32>
      %swap3A_874 = arith.constant 1536 : index
      %swap3A_875 = tpu.vector_load %arg7[%swap3A_874] {strides = array<i32>} : memref<1600xf32, #tpu.memory_space<vmem>>, vector<16xf32>,
      %swap3A_876 = vector.shape_cast %swap3A_875 : vector<16xf32> to vector<16xf32>
      %swap3A_877 = vector.shape_cast %get3A_873 : vector<16xf32> to vector<16xf32>
      tpu.vector_store %arg7[%swap3A_874], %swap3A_877 {strides = array<i32>} : memref<1600xf32, #tpu.memory_space<vmem>>, vector<16xf32>,
      %get3A_878 = arith.constant 97 : i32
      %get3A_879 = arith.index_cast %get3A_878 : i32 to index
      %get3A_880 = arith.constant 0 : index
      %get3A_881 = tpu.vector_load %arg6[%get3A_879, %get3A_880] {strides = array<i32>} : memref<100x128xf32, #tpu.memory_space<vmem>>, vector<1x16xf32>,
      %get3A_882 = vector.shape_cast %get3A_881 : vector<1x16xf32> to vector<16xf32>
      %swap3A_883 = arith.constant 1552 : index
      %swap3A_884 = tpu.vector_load %arg7[%swap3A_883] {strides = array<i32>} : memref<1600xf32, #tpu.memory_space<vmem>>, vector<16xf32>,
      %swap3A_885 = vector.shape_cast %swap3A_884 : vector<16xf32> to vector<16xf32>
      %swap3A_886 = vector.shape_cast %get3A_882 : vector<16xf32> to vector<16xf32>
      tpu.vector_store %arg7[%swap3A_883], %swap3A_886 {strides = array<i32>} : memref<1600xf32, #tpu.memory_space<vmem>>, vector<16xf32>,
      %get3A_887 = arith.constant 98 : i32
      %get3A_888 = arith.index_cast %get3A_887 : i32 to index
      %get3A_889 = arith.constant 0 : index
      %get3A_890 = tpu.vector_load %arg6[%get3A_888, %get3A_889] {strides = array<i32>} : memref<100x128xf32, #tpu.memory_space<vmem>>, vector<1x16xf32>,
      %get3A_891 = vector.shape_cast %get3A_890 : vector<1x16xf32> to vector<16xf32>
      %swap3A_892 = arith.constant 1568 : index
      %swap3A_893 = tpu.vector_load %arg7[%swap3A_892] {strides = array<i32>} : memref<1600xf32, #tpu.memory_space<vmem>>, vector<16xf32>,
      %swap3A_894 = vector.shape_cast %swap3A_893 : vector<16xf32> to vector<16xf32>
      %swap3A_895 = vector.shape_cast %get3A_891 : vector<16xf32> to vector<16xf32>
      tpu.vector_store %arg7[%swap3A_892], %swap3A_895 {strides = array<i32>} : memref<1600xf32, #tpu.memory_space<vmem>>, vector<16xf32>,
      %get3A_896 = arith.constant 99 : i32
      %get3A_897 = arith.index_cast %get3A_896 : i32 to index
      %get3A_898 = arith.constant 0 : index
      %get3A_899 = tpu.vector_load %arg6[%get3A_897, %get3A_898] {strides = array<i32>} : memref<100x128xf32, #tpu.memory_space<vmem>>, vector<1x16xf32>,
      %get3A_900 = vector.shape_cast %get3A_899 : vector<1x16xf32> to vector<16xf32>
      %swap3A_901 = arith.constant 1584 : index
      %swap3A_902 = tpu.vector_load %arg7[%swap3A_901] {strides = array<i32>} : memref<1600xf32, #tpu.memory_space<vmem>>, vector<16xf32>,
      %swap3A_903 = vector.shape_cast %swap3A_902 : vector<16xf32> to vector<16xf32>
      %swap3A_904 = vector.shape_cast %get3A_900 : vector<16xf32> to vector<16xf32>
      tpu.vector_store %arg7[%swap3A_901], %swap3A_904 {strides = array<i32>} : memref<1600xf32, #tpu.memory_space<vmem>>, vector<16xf32>,
      tpu.enqueue_dma source(%arg7 : memref<1600xf32, #tpu.memory_space<vmem>>) target(%arg4 : memref<1600xf32, #tpu.memory_space<hbm>>) target_semaphore(%arg9 : memref<!tpu.dma_semaphore, #tpu.memory_space<semaphore_mem>>)
      tpu.wait_dma2 semaphore(%arg9 : memref<!tpu.dma_semaphore, #tpu.memory_space<semaphore_mem>>) src(%arg7 : memref<1600xf32, #tpu.memory_space<vmem>>) dst(%arg4 : memref<1600xf32, #tpu.memory_space<hbm>>)
    } else {
    }
    return
  }
}

module attributes {stable_mosaic.version = 14 : i64} {
  func.func @_tc_body(%arg0: i32, %arg1: memref<100x16xf32, #tpu.memory_space<vmem>>, %arg2: memref<100x2048xf32, #tpu.memory_space<vmem>>, %arg3: memref<100x16x2048xf32, #tpu.memory_space<vmem>>, %arg4: memref<16x100xf32, #tpu.memory_space<vmem>>) attributes {dimension_semantics = [#tpu.dimension_semantics<arbitrary>], iteration_bounds = array<i64: 8>, scalar_prefetch = 0 : i64, scratch_operands = 1 : i64, tpu.core_type = #tpu.core_type<tc>, window_params = [{pipeline_mode = #tpu.pipeline_mode<synchronous>, transform_indices = @transform_0, window_bounds = array<i64: 100, 16>}, {transform_indices = @transform_1, window_bounds = array<i64: 100, 2048>}, {transform_indices = @transform_2, window_bounds = array<i64: 100, 16, 2048>}]} {
    %eq3A = arith.constant 0 : i32
    %eq3A_0 = arith.cmpi eq, %arg0, %eq3A : i32
    %convert_element_type3A = arith.extui %eq3A_0 : i1 to i32
    %cond3A = arith.constant 0 : i32
    %cond3A_1 = arith.cmpi ne, %convert_element_type3A, %cond3A : i32
    scf.if %cond3A_1 {
      %get3A_1499 = arith.constant 0 : index
      %get3A_1500 = arith.constant 0 : index
      %get3A_1501 = vector.load %arg1[%get3A_1499, %get3A_1500] : memref<100x16xf32, #tpu.memory_space<vmem>>, vector<100x16xf32>
      %transpose3A = tpu.transpose %get3A_1501, [1, 0] : vector<100x16xf32> -> vector<16x100xf32>
      %swap3A_1502 = arith.constant 0 : index
      %swap3A_1503 = arith.constant 0 : index
      %swap3A_1504 = vector.load %arg4[%swap3A_1502, %swap3A_1503] : memref<16x100xf32, #tpu.memory_space<vmem>>, vector<16x100xf32>
      tpu.vector_store %arg4[%swap3A_1502, %swap3A_1503], %transpose3A {strides = array<i32>} : memref<16x100xf32, #tpu.memory_space<vmem>>, vector<16x100xf32>,
    } else {
    }
    %get3A = arith.constant 0 : index
    %get3A_2 = arith.constant 0 : index
    %get3A_3 = vector.load %arg2[%get3A, %get3A_2] : memref<100x2048xf32, #tpu.memory_space<vmem>>, vector<1x2048xf32>
    %get3A_4 = arith.constant 0 : index
    %get3A_5 = arith.constant 0 : index
    %get3A_6 = vector.load %arg4[%get3A_4, %get3A_5] : memref<16x100xf32, #tpu.memory_space<vmem>>, vector<16x1xf32>
    %mul3A = vector.broadcast %get3A_6 : vector<16x1xf32> to vector<16x2048xf32>
    %mul3A_7 = vector.broadcast %get3A_3 : vector<1x2048xf32> to vector<16x2048xf32>
    %mul3A_8 = arith.mulf %mul3A, %mul3A_7 : vector<16x2048xf32>
    %swap3A = arith.constant 0 : index
    %swap3A_9 = arith.constant 0 : index
    %swap3A_10 = arith.constant 0 : index
    %swap3A_11 = vector.load %arg3[%swap3A, %swap3A_9, %swap3A_10] : memref<100x16x2048xf32, #tpu.memory_space<vmem>>, vector<1x16x2048xf32>
    %swap3A_12 = vector.shape_cast %swap3A_11 : vector<1x16x2048xf32> to vector<16x2048xf32>
    %swap3A_13 = vector.shape_cast %mul3A_8 : vector<16x2048xf32> to vector<1x16x2048xf32>
    tpu.vector_store %arg3[%swap3A, %swap3A_9, %swap3A_10], %swap3A_13 {strides = array<i32>} : memref<100x16x2048xf32, #tpu.memory_space<vmem>>, vector<1x16x2048xf32>,
    %get3A_14 = arith.constant 1 : index
    %get3A_15 = arith.constant 0 : index
    %get3A_16 = vector.load %arg2[%get3A_14, %get3A_15] : memref<100x2048xf32, #tpu.memory_space<vmem>>, vector<1x2048xf32>
    %get3A_17 = arith.constant 0 : index
    %get3A_18 = arith.constant 1 : index
    %get3A_19 = vector.load %arg4[%get3A_17, %get3A_18] : memref<16x100xf32, #tpu.memory_space<vmem>>, vector<16x1xf32>
    %mul3A_20 = vector.broadcast %get3A_19 : vector<16x1xf32> to vector<16x2048xf32>
    %mul3A_21 = vector.broadcast %get3A_16 : vector<1x2048xf32> to vector<16x2048xf32>
    %mul3A_22 = arith.mulf %mul3A_20, %mul3A_21 : vector<16x2048xf32>
    %swap3A_23 = arith.constant 1 : index
    %swap3A_24 = arith.constant 0 : index
    %swap3A_25 = arith.constant 0 : index
    %swap3A_26 = vector.load %arg3[%swap3A_23, %swap3A_24, %swap3A_25] : memref<100x16x2048xf32, #tpu.memory_space<vmem>>, vector<1x16x2048xf32>
    %swap3A_27 = vector.shape_cast %swap3A_26 : vector<1x16x2048xf32> to vector<16x2048xf32>
    %swap3A_28 = vector.shape_cast %mul3A_22 : vector<16x2048xf32> to vector<1x16x2048xf32>
    tpu.vector_store %arg3[%swap3A_23, %swap3A_24, %swap3A_25], %swap3A_28 {strides = array<i32>} : memref<100x16x2048xf32, #tpu.memory_space<vmem>>, vector<1x16x2048xf32>,
    %get3A_29 = arith.constant 2 : index
    %get3A_30 = arith.constant 0 : index
    %get3A_31 = vector.load %arg2[%get3A_29, %get3A_30] : memref<100x2048xf32, #tpu.memory_space<vmem>>, vector<1x2048xf32>
    %get3A_32 = arith.constant 0 : index
    %get3A_33 = arith.constant 2 : index
    %get3A_34 = vector.load %arg4[%get3A_32, %get3A_33] : memref<16x100xf32, #tpu.memory_space<vmem>>, vector<16x1xf32>
    %mul3A_35 = vector.broadcast %get3A_34 : vector<16x1xf32> to vector<16x2048xf32>
    %mul3A_36 = vector.broadcast %get3A_31 : vector<1x2048xf32> to vector<16x2048xf32>
    %mul3A_37 = arith.mulf %mul3A_35, %mul3A_36 : vector<16x2048xf32>
    %swap3A_38 = arith.constant 2 : index
    %swap3A_39 = arith.constant 0 : index
    %swap3A_40 = arith.constant 0 : index
    %swap3A_41 = vector.load %arg3[%swap3A_38, %swap3A_39, %swap3A_40] : memref<100x16x2048xf32, #tpu.memory_space<vmem>>, vector<1x16x2048xf32>
    %swap3A_42 = vector.shape_cast %swap3A_41 : vector<1x16x2048xf32> to vector<16x2048xf32>
    %swap3A_43 = vector.shape_cast %mul3A_37 : vector<16x2048xf32> to vector<1x16x2048xf32>
    tpu.vector_store %arg3[%swap3A_38, %swap3A_39, %swap3A_40], %swap3A_43 {strides = array<i32>} : memref<100x16x2048xf32, #tpu.memory_space<vmem>>, vector<1x16x2048xf32>,
    %get3A_44 = arith.constant 3 : index
    %get3A_45 = arith.constant 0 : index
    %get3A_46 = vector.load %arg2[%get3A_44, %get3A_45] : memref<100x2048xf32, #tpu.memory_space<vmem>>, vector<1x2048xf32>
    %get3A_47 = arith.constant 0 : index
    %get3A_48 = arith.constant 3 : index
    %get3A_49 = vector.load %arg4[%get3A_47, %get3A_48] : memref<16x100xf32, #tpu.memory_space<vmem>>, vector<16x1xf32>
    %mul3A_50 = vector.broadcast %get3A_49 : vector<16x1xf32> to vector<16x2048xf32>
    %mul3A_51 = vector.broadcast %get3A_46 : vector<1x2048xf32> to vector<16x2048xf32>
    %mul3A_52 = arith.mulf %mul3A_50, %mul3A_51 : vector<16x2048xf32>
    %swap3A_53 = arith.constant 3 : index
    %swap3A_54 = arith.constant 0 : index
    %swap3A_55 = arith.constant 0 : index
    %swap3A_56 = vector.load %arg3[%swap3A_53, %swap3A_54, %swap3A_55] : memref<100x16x2048xf32, #tpu.memory_space<vmem>>, vector<1x16x2048xf32>
    %swap3A_57 = vector.shape_cast %swap3A_56 : vector<1x16x2048xf32> to vector<16x2048xf32>
    %swap3A_58 = vector.shape_cast %mul3A_52 : vector<16x2048xf32> to vector<1x16x2048xf32>
    tpu.vector_store %arg3[%swap3A_53, %swap3A_54, %swap3A_55], %swap3A_58 {strides = array<i32>} : memref<100x16x2048xf32, #tpu.memory_space<vmem>>, vector<1x16x2048xf32>,
    %get3A_59 = arith.constant 4 : index
    %get3A_60 = arith.constant 0 : index
    %get3A_61 = vector.load %arg2[%get3A_59, %get3A_60] : memref<100x2048xf32, #tpu.memory_space<vmem>>, vector<1x2048xf32>
    %get3A_62 = arith.constant 0 : index
    %get3A_63 = arith.constant 4 : index
    %get3A_64 = vector.load %arg4[%get3A_62, %get3A_63] : memref<16x100xf32, #tpu.memory_space<vmem>>, vector<16x1xf32>
    %mul3A_65 = vector.broadcast %get3A_64 : vector<16x1xf32> to vector<16x2048xf32>
    %mul3A_66 = vector.broadcast %get3A_61 : vector<1x2048xf32> to vector<16x2048xf32>
    %mul3A_67 = arith.mulf %mul3A_65, %mul3A_66 : vector<16x2048xf32>
    %swap3A_68 = arith.constant 4 : index
    %swap3A_69 = arith.constant 0 : index
    %swap3A_70 = arith.constant 0 : index
    %swap3A_71 = vector.load %arg3[%swap3A_68, %swap3A_69, %swap3A_70] : memref<100x16x2048xf32, #tpu.memory_space<vmem>>, vector<1x16x2048xf32>
    %swap3A_72 = vector.shape_cast %swap3A_71 : vector<1x16x2048xf32> to vector<16x2048xf32>
    %swap3A_73 = vector.shape_cast %mul3A_67 : vector<16x2048xf32> to vector<1x16x2048xf32>
    tpu.vector_store %arg3[%swap3A_68, %swap3A_69, %swap3A_70], %swap3A_73 {strides = array<i32>} : memref<100x16x2048xf32, #tpu.memory_space<vmem>>, vector<1x16x2048xf32>,
    %get3A_74 = arith.constant 5 : index
    %get3A_75 = arith.constant 0 : index
    %get3A_76 = vector.load %arg2[%get3A_74, %get3A_75] : memref<100x2048xf32, #tpu.memory_space<vmem>>, vector<1x2048xf32>
    %get3A_77 = arith.constant 0 : index
    %get3A_78 = arith.constant 5 : index
    %get3A_79 = vector.load %arg4[%get3A_77, %get3A_78] : memref<16x100xf32, #tpu.memory_space<vmem>>, vector<16x1xf32>
    %mul3A_80 = vector.broadcast %get3A_79 : vector<16x1xf32> to vector<16x2048xf32>
    %mul3A_81 = vector.broadcast %get3A_76 : vector<1x2048xf32> to vector<16x2048xf32>
    %mul3A_82 = arith.mulf %mul3A_80, %mul3A_81 : vector<16x2048xf32>
    %swap3A_83 = arith.constant 5 : index
    %swap3A_84 = arith.constant 0 : index
    %swap3A_85 = arith.constant 0 : index
    %swap3A_86 = vector.load %arg3[%swap3A_83, %swap3A_84, %swap3A_85] : memref<100x16x2048xf32, #tpu.memory_space<vmem>>, vector<1x16x2048xf32>
    %swap3A_87 = vector.shape_cast %swap3A_86 : vector<1x16x2048xf32> to vector<16x2048xf32>
    %swap3A_88 = vector.shape_cast %mul3A_82 : vector<16x2048xf32> to vector<1x16x2048xf32>
    tpu.vector_store %arg3[%swap3A_83, %swap3A_84, %swap3A_85], %swap3A_88 {strides = array<i32>} : memref<100x16x2048xf32, #tpu.memory_space<vmem>>, vector<1x16x2048xf32>,
    %get3A_89 = arith.constant 6 : index
    %get3A_90 = arith.constant 0 : index
    %get3A_91 = vector.load %arg2[%get3A_89, %get3A_90] : memref<100x2048xf32, #tpu.memory_space<vmem>>, vector<1x2048xf32>
    %get3A_92 = arith.constant 0 : index
    %get3A_93 = arith.constant 6 : index
    %get3A_94 = vector.load %arg4[%get3A_92, %get3A_93] : memref<16x100xf32, #tpu.memory_space<vmem>>, vector<16x1xf32>
    %mul3A_95 = vector.broadcast %get3A_94 : vector<16x1xf32> to vector<16x2048xf32>
    %mul3A_96 = vector.broadcast %get3A_91 : vector<1x2048xf32> to vector<16x2048xf32>
    %mul3A_97 = arith.mulf %mul3A_95, %mul3A_96 : vector<16x2048xf32>
    %swap3A_98 = arith.constant 6 : index
    %swap3A_99 = arith.constant 0 : index
    %swap3A_100 = arith.constant 0 : index
    %swap3A_101 = vector.load %arg3[%swap3A_98, %swap3A_99, %swap3A_100] : memref<100x16x2048xf32, #tpu.memory_space<vmem>>, vector<1x16x2048xf32>
    %swap3A_102 = vector.shape_cast %swap3A_101 : vector<1x16x2048xf32> to vector<16x2048xf32>
    %swap3A_103 = vector.shape_cast %mul3A_97 : vector<16x2048xf32> to vector<1x16x2048xf32>
    tpu.vector_store %arg3[%swap3A_98, %swap3A_99, %swap3A_100], %swap3A_103 {strides = array<i32>} : memref<100x16x2048xf32, #tpu.memory_space<vmem>>, vector<1x16x2048xf32>,
    %get3A_104 = arith.constant 7 : index
    %get3A_105 = arith.constant 0 : index
    %get3A_106 = vector.load %arg2[%get3A_104, %get3A_105] : memref<100x2048xf32, #tpu.memory_space<vmem>>, vector<1x2048xf32>
    %get3A_107 = arith.constant 0 : index
    %get3A_108 = arith.constant 7 : index
    %get3A_109 = vector.load %arg4[%get3A_107, %get3A_108] : memref<16x100xf32, #tpu.memory_space<vmem>>, vector<16x1xf32>
    %mul3A_110 = vector.broadcast %get3A_109 : vector<16x1xf32> to vector<16x2048xf32>
    %mul3A_111 = vector.broadcast %get3A_106 : vector<1x2048xf32> to vector<16x2048xf32>
    %mul3A_112 = arith.mulf %mul3A_110, %mul3A_111 : vector<16x2048xf32>
    %swap3A_113 = arith.constant 7 : index
    %swap3A_114 = arith.constant 0 : index
    %swap3A_115 = arith.constant 0 : index
    %swap3A_116 = vector.load %arg3[%swap3A_113, %swap3A_114, %swap3A_115] : memref<100x16x2048xf32, #tpu.memory_space<vmem>>, vector<1x16x2048xf32>
    %swap3A_117 = vector.shape_cast %swap3A_116 : vector<1x16x2048xf32> to vector<16x2048xf32>
    %swap3A_118 = vector.shape_cast %mul3A_112 : vector<16x2048xf32> to vector<1x16x2048xf32>
    tpu.vector_store %arg3[%swap3A_113, %swap3A_114, %swap3A_115], %swap3A_118 {strides = array<i32>} : memref<100x16x2048xf32, #tpu.memory_space<vmem>>, vector<1x16x2048xf32>,
    %get3A_119 = arith.constant 8 : index
    %get3A_120 = arith.constant 0 : index
    %get3A_121 = vector.load %arg2[%get3A_119, %get3A_120] : memref<100x2048xf32, #tpu.memory_space<vmem>>, vector<1x2048xf32>
    %get3A_122 = arith.constant 0 : index
    %get3A_123 = arith.constant 8 : index
    %get3A_124 = vector.load %arg4[%get3A_122, %get3A_123] : memref<16x100xf32, #tpu.memory_space<vmem>>, vector<16x1xf32>
    %mul3A_125 = vector.broadcast %get3A_124 : vector<16x1xf32> to vector<16x2048xf32>
    %mul3A_126 = vector.broadcast %get3A_121 : vector<1x2048xf32> to vector<16x2048xf32>
    %mul3A_127 = arith.mulf %mul3A_125, %mul3A_126 : vector<16x2048xf32>
    %swap3A_128 = arith.constant 8 : index
    %swap3A_129 = arith.constant 0 : index
    %swap3A_130 = arith.constant 0 : index
    %swap3A_131 = vector.load %arg3[%swap3A_128, %swap3A_129, %swap3A_130] : memref<100x16x2048xf32, #tpu.memory_space<vmem>>, vector<1x16x2048xf32>
    %swap3A_132 = vector.shape_cast %swap3A_131 : vector<1x16x2048xf32> to vector<16x2048xf32>
    %swap3A_133 = vector.shape_cast %mul3A_127 : vector<16x2048xf32> to vector<1x16x2048xf32>
    tpu.vector_store %arg3[%swap3A_128, %swap3A_129, %swap3A_130], %swap3A_133 {strides = array<i32>} : memref<100x16x2048xf32, #tpu.memory_space<vmem>>, vector<1x16x2048xf32>,
    %get3A_134 = arith.constant 9 : index
    %get3A_135 = arith.constant 0 : index
    %get3A_136 = vector.load %arg2[%get3A_134, %get3A_135] : memref<100x2048xf32, #tpu.memory_space<vmem>>, vector<1x2048xf32>
    %get3A_137 = arith.constant 0 : index
    %get3A_138 = arith.constant 9 : index
    %get3A_139 = vector.load %arg4[%get3A_137, %get3A_138] : memref<16x100xf32, #tpu.memory_space<vmem>>, vector<16x1xf32>
    %mul3A_140 = vector.broadcast %get3A_139 : vector<16x1xf32> to vector<16x2048xf32>
    %mul3A_141 = vector.broadcast %get3A_136 : vector<1x2048xf32> to vector<16x2048xf32>
    %mul3A_142 = arith.mulf %mul3A_140, %mul3A_141 : vector<16x2048xf32>
    %swap3A_143 = arith.constant 9 : index
    %swap3A_144 = arith.constant 0 : index
    %swap3A_145 = arith.constant 0 : index
    %swap3A_146 = vector.load %arg3[%swap3A_143, %swap3A_144, %swap3A_145] : memref<100x16x2048xf32, #tpu.memory_space<vmem>>, vector<1x16x2048xf32>
    %swap3A_147 = vector.shape_cast %swap3A_146 : vector<1x16x2048xf32> to vector<16x2048xf32>
    %swap3A_148 = vector.shape_cast %mul3A_142 : vector<16x2048xf32> to vector<1x16x2048xf32>
    tpu.vector_store %arg3[%swap3A_143, %swap3A_144, %swap3A_145], %swap3A_148 {strides = array<i32>} : memref<100x16x2048xf32, #tpu.memory_space<vmem>>, vector<1x16x2048xf32>,
    %get3A_149 = arith.constant 10 : index
    %get3A_150 = arith.constant 0 : index
    %get3A_151 = vector.load %arg2[%get3A_149, %get3A_150] : memref<100x2048xf32, #tpu.memory_space<vmem>>, vector<1x2048xf32>
    %get3A_152 = arith.constant 0 : index
    %get3A_153 = arith.constant 10 : index
    %get3A_154 = vector.load %arg4[%get3A_152, %get3A_153] : memref<16x100xf32, #tpu.memory_space<vmem>>, vector<16x1xf32>
    %mul3A_155 = vector.broadcast %get3A_154 : vector<16x1xf32> to vector<16x2048xf32>
    %mul3A_156 = vector.broadcast %get3A_151 : vector<1x2048xf32> to vector<16x2048xf32>
    %mul3A_157 = arith.mulf %mul3A_155, %mul3A_156 : vector<16x2048xf32>
    %swap3A_158 = arith.constant 10 : index
    %swap3A_159 = arith.constant 0 : index
    %swap3A_160 = arith.constant 0 : index
    %swap3A_161 = vector.load %arg3[%swap3A_158, %swap3A_159, %swap3A_160] : memref<100x16x2048xf32, #tpu.memory_space<vmem>>, vector<1x16x2048xf32>
    %swap3A_162 = vector.shape_cast %swap3A_161 : vector<1x16x2048xf32> to vector<16x2048xf32>
    %swap3A_163 = vector.shape_cast %mul3A_157 : vector<16x2048xf32> to vector<1x16x2048xf32>
    tpu.vector_store %arg3[%swap3A_158, %swap3A_159, %swap3A_160], %swap3A_163 {strides = array<i32>} : memref<100x16x2048xf32, #tpu.memory_space<vmem>>, vector<1x16x2048xf32>,
    %get3A_164 = arith.constant 11 : index
    %get3A_165 = arith.constant 0 : index
    %get3A_166 = vector.load %arg2[%get3A_164, %get3A_165] : memref<100x2048xf32, #tpu.memory_space<vmem>>, vector<1x2048xf32>
    %get3A_167 = arith.constant 0 : index
    %get3A_168 = arith.constant 11 : index
    %get3A_169 = vector.load %arg4[%get3A_167, %get3A_168] : memref<16x100xf32, #tpu.memory_space<vmem>>, vector<16x1xf32>
    %mul3A_170 = vector.broadcast %get3A_169 : vector<16x1xf32> to vector<16x2048xf32>
    %mul3A_171 = vector.broadcast %get3A_166 : vector<1x2048xf32> to vector<16x2048xf32>
    %mul3A_172 = arith.mulf %mul3A_170, %mul3A_171 : vector<16x2048xf32>
    %swap3A_173 = arith.constant 11 : index
    %swap3A_174 = arith.constant 0 : index
    %swap3A_175 = arith.constant 0 : index
    %swap3A_176 = vector.load %arg3[%swap3A_173, %swap3A_174, %swap3A_175] : memref<100x16x2048xf32, #tpu.memory_space<vmem>>, vector<1x16x2048xf32>
    %swap3A_177 = vector.shape_cast %swap3A_176 : vector<1x16x2048xf32> to vector<16x2048xf32>
    %swap3A_178 = vector.shape_cast %mul3A_172 : vector<16x2048xf32> to vector<1x16x2048xf32>
    tpu.vector_store %arg3[%swap3A_173, %swap3A_174, %swap3A_175], %swap3A_178 {strides = array<i32>} : memref<100x16x2048xf32, #tpu.memory_space<vmem>>, vector<1x16x2048xf32>,
    %get3A_179 = arith.constant 12 : index
    %get3A_180 = arith.constant 0 : index
    %get3A_181 = vector.load %arg2[%get3A_179, %get3A_180] : memref<100x2048xf32, #tpu.memory_space<vmem>>, vector<1x2048xf32>
    %get3A_182 = arith.constant 0 : index
    %get3A_183 = arith.constant 12 : index
    %get3A_184 = vector.load %arg4[%get3A_182, %get3A_183] : memref<16x100xf32, #tpu.memory_space<vmem>>, vector<16x1xf32>
    %mul3A_185 = vector.broadcast %get3A_184 : vector<16x1xf32> to vector<16x2048xf32>
    %mul3A_186 = vector.broadcast %get3A_181 : vector<1x2048xf32> to vector<16x2048xf32>
    %mul3A_187 = arith.mulf %mul3A_185, %mul3A_186 : vector<16x2048xf32>
    %swap3A_188 = arith.constant 12 : index
    %swap3A_189 = arith.constant 0 : index
    %swap3A_190 = arith.constant 0 : index
    %swap3A_191 = vector.load %arg3[%swap3A_188, %swap3A_189, %swap3A_190] : memref<100x16x2048xf32, #tpu.memory_space<vmem>>, vector<1x16x2048xf32>
    %swap3A_192 = vector.shape_cast %swap3A_191 : vector<1x16x2048xf32> to vector<16x2048xf32>
    %swap3A_193 = vector.shape_cast %mul3A_187 : vector<16x2048xf32> to vector<1x16x2048xf32>
    tpu.vector_store %arg3[%swap3A_188, %swap3A_189, %swap3A_190], %swap3A_193 {strides = array<i32>} : memref<100x16x2048xf32, #tpu.memory_space<vmem>>, vector<1x16x2048xf32>,
    %get3A_194 = arith.constant 13 : index
    %get3A_195 = arith.constant 0 : index
    %get3A_196 = vector.load %arg2[%get3A_194, %get3A_195] : memref<100x2048xf32, #tpu.memory_space<vmem>>, vector<1x2048xf32>
    %get3A_197 = arith.constant 0 : index
    %get3A_198 = arith.constant 13 : index
    %get3A_199 = vector.load %arg4[%get3A_197, %get3A_198] : memref<16x100xf32, #tpu.memory_space<vmem>>, vector<16x1xf32>
    %mul3A_200 = vector.broadcast %get3A_199 : vector<16x1xf32> to vector<16x2048xf32>
    %mul3A_201 = vector.broadcast %get3A_196 : vector<1x2048xf32> to vector<16x2048xf32>
    %mul3A_202 = arith.mulf %mul3A_200, %mul3A_201 : vector<16x2048xf32>
    %swap3A_203 = arith.constant 13 : index
    %swap3A_204 = arith.constant 0 : index
    %swap3A_205 = arith.constant 0 : index
    %swap3A_206 = vector.load %arg3[%swap3A_203, %swap3A_204, %swap3A_205] : memref<100x16x2048xf32, #tpu.memory_space<vmem>>, vector<1x16x2048xf32>
    %swap3A_207 = vector.shape_cast %swap3A_206 : vector<1x16x2048xf32> to vector<16x2048xf32>
    %swap3A_208 = vector.shape_cast %mul3A_202 : vector<16x2048xf32> to vector<1x16x2048xf32>
    tpu.vector_store %arg3[%swap3A_203, %swap3A_204, %swap3A_205], %swap3A_208 {strides = array<i32>} : memref<100x16x2048xf32, #tpu.memory_space<vmem>>, vector<1x16x2048xf32>,
    %get3A_209 = arith.constant 14 : index
    %get3A_210 = arith.constant 0 : index
    %get3A_211 = vector.load %arg2[%get3A_209, %get3A_210] : memref<100x2048xf32, #tpu.memory_space<vmem>>, vector<1x2048xf32>
    %get3A_212 = arith.constant 0 : index
    %get3A_213 = arith.constant 14 : index
    %get3A_214 = vector.load %arg4[%get3A_212, %get3A_213] : memref<16x100xf32, #tpu.memory_space<vmem>>, vector<16x1xf32>
    %mul3A_215 = vector.broadcast %get3A_214 : vector<16x1xf32> to vector<16x2048xf32>
    %mul3A_216 = vector.broadcast %get3A_211 : vector<1x2048xf32> to vector<16x2048xf32>
    %mul3A_217 = arith.mulf %mul3A_215, %mul3A_216 : vector<16x2048xf32>
    %swap3A_218 = arith.constant 14 : index
    %swap3A_219 = arith.constant 0 : index
    %swap3A_220 = arith.constant 0 : index
    %swap3A_221 = vector.load %arg3[%swap3A_218, %swap3A_219, %swap3A_220] : memref<100x16x2048xf32, #tpu.memory_space<vmem>>, vector<1x16x2048xf32>
    %swap3A_222 = vector.shape_cast %swap3A_221 : vector<1x16x2048xf32> to vector<16x2048xf32>
    %swap3A_223 = vector.shape_cast %mul3A_217 : vector<16x2048xf32> to vector<1x16x2048xf32>
    tpu.vector_store %arg3[%swap3A_218, %swap3A_219, %swap3A_220], %swap3A_223 {strides = array<i32>} : memref<100x16x2048xf32, #tpu.memory_space<vmem>>, vector<1x16x2048xf32>,
    %get3A_224 = arith.constant 15 : index
    %get3A_225 = arith.constant 0 : index
    %get3A_226 = vector.load %arg2[%get3A_224, %get3A_225] : memref<100x2048xf32, #tpu.memory_space<vmem>>, vector<1x2048xf32>
    %get3A_227 = arith.constant 0 : index
    %get3A_228 = arith.constant 15 : index
    %get3A_229 = vector.load %arg4[%get3A_227, %get3A_228] : memref<16x100xf32, #tpu.memory_space<vmem>>, vector<16x1xf32>
    %mul3A_230 = vector.broadcast %get3A_229 : vector<16x1xf32> to vector<16x2048xf32>
    %mul3A_231 = vector.broadcast %get3A_226 : vector<1x2048xf32> to vector<16x2048xf32>
    %mul3A_232 = arith.mulf %mul3A_230, %mul3A_231 : vector<16x2048xf32>
    %swap3A_233 = arith.constant 15 : index
    %swap3A_234 = arith.constant 0 : index
    %swap3A_235 = arith.constant 0 : index
    %swap3A_236 = vector.load %arg3[%swap3A_233, %swap3A_234, %swap3A_235] : memref<100x16x2048xf32, #tpu.memory_space<vmem>>, vector<1x16x2048xf32>
    %swap3A_237 = vector.shape_cast %swap3A_236 : vector<1x16x2048xf32> to vector<16x2048xf32>
    %swap3A_238 = vector.shape_cast %mul3A_232 : vector<16x2048xf32> to vector<1x16x2048xf32>
    tpu.vector_store %arg3[%swap3A_233, %swap3A_234, %swap3A_235], %swap3A_238 {strides = array<i32>} : memref<100x16x2048xf32, #tpu.memory_space<vmem>>, vector<1x16x2048xf32>,
    %get3A_239 = arith.constant 16 : index
    %get3A_240 = arith.constant 0 : index
    %get3A_241 = vector.load %arg2[%get3A_239, %get3A_240] : memref<100x2048xf32, #tpu.memory_space<vmem>>, vector<1x2048xf32>
    %get3A_242 = arith.constant 0 : index
    %get3A_243 = arith.constant 16 : index
    %get3A_244 = vector.load %arg4[%get3A_242, %get3A_243] : memref<16x100xf32, #tpu.memory_space<vmem>>, vector<16x1xf32>
    %mul3A_245 = vector.broadcast %get3A_244 : vector<16x1xf32> to vector<16x2048xf32>
    %mul3A_246 = vector.broadcast %get3A_241 : vector<1x2048xf32> to vector<16x2048xf32>
    %mul3A_247 = arith.mulf %mul3A_245, %mul3A_246 : vector<16x2048xf32>
    %swap3A_248 = arith.constant 16 : index
    %swap3A_249 = arith.constant 0 : index
    %swap3A_250 = arith.constant 0 : index
    %swap3A_251 = vector.load %arg3[%swap3A_248, %swap3A_249, %swap3A_250] : memref<100x16x2048xf32, #tpu.memory_space<vmem>>, vector<1x16x2048xf32>
    %swap3A_252 = vector.shape_cast %swap3A_251 : vector<1x16x2048xf32> to vector<16x2048xf32>
    %swap3A_253 = vector.shape_cast %mul3A_247 : vector<16x2048xf32> to vector<1x16x2048xf32>
    tpu.vector_store %arg3[%swap3A_248, %swap3A_249, %swap3A_250], %swap3A_253 {strides = array<i32>} : memref<100x16x2048xf32, #tpu.memory_space<vmem>>, vector<1x16x2048xf32>,
    %get3A_254 = arith.constant 17 : index
    %get3A_255 = arith.constant 0 : index
    %get3A_256 = vector.load %arg2[%get3A_254, %get3A_255] : memref<100x2048xf32, #tpu.memory_space<vmem>>, vector<1x2048xf32>
    %get3A_257 = arith.constant 0 : index
    %get3A_258 = arith.constant 17 : index
    %get3A_259 = vector.load %arg4[%get3A_257, %get3A_258] : memref<16x100xf32, #tpu.memory_space<vmem>>, vector<16x1xf32>
    %mul3A_260 = vector.broadcast %get3A_259 : vector<16x1xf32> to vector<16x2048xf32>
    %mul3A_261 = vector.broadcast %get3A_256 : vector<1x2048xf32> to vector<16x2048xf32>
    %mul3A_262 = arith.mulf %mul3A_260, %mul3A_261 : vector<16x2048xf32>
    %swap3A_263 = arith.constant 17 : index
    %swap3A_264 = arith.constant 0 : index
    %swap3A_265 = arith.constant 0 : index
    %swap3A_266 = vector.load %arg3[%swap3A_263, %swap3A_264, %swap3A_265] : memref<100x16x2048xf32, #tpu.memory_space<vmem>>, vector<1x16x2048xf32>
    %swap3A_267 = vector.shape_cast %swap3A_266 : vector<1x16x2048xf32> to vector<16x2048xf32>
    %swap3A_268 = vector.shape_cast %mul3A_262 : vector<16x2048xf32> to vector<1x16x2048xf32>
    tpu.vector_store %arg3[%swap3A_263, %swap3A_264, %swap3A_265], %swap3A_268 {strides = array<i32>} : memref<100x16x2048xf32, #tpu.memory_space<vmem>>, vector<1x16x2048xf32>,
    %get3A_269 = arith.constant 18 : index
    %get3A_270 = arith.constant 0 : index
    %get3A_271 = vector.load %arg2[%get3A_269, %get3A_270] : memref<100x2048xf32, #tpu.memory_space<vmem>>, vector<1x2048xf32>
    %get3A_272 = arith.constant 0 : index
    %get3A_273 = arith.constant 18 : index
    %get3A_274 = vector.load %arg4[%get3A_272, %get3A_273] : memref<16x100xf32, #tpu.memory_space<vmem>>, vector<16x1xf32>
    %mul3A_275 = vector.broadcast %get3A_274 : vector<16x1xf32> to vector<16x2048xf32>
    %mul3A_276 = vector.broadcast %get3A_271 : vector<1x2048xf32> to vector<16x2048xf32>
    %mul3A_277 = arith.mulf %mul3A_275, %mul3A_276 : vector<16x2048xf32>
    %swap3A_278 = arith.constant 18 : index
    %swap3A_279 = arith.constant 0 : index
    %swap3A_280 = arith.constant 0 : index
    %swap3A_281 = vector.load %arg3[%swap3A_278, %swap3A_279, %swap3A_280] : memref<100x16x2048xf32, #tpu.memory_space<vmem>>, vector<1x16x2048xf32>
    %swap3A_282 = vector.shape_cast %swap3A_281 : vector<1x16x2048xf32> to vector<16x2048xf32>
    %swap3A_283 = vector.shape_cast %mul3A_277 : vector<16x2048xf32> to vector<1x16x2048xf32>
    tpu.vector_store %arg3[%swap3A_278, %swap3A_279, %swap3A_280], %swap3A_283 {strides = array<i32>} : memref<100x16x2048xf32, #tpu.memory_space<vmem>>, vector<1x16x2048xf32>,
    %get3A_284 = arith.constant 19 : index
    %get3A_285 = arith.constant 0 : index
    %get3A_286 = vector.load %arg2[%get3A_284, %get3A_285] : memref<100x2048xf32, #tpu.memory_space<vmem>>, vector<1x2048xf32>
    %get3A_287 = arith.constant 0 : index
    %get3A_288 = arith.constant 19 : index
    %get3A_289 = vector.load %arg4[%get3A_287, %get3A_288] : memref<16x100xf32, #tpu.memory_space<vmem>>, vector<16x1xf32>
    %mul3A_290 = vector.broadcast %get3A_289 : vector<16x1xf32> to vector<16x2048xf32>
    %mul3A_291 = vector.broadcast %get3A_286 : vector<1x2048xf32> to vector<16x2048xf32>
    %mul3A_292 = arith.mulf %mul3A_290, %mul3A_291 : vector<16x2048xf32>
    %swap3A_293 = arith.constant 19 : index
    %swap3A_294 = arith.constant 0 : index
    %swap3A_295 = arith.constant 0 : index
    %swap3A_296 = vector.load %arg3[%swap3A_293, %swap3A_294, %swap3A_295] : memref<100x16x2048xf32, #tpu.memory_space<vmem>>, vector<1x16x2048xf32>
    %swap3A_297 = vector.shape_cast %swap3A_296 : vector<1x16x2048xf32> to vector<16x2048xf32>
    %swap3A_298 = vector.shape_cast %mul3A_292 : vector<16x2048xf32> to vector<1x16x2048xf32>
    tpu.vector_store %arg3[%swap3A_293, %swap3A_294, %swap3A_295], %swap3A_298 {strides = array<i32>} : memref<100x16x2048xf32, #tpu.memory_space<vmem>>, vector<1x16x2048xf32>,
    %get3A_299 = arith.constant 20 : index
    %get3A_300 = arith.constant 0 : index
    %get3A_301 = vector.load %arg2[%get3A_299, %get3A_300] : memref<100x2048xf32, #tpu.memory_space<vmem>>, vector<1x2048xf32>
    %get3A_302 = arith.constant 0 : index
    %get3A_303 = arith.constant 20 : index
    %get3A_304 = vector.load %arg4[%get3A_302, %get3A_303] : memref<16x100xf32, #tpu.memory_space<vmem>>, vector<16x1xf32>
    %mul3A_305 = vector.broadcast %get3A_304 : vector<16x1xf32> to vector<16x2048xf32>
    %mul3A_306 = vector.broadcast %get3A_301 : vector<1x2048xf32> to vector<16x2048xf32>
    %mul3A_307 = arith.mulf %mul3A_305, %mul3A_306 : vector<16x2048xf32>
    %swap3A_308 = arith.constant 20 : index
    %swap3A_309 = arith.constant 0 : index
    %swap3A_310 = arith.constant 0 : index
    %swap3A_311 = vector.load %arg3[%swap3A_308, %swap3A_309, %swap3A_310] : memref<100x16x2048xf32, #tpu.memory_space<vmem>>, vector<1x16x2048xf32>
    %swap3A_312 = vector.shape_cast %swap3A_311 : vector<1x16x2048xf32> to vector<16x2048xf32>
    %swap3A_313 = vector.shape_cast %mul3A_307 : vector<16x2048xf32> to vector<1x16x2048xf32>
    tpu.vector_store %arg3[%swap3A_308, %swap3A_309, %swap3A_310], %swap3A_313 {strides = array<i32>} : memref<100x16x2048xf32, #tpu.memory_space<vmem>>, vector<1x16x2048xf32>,
    %get3A_314 = arith.constant 21 : index
    %get3A_315 = arith.constant 0 : index
    %get3A_316 = vector.load %arg2[%get3A_314, %get3A_315] : memref<100x2048xf32, #tpu.memory_space<vmem>>, vector<1x2048xf32>
    %get3A_317 = arith.constant 0 : index
    %get3A_318 = arith.constant 21 : index
    %get3A_319 = vector.load %arg4[%get3A_317, %get3A_318] : memref<16x100xf32, #tpu.memory_space<vmem>>, vector<16x1xf32>
    %mul3A_320 = vector.broadcast %get3A_319 : vector<16x1xf32> to vector<16x2048xf32>
    %mul3A_321 = vector.broadcast %get3A_316 : vector<1x2048xf32> to vector<16x2048xf32>
    %mul3A_322 = arith.mulf %mul3A_320, %mul3A_321 : vector<16x2048xf32>
    %swap3A_323 = arith.constant 21 : index
    %swap3A_324 = arith.constant 0 : index
    %swap3A_325 = arith.constant 0 : index
    %swap3A_326 = vector.load %arg3[%swap3A_323, %swap3A_324, %swap3A_325] : memref<100x16x2048xf32, #tpu.memory_space<vmem>>, vector<1x16x2048xf32>
    %swap3A_327 = vector.shape_cast %swap3A_326 : vector<1x16x2048xf32> to vector<16x2048xf32>
    %swap3A_328 = vector.shape_cast %mul3A_322 : vector<16x2048xf32> to vector<1x16x2048xf32>
    tpu.vector_store %arg3[%swap3A_323, %swap3A_324, %swap3A_325], %swap3A_328 {strides = array<i32>} : memref<100x16x2048xf32, #tpu.memory_space<vmem>>, vector<1x16x2048xf32>,
    %get3A_329 = arith.constant 22 : index
    %get3A_330 = arith.constant 0 : index
    %get3A_331 = vector.load %arg2[%get3A_329, %get3A_330] : memref<100x2048xf32, #tpu.memory_space<vmem>>, vector<1x2048xf32>
    %get3A_332 = arith.constant 0 : index
    %get3A_333 = arith.constant 22 : index
    %get3A_334 = vector.load %arg4[%get3A_332, %get3A_333] : memref<16x100xf32, #tpu.memory_space<vmem>>, vector<16x1xf32>
    %mul3A_335 = vector.broadcast %get3A_334 : vector<16x1xf32> to vector<16x2048xf32>
    %mul3A_336 = vector.broadcast %get3A_331 : vector<1x2048xf32> to vector<16x2048xf32>
    %mul3A_337 = arith.mulf %mul3A_335, %mul3A_336 : vector<16x2048xf32>
    %swap3A_338 = arith.constant 22 : index
    %swap3A_339 = arith.constant 0 : index
    %swap3A_340 = arith.constant 0 : index
    %swap3A_341 = vector.load %arg3[%swap3A_338, %swap3A_339, %swap3A_340] : memref<100x16x2048xf32, #tpu.memory_space<vmem>>, vector<1x16x2048xf32>
    %swap3A_342 = vector.shape_cast %swap3A_341 : vector<1x16x2048xf32> to vector<16x2048xf32>
    %swap3A_343 = vector.shape_cast %mul3A_337 : vector<16x2048xf32> to vector<1x16x2048xf32>
    tpu.vector_store %arg3[%swap3A_338, %swap3A_339, %swap3A_340], %swap3A_343 {strides = array<i32>} : memref<100x16x2048xf32, #tpu.memory_space<vmem>>, vector<1x16x2048xf32>,
    %get3A_344 = arith.constant 23 : index
    %get3A_345 = arith.constant 0 : index
    %get3A_346 = vector.load %arg2[%get3A_344, %get3A_345] : memref<100x2048xf32, #tpu.memory_space<vmem>>, vector<1x2048xf32>
    %get3A_347 = arith.constant 0 : index
    %get3A_348 = arith.constant 23 : index
    %get3A_349 = vector.load %arg4[%get3A_347, %get3A_348] : memref<16x100xf32, #tpu.memory_space<vmem>>, vector<16x1xf32>
    %mul3A_350 = vector.broadcast %get3A_349 : vector<16x1xf32> to vector<16x2048xf32>
    %mul3A_351 = vector.broadcast %get3A_346 : vector<1x2048xf32> to vector<16x2048xf32>
    %mul3A_352 = arith.mulf %mul3A_350, %mul3A_351 : vector<16x2048xf32>
    %swap3A_353 = arith.constant 23 : index
    %swap3A_354 = arith.constant 0 : index
    %swap3A_355 = arith.constant 0 : index
    %swap3A_356 = vector.load %arg3[%swap3A_353, %swap3A_354, %swap3A_355] : memref<100x16x2048xf32, #tpu.memory_space<vmem>>, vector<1x16x2048xf32>
    %swap3A_357 = vector.shape_cast %swap3A_356 : vector<1x16x2048xf32> to vector<16x2048xf32>
    %swap3A_358 = vector.shape_cast %mul3A_352 : vector<16x2048xf32> to vector<1x16x2048xf32>
    tpu.vector_store %arg3[%swap3A_353, %swap3A_354, %swap3A_355], %swap3A_358 {strides = array<i32>} : memref<100x16x2048xf32, #tpu.memory_space<vmem>>, vector<1x16x2048xf32>,
    %get3A_359 = arith.constant 24 : index
    %get3A_360 = arith.constant 0 : index
    %get3A_361 = vector.load %arg2[%get3A_359, %get3A_360] : memref<100x2048xf32, #tpu.memory_space<vmem>>, vector<1x2048xf32>
    %get3A_362 = arith.constant 0 : index
    %get3A_363 = arith.constant 24 : index
    %get3A_364 = vector.load %arg4[%get3A_362, %get3A_363] : memref<16x100xf32, #tpu.memory_space<vmem>>, vector<16x1xf32>
    %mul3A_365 = vector.broadcast %get3A_364 : vector<16x1xf32> to vector<16x2048xf32>
    %mul3A_366 = vector.broadcast %get3A_361 : vector<1x2048xf32> to vector<16x2048xf32>
    %mul3A_367 = arith.mulf %mul3A_365, %mul3A_366 : vector<16x2048xf32>
    %swap3A_368 = arith.constant 24 : index
    %swap3A_369 = arith.constant 0 : index
    %swap3A_370 = arith.constant 0 : index
    %swap3A_371 = vector.load %arg3[%swap3A_368, %swap3A_369, %swap3A_370] : memref<100x16x2048xf32, #tpu.memory_space<vmem>>, vector<1x16x2048xf32>
    %swap3A_372 = vector.shape_cast %swap3A_371 : vector<1x16x2048xf32> to vector<16x2048xf32>
    %swap3A_373 = vector.shape_cast %mul3A_367 : vector<16x2048xf32> to vector<1x16x2048xf32>
    tpu.vector_store %arg3[%swap3A_368, %swap3A_369, %swap3A_370], %swap3A_373 {strides = array<i32>} : memref<100x16x2048xf32, #tpu.memory_space<vmem>>, vector<1x16x2048xf32>,
    %get3A_374 = arith.constant 25 : index
    %get3A_375 = arith.constant 0 : index
    %get3A_376 = vector.load %arg2[%get3A_374, %get3A_375] : memref<100x2048xf32, #tpu.memory_space<vmem>>, vector<1x2048xf32>
    %get3A_377 = arith.constant 0 : index
    %get3A_378 = arith.constant 25 : index
    %get3A_379 = vector.load %arg4[%get3A_377, %get3A_378] : memref<16x100xf32, #tpu.memory_space<vmem>>, vector<16x1xf32>
    %mul3A_380 = vector.broadcast %get3A_379 : vector<16x1xf32> to vector<16x2048xf32>
    %mul3A_381 = vector.broadcast %get3A_376 : vector<1x2048xf32> to vector<16x2048xf32>
    %mul3A_382 = arith.mulf %mul3A_380, %mul3A_381 : vector<16x2048xf32>
    %swap3A_383 = arith.constant 25 : index
    %swap3A_384 = arith.constant 0 : index
    %swap3A_385 = arith.constant 0 : index
    %swap3A_386 = vector.load %arg3[%swap3A_383, %swap3A_384, %swap3A_385] : memref<100x16x2048xf32, #tpu.memory_space<vmem>>, vector<1x16x2048xf32>
    %swap3A_387 = vector.shape_cast %swap3A_386 : vector<1x16x2048xf32> to vector<16x2048xf32>
    %swap3A_388 = vector.shape_cast %mul3A_382 : vector<16x2048xf32> to vector<1x16x2048xf32>
    tpu.vector_store %arg3[%swap3A_383, %swap3A_384, %swap3A_385], %swap3A_388 {strides = array<i32>} : memref<100x16x2048xf32, #tpu.memory_space<vmem>>, vector<1x16x2048xf32>,
    %get3A_389 = arith.constant 26 : index
    %get3A_390 = arith.constant 0 : index
    %get3A_391 = vector.load %arg2[%get3A_389, %get3A_390] : memref<100x2048xf32, #tpu.memory_space<vmem>>, vector<1x2048xf32>
    %get3A_392 = arith.constant 0 : index
    %get3A_393 = arith.constant 26 : index
    %get3A_394 = vector.load %arg4[%get3A_392, %get3A_393] : memref<16x100xf32, #tpu.memory_space<vmem>>, vector<16x1xf32>
    %mul3A_395 = vector.broadcast %get3A_394 : vector<16x1xf32> to vector<16x2048xf32>
    %mul3A_396 = vector.broadcast %get3A_391 : vector<1x2048xf32> to vector<16x2048xf32>
    %mul3A_397 = arith.mulf %mul3A_395, %mul3A_396 : vector<16x2048xf32>
    %swap3A_398 = arith.constant 26 : index
    %swap3A_399 = arith.constant 0 : index
    %swap3A_400 = arith.constant 0 : index
    %swap3A_401 = vector.load %arg3[%swap3A_398, %swap3A_399, %swap3A_400] : memref<100x16x2048xf32, #tpu.memory_space<vmem>>, vector<1x16x2048xf32>
    %swap3A_402 = vector.shape_cast %swap3A_401 : vector<1x16x2048xf32> to vector<16x2048xf32>
    %swap3A_403 = vector.shape_cast %mul3A_397 : vector<16x2048xf32> to vector<1x16x2048xf32>
    tpu.vector_store %arg3[%swap3A_398, %swap3A_399, %swap3A_400], %swap3A_403 {strides = array<i32>} : memref<100x16x2048xf32, #tpu.memory_space<vmem>>, vector<1x16x2048xf32>,
    %get3A_404 = arith.constant 27 : index
    %get3A_405 = arith.constant 0 : index
    %get3A_406 = vector.load %arg2[%get3A_404, %get3A_405] : memref<100x2048xf32, #tpu.memory_space<vmem>>, vector<1x2048xf32>
    %get3A_407 = arith.constant 0 : index
    %get3A_408 = arith.constant 27 : index
    %get3A_409 = vector.load %arg4[%get3A_407, %get3A_408] : memref<16x100xf32, #tpu.memory_space<vmem>>, vector<16x1xf32>
    %mul3A_410 = vector.broadcast %get3A_409 : vector<16x1xf32> to vector<16x2048xf32>
    %mul3A_411 = vector.broadcast %get3A_406 : vector<1x2048xf32> to vector<16x2048xf32>
    %mul3A_412 = arith.mulf %mul3A_410, %mul3A_411 : vector<16x2048xf32>
    %swap3A_413 = arith.constant 27 : index
    %swap3A_414 = arith.constant 0 : index
    %swap3A_415 = arith.constant 0 : index
    %swap3A_416 = vector.load %arg3[%swap3A_413, %swap3A_414, %swap3A_415] : memref<100x16x2048xf32, #tpu.memory_space<vmem>>, vector<1x16x2048xf32>
    %swap3A_417 = vector.shape_cast %swap3A_416 : vector<1x16x2048xf32> to vector<16x2048xf32>
    %swap3A_418 = vector.shape_cast %mul3A_412 : vector<16x2048xf32> to vector<1x16x2048xf32>
    tpu.vector_store %arg3[%swap3A_413, %swap3A_414, %swap3A_415], %swap3A_418 {strides = array<i32>} : memref<100x16x2048xf32, #tpu.memory_space<vmem>>, vector<1x16x2048xf32>,
    %get3A_419 = arith.constant 28 : index
    %get3A_420 = arith.constant 0 : index
    %get3A_421 = vector.load %arg2[%get3A_419, %get3A_420] : memref<100x2048xf32, #tpu.memory_space<vmem>>, vector<1x2048xf32>
    %get3A_422 = arith.constant 0 : index
    %get3A_423 = arith.constant 28 : index
    %get3A_424 = vector.load %arg4[%get3A_422, %get3A_423] : memref<16x100xf32, #tpu.memory_space<vmem>>, vector<16x1xf32>
    %mul3A_425 = vector.broadcast %get3A_424 : vector<16x1xf32> to vector<16x2048xf32>
    %mul3A_426 = vector.broadcast %get3A_421 : vector<1x2048xf32> to vector<16x2048xf32>
    %mul3A_427 = arith.mulf %mul3A_425, %mul3A_426 : vector<16x2048xf32>
    %swap3A_428 = arith.constant 28 : index
    %swap3A_429 = arith.constant 0 : index
    %swap3A_430 = arith.constant 0 : index
    %swap3A_431 = vector.load %arg3[%swap3A_428, %swap3A_429, %swap3A_430] : memref<100x16x2048xf32, #tpu.memory_space<vmem>>, vector<1x16x2048xf32>
    %swap3A_432 = vector.shape_cast %swap3A_431 : vector<1x16x2048xf32> to vector<16x2048xf32>
    %swap3A_433 = vector.shape_cast %mul3A_427 : vector<16x2048xf32> to vector<1x16x2048xf32>
    tpu.vector_store %arg3[%swap3A_428, %swap3A_429, %swap3A_430], %swap3A_433 {strides = array<i32>} : memref<100x16x2048xf32, #tpu.memory_space<vmem>>, vector<1x16x2048xf32>,
    %get3A_434 = arith.constant 29 : index
    %get3A_435 = arith.constant 0 : index
    %get3A_436 = vector.load %arg2[%get3A_434, %get3A_435] : memref<100x2048xf32, #tpu.memory_space<vmem>>, vector<1x2048xf32>
    %get3A_437 = arith.constant 0 : index
    %get3A_438 = arith.constant 29 : index
    %get3A_439 = vector.load %arg4[%get3A_437, %get3A_438] : memref<16x100xf32, #tpu.memory_space<vmem>>, vector<16x1xf32>
    %mul3A_440 = vector.broadcast %get3A_439 : vector<16x1xf32> to vector<16x2048xf32>
    %mul3A_441 = vector.broadcast %get3A_436 : vector<1x2048xf32> to vector<16x2048xf32>
    %mul3A_442 = arith.mulf %mul3A_440, %mul3A_441 : vector<16x2048xf32>
    %swap3A_443 = arith.constant 29 : index
    %swap3A_444 = arith.constant 0 : index
    %swap3A_445 = arith.constant 0 : index
    %swap3A_446 = vector.load %arg3[%swap3A_443, %swap3A_444, %swap3A_445] : memref<100x16x2048xf32, #tpu.memory_space<vmem>>, vector<1x16x2048xf32>
    %swap3A_447 = vector.shape_cast %swap3A_446 : vector<1x16x2048xf32> to vector<16x2048xf32>
    %swap3A_448 = vector.shape_cast %mul3A_442 : vector<16x2048xf32> to vector<1x16x2048xf32>
    tpu.vector_store %arg3[%swap3A_443, %swap3A_444, %swap3A_445], %swap3A_448 {strides = array<i32>} : memref<100x16x2048xf32, #tpu.memory_space<vmem>>, vector<1x16x2048xf32>,
    %get3A_449 = arith.constant 30 : index
    %get3A_450 = arith.constant 0 : index
    %get3A_451 = vector.load %arg2[%get3A_449, %get3A_450] : memref<100x2048xf32, #tpu.memory_space<vmem>>, vector<1x2048xf32>
    %get3A_452 = arith.constant 0 : index
    %get3A_453 = arith.constant 30 : index
    %get3A_454 = vector.load %arg4[%get3A_452, %get3A_453] : memref<16x100xf32, #tpu.memory_space<vmem>>, vector<16x1xf32>
    %mul3A_455 = vector.broadcast %get3A_454 : vector<16x1xf32> to vector<16x2048xf32>
    %mul3A_456 = vector.broadcast %get3A_451 : vector<1x2048xf32> to vector<16x2048xf32>
    %mul3A_457 = arith.mulf %mul3A_455, %mul3A_456 : vector<16x2048xf32>
    %swap3A_458 = arith.constant 30 : index
    %swap3A_459 = arith.constant 0 : index
    %swap3A_460 = arith.constant 0 : index
    %swap3A_461 = vector.load %arg3[%swap3A_458, %swap3A_459, %swap3A_460] : memref<100x16x2048xf32, #tpu.memory_space<vmem>>, vector<1x16x2048xf32>
    %swap3A_462 = vector.shape_cast %swap3A_461 : vector<1x16x2048xf32> to vector<16x2048xf32>
    %swap3A_463 = vector.shape_cast %mul3A_457 : vector<16x2048xf32> to vector<1x16x2048xf32>
    tpu.vector_store %arg3[%swap3A_458, %swap3A_459, %swap3A_460], %swap3A_463 {strides = array<i32>} : memref<100x16x2048xf32, #tpu.memory_space<vmem>>, vector<1x16x2048xf32>,
    %get3A_464 = arith.constant 31 : index
    %get3A_465 = arith.constant 0 : index
    %get3A_466 = vector.load %arg2[%get3A_464, %get3A_465] : memref<100x2048xf32, #tpu.memory_space<vmem>>, vector<1x2048xf32>
    %get3A_467 = arith.constant 0 : index
    %get3A_468 = arith.constant 31 : index
    %get3A_469 = vector.load %arg4[%get3A_467, %get3A_468] : memref<16x100xf32, #tpu.memory_space<vmem>>, vector<16x1xf32>
    %mul3A_470 = vector.broadcast %get3A_469 : vector<16x1xf32> to vector<16x2048xf32>
    %mul3A_471 = vector.broadcast %get3A_466 : vector<1x2048xf32> to vector<16x2048xf32>
    %mul3A_472 = arith.mulf %mul3A_470, %mul3A_471 : vector<16x2048xf32>
    %swap3A_473 = arith.constant 31 : index
    %swap3A_474 = arith.constant 0 : index
    %swap3A_475 = arith.constant 0 : index
    %swap3A_476 = vector.load %arg3[%swap3A_473, %swap3A_474, %swap3A_475] : memref<100x16x2048xf32, #tpu.memory_space<vmem>>, vector<1x16x2048xf32>
    %swap3A_477 = vector.shape_cast %swap3A_476 : vector<1x16x2048xf32> to vector<16x2048xf32>
    %swap3A_478 = vector.shape_cast %mul3A_472 : vector<16x2048xf32> to vector<1x16x2048xf32>
    tpu.vector_store %arg3[%swap3A_473, %swap3A_474, %swap3A_475], %swap3A_478 {strides = array<i32>} : memref<100x16x2048xf32, #tpu.memory_space<vmem>>, vector<1x16x2048xf32>,
    %get3A_479 = arith.constant 32 : index
    %get3A_480 = arith.constant 0 : index
    %get3A_481 = vector.load %arg2[%get3A_479, %get3A_480] : memref<100x2048xf32, #tpu.memory_space<vmem>>, vector<1x2048xf32>
    %get3A_482 = arith.constant 0 : index
    %get3A_483 = arith.constant 32 : index
    %get3A_484 = vector.load %arg4[%get3A_482, %get3A_483] : memref<16x100xf32, #tpu.memory_space<vmem>>, vector<16x1xf32>
    %mul3A_485 = vector.broadcast %get3A_484 : vector<16x1xf32> to vector<16x2048xf32>
    %mul3A_486 = vector.broadcast %get3A_481 : vector<1x2048xf32> to vector<16x2048xf32>
    %mul3A_487 = arith.mulf %mul3A_485, %mul3A_486 : vector<16x2048xf32>
    %swap3A_488 = arith.constant 32 : index
    %swap3A_489 = arith.constant 0 : index
    %swap3A_490 = arith.constant 0 : index
    %swap3A_491 = vector.load %arg3[%swap3A_488, %swap3A_489, %swap3A_490] : memref<100x16x2048xf32, #tpu.memory_space<vmem>>, vector<1x16x2048xf32>
    %swap3A_492 = vector.shape_cast %swap3A_491 : vector<1x16x2048xf32> to vector<16x2048xf32>
    %swap3A_493 = vector.shape_cast %mul3A_487 : vector<16x2048xf32> to vector<1x16x2048xf32>
    tpu.vector_store %arg3[%swap3A_488, %swap3A_489, %swap3A_490], %swap3A_493 {strides = array<i32>} : memref<100x16x2048xf32, #tpu.memory_space<vmem>>, vector<1x16x2048xf32>,
    %get3A_494 = arith.constant 33 : index
    %get3A_495 = arith.constant 0 : index
    %get3A_496 = vector.load %arg2[%get3A_494, %get3A_495] : memref<100x2048xf32, #tpu.memory_space<vmem>>, vector<1x2048xf32>
    %get3A_497 = arith.constant 0 : index
    %get3A_498 = arith.constant 33 : index
    %get3A_499 = vector.load %arg4[%get3A_497, %get3A_498] : memref<16x100xf32, #tpu.memory_space<vmem>>, vector<16x1xf32>
    %mul3A_500 = vector.broadcast %get3A_499 : vector<16x1xf32> to vector<16x2048xf32>
    %mul3A_501 = vector.broadcast %get3A_496 : vector<1x2048xf32> to vector<16x2048xf32>
    %mul3A_502 = arith.mulf %mul3A_500, %mul3A_501 : vector<16x2048xf32>
    %swap3A_503 = arith.constant 33 : index
    %swap3A_504 = arith.constant 0 : index
    %swap3A_505 = arith.constant 0 : index
    %swap3A_506 = vector.load %arg3[%swap3A_503, %swap3A_504, %swap3A_505] : memref<100x16x2048xf32, #tpu.memory_space<vmem>>, vector<1x16x2048xf32>
    %swap3A_507 = vector.shape_cast %swap3A_506 : vector<1x16x2048xf32> to vector<16x2048xf32>
    %swap3A_508 = vector.shape_cast %mul3A_502 : vector<16x2048xf32> to vector<1x16x2048xf32>
    tpu.vector_store %arg3[%swap3A_503, %swap3A_504, %swap3A_505], %swap3A_508 {strides = array<i32>} : memref<100x16x2048xf32, #tpu.memory_space<vmem>>, vector<1x16x2048xf32>,
    %get3A_509 = arith.constant 34 : index
    %get3A_510 = arith.constant 0 : index
    %get3A_511 = vector.load %arg2[%get3A_509, %get3A_510] : memref<100x2048xf32, #tpu.memory_space<vmem>>, vector<1x2048xf32>
    %get3A_512 = arith.constant 0 : index
    %get3A_513 = arith.constant 34 : index
    %get3A_514 = vector.load %arg4[%get3A_512, %get3A_513] : memref<16x100xf32, #tpu.memory_space<vmem>>, vector<16x1xf32>
    %mul3A_515 = vector.broadcast %get3A_514 : vector<16x1xf32> to vector<16x2048xf32>
    %mul3A_516 = vector.broadcast %get3A_511 : vector<1x2048xf32> to vector<16x2048xf32>
    %mul3A_517 = arith.mulf %mul3A_515, %mul3A_516 : vector<16x2048xf32>
    %swap3A_518 = arith.constant 34 : index
    %swap3A_519 = arith.constant 0 : index
    %swap3A_520 = arith.constant 0 : index
    %swap3A_521 = vector.load %arg3[%swap3A_518, %swap3A_519, %swap3A_520] : memref<100x16x2048xf32, #tpu.memory_space<vmem>>, vector<1x16x2048xf32>
    %swap3A_522 = vector.shape_cast %swap3A_521 : vector<1x16x2048xf32> to vector<16x2048xf32>
    %swap3A_523 = vector.shape_cast %mul3A_517 : vector<16x2048xf32> to vector<1x16x2048xf32>
    tpu.vector_store %arg3[%swap3A_518, %swap3A_519, %swap3A_520], %swap3A_523 {strides = array<i32>} : memref<100x16x2048xf32, #tpu.memory_space<vmem>>, vector<1x16x2048xf32>,
    %get3A_524 = arith.constant 35 : index
    %get3A_525 = arith.constant 0 : index
    %get3A_526 = vector.load %arg2[%get3A_524, %get3A_525] : memref<100x2048xf32, #tpu.memory_space<vmem>>, vector<1x2048xf32>
    %get3A_527 = arith.constant 0 : index
    %get3A_528 = arith.constant 35 : index
    %get3A_529 = vector.load %arg4[%get3A_527, %get3A_528] : memref<16x100xf32, #tpu.memory_space<vmem>>, vector<16x1xf32>
    %mul3A_530 = vector.broadcast %get3A_529 : vector<16x1xf32> to vector<16x2048xf32>
    %mul3A_531 = vector.broadcast %get3A_526 : vector<1x2048xf32> to vector<16x2048xf32>
    %mul3A_532 = arith.mulf %mul3A_530, %mul3A_531 : vector<16x2048xf32>
    %swap3A_533 = arith.constant 35 : index
    %swap3A_534 = arith.constant 0 : index
    %swap3A_535 = arith.constant 0 : index
    %swap3A_536 = vector.load %arg3[%swap3A_533, %swap3A_534, %swap3A_535] : memref<100x16x2048xf32, #tpu.memory_space<vmem>>, vector<1x16x2048xf32>
    %swap3A_537 = vector.shape_cast %swap3A_536 : vector<1x16x2048xf32> to vector<16x2048xf32>
    %swap3A_538 = vector.shape_cast %mul3A_532 : vector<16x2048xf32> to vector<1x16x2048xf32>
    tpu.vector_store %arg3[%swap3A_533, %swap3A_534, %swap3A_535], %swap3A_538 {strides = array<i32>} : memref<100x16x2048xf32, #tpu.memory_space<vmem>>, vector<1x16x2048xf32>,
    %get3A_539 = arith.constant 36 : index
    %get3A_540 = arith.constant 0 : index
    %get3A_541 = vector.load %arg2[%get3A_539, %get3A_540] : memref<100x2048xf32, #tpu.memory_space<vmem>>, vector<1x2048xf32>
    %get3A_542 = arith.constant 0 : index
    %get3A_543 = arith.constant 36 : index
    %get3A_544 = vector.load %arg4[%get3A_542, %get3A_543] : memref<16x100xf32, #tpu.memory_space<vmem>>, vector<16x1xf32>
    %mul3A_545 = vector.broadcast %get3A_544 : vector<16x1xf32> to vector<16x2048xf32>
    %mul3A_546 = vector.broadcast %get3A_541 : vector<1x2048xf32> to vector<16x2048xf32>
    %mul3A_547 = arith.mulf %mul3A_545, %mul3A_546 : vector<16x2048xf32>
    %swap3A_548 = arith.constant 36 : index
    %swap3A_549 = arith.constant 0 : index
    %swap3A_550 = arith.constant 0 : index
    %swap3A_551 = vector.load %arg3[%swap3A_548, %swap3A_549, %swap3A_550] : memref<100x16x2048xf32, #tpu.memory_space<vmem>>, vector<1x16x2048xf32>
    %swap3A_552 = vector.shape_cast %swap3A_551 : vector<1x16x2048xf32> to vector<16x2048xf32>
    %swap3A_553 = vector.shape_cast %mul3A_547 : vector<16x2048xf32> to vector<1x16x2048xf32>
    tpu.vector_store %arg3[%swap3A_548, %swap3A_549, %swap3A_550], %swap3A_553 {strides = array<i32>} : memref<100x16x2048xf32, #tpu.memory_space<vmem>>, vector<1x16x2048xf32>,
    %get3A_554 = arith.constant 37 : index
    %get3A_555 = arith.constant 0 : index
    %get3A_556 = vector.load %arg2[%get3A_554, %get3A_555] : memref<100x2048xf32, #tpu.memory_space<vmem>>, vector<1x2048xf32>
    %get3A_557 = arith.constant 0 : index
    %get3A_558 = arith.constant 37 : index
    %get3A_559 = vector.load %arg4[%get3A_557, %get3A_558] : memref<16x100xf32, #tpu.memory_space<vmem>>, vector<16x1xf32>
    %mul3A_560 = vector.broadcast %get3A_559 : vector<16x1xf32> to vector<16x2048xf32>
    %mul3A_561 = vector.broadcast %get3A_556 : vector<1x2048xf32> to vector<16x2048xf32>
    %mul3A_562 = arith.mulf %mul3A_560, %mul3A_561 : vector<16x2048xf32>
    %swap3A_563 = arith.constant 37 : index
    %swap3A_564 = arith.constant 0 : index
    %swap3A_565 = arith.constant 0 : index
    %swap3A_566 = vector.load %arg3[%swap3A_563, %swap3A_564, %swap3A_565] : memref<100x16x2048xf32, #tpu.memory_space<vmem>>, vector<1x16x2048xf32>
    %swap3A_567 = vector.shape_cast %swap3A_566 : vector<1x16x2048xf32> to vector<16x2048xf32>
    %swap3A_568 = vector.shape_cast %mul3A_562 : vector<16x2048xf32> to vector<1x16x2048xf32>
    tpu.vector_store %arg3[%swap3A_563, %swap3A_564, %swap3A_565], %swap3A_568 {strides = array<i32>} : memref<100x16x2048xf32, #tpu.memory_space<vmem>>, vector<1x16x2048xf32>,
    %get3A_569 = arith.constant 38 : index
    %get3A_570 = arith.constant 0 : index
    %get3A_571 = vector.load %arg2[%get3A_569, %get3A_570] : memref<100x2048xf32, #tpu.memory_space<vmem>>, vector<1x2048xf32>
    %get3A_572 = arith.constant 0 : index
    %get3A_573 = arith.constant 38 : index
    %get3A_574 = vector.load %arg4[%get3A_572, %get3A_573] : memref<16x100xf32, #tpu.memory_space<vmem>>, vector<16x1xf32>
    %mul3A_575 = vector.broadcast %get3A_574 : vector<16x1xf32> to vector<16x2048xf32>
    %mul3A_576 = vector.broadcast %get3A_571 : vector<1x2048xf32> to vector<16x2048xf32>
    %mul3A_577 = arith.mulf %mul3A_575, %mul3A_576 : vector<16x2048xf32>
    %swap3A_578 = arith.constant 38 : index
    %swap3A_579 = arith.constant 0 : index
    %swap3A_580 = arith.constant 0 : index
    %swap3A_581 = vector.load %arg3[%swap3A_578, %swap3A_579, %swap3A_580] : memref<100x16x2048xf32, #tpu.memory_space<vmem>>, vector<1x16x2048xf32>
    %swap3A_582 = vector.shape_cast %swap3A_581 : vector<1x16x2048xf32> to vector<16x2048xf32>
    %swap3A_583 = vector.shape_cast %mul3A_577 : vector<16x2048xf32> to vector<1x16x2048xf32>
    tpu.vector_store %arg3[%swap3A_578, %swap3A_579, %swap3A_580], %swap3A_583 {strides = array<i32>} : memref<100x16x2048xf32, #tpu.memory_space<vmem>>, vector<1x16x2048xf32>,
    %get3A_584 = arith.constant 39 : index
    %get3A_585 = arith.constant 0 : index
    %get3A_586 = vector.load %arg2[%get3A_584, %get3A_585] : memref<100x2048xf32, #tpu.memory_space<vmem>>, vector<1x2048xf32>
    %get3A_587 = arith.constant 0 : index
    %get3A_588 = arith.constant 39 : index
    %get3A_589 = vector.load %arg4[%get3A_587, %get3A_588] : memref<16x100xf32, #tpu.memory_space<vmem>>, vector<16x1xf32>
    %mul3A_590 = vector.broadcast %get3A_589 : vector<16x1xf32> to vector<16x2048xf32>
    %mul3A_591 = vector.broadcast %get3A_586 : vector<1x2048xf32> to vector<16x2048xf32>
    %mul3A_592 = arith.mulf %mul3A_590, %mul3A_591 : vector<16x2048xf32>
    %swap3A_593 = arith.constant 39 : index
    %swap3A_594 = arith.constant 0 : index
    %swap3A_595 = arith.constant 0 : index
    %swap3A_596 = vector.load %arg3[%swap3A_593, %swap3A_594, %swap3A_595] : memref<100x16x2048xf32, #tpu.memory_space<vmem>>, vector<1x16x2048xf32>
    %swap3A_597 = vector.shape_cast %swap3A_596 : vector<1x16x2048xf32> to vector<16x2048xf32>
    %swap3A_598 = vector.shape_cast %mul3A_592 : vector<16x2048xf32> to vector<1x16x2048xf32>
    tpu.vector_store %arg3[%swap3A_593, %swap3A_594, %swap3A_595], %swap3A_598 {strides = array<i32>} : memref<100x16x2048xf32, #tpu.memory_space<vmem>>, vector<1x16x2048xf32>,
    %get3A_599 = arith.constant 40 : index
    %get3A_600 = arith.constant 0 : index
    %get3A_601 = vector.load %arg2[%get3A_599, %get3A_600] : memref<100x2048xf32, #tpu.memory_space<vmem>>, vector<1x2048xf32>
    %get3A_602 = arith.constant 0 : index
    %get3A_603 = arith.constant 40 : index
    %get3A_604 = vector.load %arg4[%get3A_602, %get3A_603] : memref<16x100xf32, #tpu.memory_space<vmem>>, vector<16x1xf32>
    %mul3A_605 = vector.broadcast %get3A_604 : vector<16x1xf32> to vector<16x2048xf32>
    %mul3A_606 = vector.broadcast %get3A_601 : vector<1x2048xf32> to vector<16x2048xf32>
    %mul3A_607 = arith.mulf %mul3A_605, %mul3A_606 : vector<16x2048xf32>
    %swap3A_608 = arith.constant 40 : index
    %swap3A_609 = arith.constant 0 : index
    %swap3A_610 = arith.constant 0 : index
    %swap3A_611 = vector.load %arg3[%swap3A_608, %swap3A_609, %swap3A_610] : memref<100x16x2048xf32, #tpu.memory_space<vmem>>, vector<1x16x2048xf32>
    %swap3A_612 = vector.shape_cast %swap3A_611 : vector<1x16x2048xf32> to vector<16x2048xf32>
    %swap3A_613 = vector.shape_cast %mul3A_607 : vector<16x2048xf32> to vector<1x16x2048xf32>
    tpu.vector_store %arg3[%swap3A_608, %swap3A_609, %swap3A_610], %swap3A_613 {strides = array<i32>} : memref<100x16x2048xf32, #tpu.memory_space<vmem>>, vector<1x16x2048xf32>,
    %get3A_614 = arith.constant 41 : index
    %get3A_615 = arith.constant 0 : index
    %get3A_616 = vector.load %arg2[%get3A_614, %get3A_615] : memref<100x2048xf32, #tpu.memory_space<vmem>>, vector<1x2048xf32>
    %get3A_617 = arith.constant 0 : index
    %get3A_618 = arith.constant 41 : index
    %get3A_619 = vector.load %arg4[%get3A_617, %get3A_618] : memref<16x100xf32, #tpu.memory_space<vmem>>, vector<16x1xf32>
    %mul3A_620 = vector.broadcast %get3A_619 : vector<16x1xf32> to vector<16x2048xf32>
    %mul3A_621 = vector.broadcast %get3A_616 : vector<1x2048xf32> to vector<16x2048xf32>
    %mul3A_622 = arith.mulf %mul3A_620, %mul3A_621 : vector<16x2048xf32>
    %swap3A_623 = arith.constant 41 : index
    %swap3A_624 = arith.constant 0 : index
    %swap3A_625 = arith.constant 0 : index
    %swap3A_626 = vector.load %arg3[%swap3A_623, %swap3A_624, %swap3A_625] : memref<100x16x2048xf32, #tpu.memory_space<vmem>>, vector<1x16x2048xf32>
    %swap3A_627 = vector.shape_cast %swap3A_626 : vector<1x16x2048xf32> to vector<16x2048xf32>
    %swap3A_628 = vector.shape_cast %mul3A_622 : vector<16x2048xf32> to vector<1x16x2048xf32>
    tpu.vector_store %arg3[%swap3A_623, %swap3A_624, %swap3A_625], %swap3A_628 {strides = array<i32>} : memref<100x16x2048xf32, #tpu.memory_space<vmem>>, vector<1x16x2048xf32>,
    %get3A_629 = arith.constant 42 : index
    %get3A_630 = arith.constant 0 : index
    %get3A_631 = vector.load %arg2[%get3A_629, %get3A_630] : memref<100x2048xf32, #tpu.memory_space<vmem>>, vector<1x2048xf32>
    %get3A_632 = arith.constant 0 : index
    %get3A_633 = arith.constant 42 : index
    %get3A_634 = vector.load %arg4[%get3A_632, %get3A_633] : memref<16x100xf32, #tpu.memory_space<vmem>>, vector<16x1xf32>
    %mul3A_635 = vector.broadcast %get3A_634 : vector<16x1xf32> to vector<16x2048xf32>
    %mul3A_636 = vector.broadcast %get3A_631 : vector<1x2048xf32> to vector<16x2048xf32>
    %mul3A_637 = arith.mulf %mul3A_635, %mul3A_636 : vector<16x2048xf32>
    %swap3A_638 = arith.constant 42 : index
    %swap3A_639 = arith.constant 0 : index
    %swap3A_640 = arith.constant 0 : index
    %swap3A_641 = vector.load %arg3[%swap3A_638, %swap3A_639, %swap3A_640] : memref<100x16x2048xf32, #tpu.memory_space<vmem>>, vector<1x16x2048xf32>
    %swap3A_642 = vector.shape_cast %swap3A_641 : vector<1x16x2048xf32> to vector<16x2048xf32>
    %swap3A_643 = vector.shape_cast %mul3A_637 : vector<16x2048xf32> to vector<1x16x2048xf32>
    tpu.vector_store %arg3[%swap3A_638, %swap3A_639, %swap3A_640], %swap3A_643 {strides = array<i32>} : memref<100x16x2048xf32, #tpu.memory_space<vmem>>, vector<1x16x2048xf32>,
    %get3A_644 = arith.constant 43 : index
    %get3A_645 = arith.constant 0 : index
    %get3A_646 = vector.load %arg2[%get3A_644, %get3A_645] : memref<100x2048xf32, #tpu.memory_space<vmem>>, vector<1x2048xf32>
    %get3A_647 = arith.constant 0 : index
    %get3A_648 = arith.constant 43 : index
    %get3A_649 = vector.load %arg4[%get3A_647, %get3A_648] : memref<16x100xf32, #tpu.memory_space<vmem>>, vector<16x1xf32>
    %mul3A_650 = vector.broadcast %get3A_649 : vector<16x1xf32> to vector<16x2048xf32>
    %mul3A_651 = vector.broadcast %get3A_646 : vector<1x2048xf32> to vector<16x2048xf32>
    %mul3A_652 = arith.mulf %mul3A_650, %mul3A_651 : vector<16x2048xf32>
    %swap3A_653 = arith.constant 43 : index
    %swap3A_654 = arith.constant 0 : index
    %swap3A_655 = arith.constant 0 : index
    %swap3A_656 = vector.load %arg3[%swap3A_653, %swap3A_654, %swap3A_655] : memref<100x16x2048xf32, #tpu.memory_space<vmem>>, vector<1x16x2048xf32>
    %swap3A_657 = vector.shape_cast %swap3A_656 : vector<1x16x2048xf32> to vector<16x2048xf32>
    %swap3A_658 = vector.shape_cast %mul3A_652 : vector<16x2048xf32> to vector<1x16x2048xf32>
    tpu.vector_store %arg3[%swap3A_653, %swap3A_654, %swap3A_655], %swap3A_658 {strides = array<i32>} : memref<100x16x2048xf32, #tpu.memory_space<vmem>>, vector<1x16x2048xf32>,
    %get3A_659 = arith.constant 44 : index
    %get3A_660 = arith.constant 0 : index
    %get3A_661 = vector.load %arg2[%get3A_659, %get3A_660] : memref<100x2048xf32, #tpu.memory_space<vmem>>, vector<1x2048xf32>
    %get3A_662 = arith.constant 0 : index
    %get3A_663 = arith.constant 44 : index
    %get3A_664 = vector.load %arg4[%get3A_662, %get3A_663] : memref<16x100xf32, #tpu.memory_space<vmem>>, vector<16x1xf32>
    %mul3A_665 = vector.broadcast %get3A_664 : vector<16x1xf32> to vector<16x2048xf32>
    %mul3A_666 = vector.broadcast %get3A_661 : vector<1x2048xf32> to vector<16x2048xf32>
    %mul3A_667 = arith.mulf %mul3A_665, %mul3A_666 : vector<16x2048xf32>
    %swap3A_668 = arith.constant 44 : index
    %swap3A_669 = arith.constant 0 : index
    %swap3A_670 = arith.constant 0 : index
    %swap3A_671 = vector.load %arg3[%swap3A_668, %swap3A_669, %swap3A_670] : memref<100x16x2048xf32, #tpu.memory_space<vmem>>, vector<1x16x2048xf32>
    %swap3A_672 = vector.shape_cast %swap3A_671 : vector<1x16x2048xf32> to vector<16x2048xf32>
    %swap3A_673 = vector.shape_cast %mul3A_667 : vector<16x2048xf32> to vector<1x16x2048xf32>
    tpu.vector_store %arg3[%swap3A_668, %swap3A_669, %swap3A_670], %swap3A_673 {strides = array<i32>} : memref<100x16x2048xf32, #tpu.memory_space<vmem>>, vector<1x16x2048xf32>,
    %get3A_674 = arith.constant 45 : index
    %get3A_675 = arith.constant 0 : index
    %get3A_676 = vector.load %arg2[%get3A_674, %get3A_675] : memref<100x2048xf32, #tpu.memory_space<vmem>>, vector<1x2048xf32>
    %get3A_677 = arith.constant 0 : index
    %get3A_678 = arith.constant 45 : index
    %get3A_679 = vector.load %arg4[%get3A_677, %get3A_678] : memref<16x100xf32, #tpu.memory_space<vmem>>, vector<16x1xf32>
    %mul3A_680 = vector.broadcast %get3A_679 : vector<16x1xf32> to vector<16x2048xf32>
    %mul3A_681 = vector.broadcast %get3A_676 : vector<1x2048xf32> to vector<16x2048xf32>
    %mul3A_682 = arith.mulf %mul3A_680, %mul3A_681 : vector<16x2048xf32>
    %swap3A_683 = arith.constant 45 : index
    %swap3A_684 = arith.constant 0 : index
    %swap3A_685 = arith.constant 0 : index
    %swap3A_686 = vector.load %arg3[%swap3A_683, %swap3A_684, %swap3A_685] : memref<100x16x2048xf32, #tpu.memory_space<vmem>>, vector<1x16x2048xf32>
    %swap3A_687 = vector.shape_cast %swap3A_686 : vector<1x16x2048xf32> to vector<16x2048xf32>
    %swap3A_688 = vector.shape_cast %mul3A_682 : vector<16x2048xf32> to vector<1x16x2048xf32>
    tpu.vector_store %arg3[%swap3A_683, %swap3A_684, %swap3A_685], %swap3A_688 {strides = array<i32>} : memref<100x16x2048xf32, #tpu.memory_space<vmem>>, vector<1x16x2048xf32>,
    %get3A_689 = arith.constant 46 : index
    %get3A_690 = arith.constant 0 : index
    %get3A_691 = vector.load %arg2[%get3A_689, %get3A_690] : memref<100x2048xf32, #tpu.memory_space<vmem>>, vector<1x2048xf32>
    %get3A_692 = arith.constant 0 : index
    %get3A_693 = arith.constant 46 : index
    %get3A_694 = vector.load %arg4[%get3A_692, %get3A_693] : memref<16x100xf32, #tpu.memory_space<vmem>>, vector<16x1xf32>
    %mul3A_695 = vector.broadcast %get3A_694 : vector<16x1xf32> to vector<16x2048xf32>
    %mul3A_696 = vector.broadcast %get3A_691 : vector<1x2048xf32> to vector<16x2048xf32>
    %mul3A_697 = arith.mulf %mul3A_695, %mul3A_696 : vector<16x2048xf32>
    %swap3A_698 = arith.constant 46 : index
    %swap3A_699 = arith.constant 0 : index
    %swap3A_700 = arith.constant 0 : index
    %swap3A_701 = vector.load %arg3[%swap3A_698, %swap3A_699, %swap3A_700] : memref<100x16x2048xf32, #tpu.memory_space<vmem>>, vector<1x16x2048xf32>
    %swap3A_702 = vector.shape_cast %swap3A_701 : vector<1x16x2048xf32> to vector<16x2048xf32>
    %swap3A_703 = vector.shape_cast %mul3A_697 : vector<16x2048xf32> to vector<1x16x2048xf32>
    tpu.vector_store %arg3[%swap3A_698, %swap3A_699, %swap3A_700], %swap3A_703 {strides = array<i32>} : memref<100x16x2048xf32, #tpu.memory_space<vmem>>, vector<1x16x2048xf32>,
    %get3A_704 = arith.constant 47 : index
    %get3A_705 = arith.constant 0 : index
    %get3A_706 = vector.load %arg2[%get3A_704, %get3A_705] : memref<100x2048xf32, #tpu.memory_space<vmem>>, vector<1x2048xf32>
    %get3A_707 = arith.constant 0 : index
    %get3A_708 = arith.constant 47 : index
    %get3A_709 = vector.load %arg4[%get3A_707, %get3A_708] : memref<16x100xf32, #tpu.memory_space<vmem>>, vector<16x1xf32>
    %mul3A_710 = vector.broadcast %get3A_709 : vector<16x1xf32> to vector<16x2048xf32>
    %mul3A_711 = vector.broadcast %get3A_706 : vector<1x2048xf32> to vector<16x2048xf32>
    %mul3A_712 = arith.mulf %mul3A_710, %mul3A_711 : vector<16x2048xf32>
    %swap3A_713 = arith.constant 47 : index
    %swap3A_714 = arith.constant 0 : index
    %swap3A_715 = arith.constant 0 : index
    %swap3A_716 = vector.load %arg3[%swap3A_713, %swap3A_714, %swap3A_715] : memref<100x16x2048xf32, #tpu.memory_space<vmem>>, vector<1x16x2048xf32>
    %swap3A_717 = vector.shape_cast %swap3A_716 : vector<1x16x2048xf32> to vector<16x2048xf32>
    %swap3A_718 = vector.shape_cast %mul3A_712 : vector<16x2048xf32> to vector<1x16x2048xf32>
    tpu.vector_store %arg3[%swap3A_713, %swap3A_714, %swap3A_715], %swap3A_718 {strides = array<i32>} : memref<100x16x2048xf32, #tpu.memory_space<vmem>>, vector<1x16x2048xf32>,
    %get3A_719 = arith.constant 48 : index
    %get3A_720 = arith.constant 0 : index
    %get3A_721 = vector.load %arg2[%get3A_719, %get3A_720] : memref<100x2048xf32, #tpu.memory_space<vmem>>, vector<1x2048xf32>
    %get3A_722 = arith.constant 0 : index
    %get3A_723 = arith.constant 48 : index
    %get3A_724 = vector.load %arg4[%get3A_722, %get3A_723] : memref<16x100xf32, #tpu.memory_space<vmem>>, vector<16x1xf32>
    %mul3A_725 = vector.broadcast %get3A_724 : vector<16x1xf32> to vector<16x2048xf32>
    %mul3A_726 = vector.broadcast %get3A_721 : vector<1x2048xf32> to vector<16x2048xf32>
    %mul3A_727 = arith.mulf %mul3A_725, %mul3A_726 : vector<16x2048xf32>
    %swap3A_728 = arith.constant 48 : index
    %swap3A_729 = arith.constant 0 : index
    %swap3A_730 = arith.constant 0 : index
    %swap3A_731 = vector.load %arg3[%swap3A_728, %swap3A_729, %swap3A_730] : memref<100x16x2048xf32, #tpu.memory_space<vmem>>, vector<1x16x2048xf32>
    %swap3A_732 = vector.shape_cast %swap3A_731 : vector<1x16x2048xf32> to vector<16x2048xf32>
    %swap3A_733 = vector.shape_cast %mul3A_727 : vector<16x2048xf32> to vector<1x16x2048xf32>
    tpu.vector_store %arg3[%swap3A_728, %swap3A_729, %swap3A_730], %swap3A_733 {strides = array<i32>} : memref<100x16x2048xf32, #tpu.memory_space<vmem>>, vector<1x16x2048xf32>,
    %get3A_734 = arith.constant 49 : index
    %get3A_735 = arith.constant 0 : index
    %get3A_736 = vector.load %arg2[%get3A_734, %get3A_735] : memref<100x2048xf32, #tpu.memory_space<vmem>>, vector<1x2048xf32>
    %get3A_737 = arith.constant 0 : index
    %get3A_738 = arith.constant 49 : index
    %get3A_739 = vector.load %arg4[%get3A_737, %get3A_738] : memref<16x100xf32, #tpu.memory_space<vmem>>, vector<16x1xf32>
    %mul3A_740 = vector.broadcast %get3A_739 : vector<16x1xf32> to vector<16x2048xf32>
    %mul3A_741 = vector.broadcast %get3A_736 : vector<1x2048xf32> to vector<16x2048xf32>
    %mul3A_742 = arith.mulf %mul3A_740, %mul3A_741 : vector<16x2048xf32>
    %swap3A_743 = arith.constant 49 : index
    %swap3A_744 = arith.constant 0 : index
    %swap3A_745 = arith.constant 0 : index
    %swap3A_746 = vector.load %arg3[%swap3A_743, %swap3A_744, %swap3A_745] : memref<100x16x2048xf32, #tpu.memory_space<vmem>>, vector<1x16x2048xf32>
    %swap3A_747 = vector.shape_cast %swap3A_746 : vector<1x16x2048xf32> to vector<16x2048xf32>
    %swap3A_748 = vector.shape_cast %mul3A_742 : vector<16x2048xf32> to vector<1x16x2048xf32>
    tpu.vector_store %arg3[%swap3A_743, %swap3A_744, %swap3A_745], %swap3A_748 {strides = array<i32>} : memref<100x16x2048xf32, #tpu.memory_space<vmem>>, vector<1x16x2048xf32>,
    %get3A_749 = arith.constant 50 : index
    %get3A_750 = arith.constant 0 : index
    %get3A_751 = vector.load %arg2[%get3A_749, %get3A_750] : memref<100x2048xf32, #tpu.memory_space<vmem>>, vector<1x2048xf32>
    %get3A_752 = arith.constant 0 : index
    %get3A_753 = arith.constant 50 : index
    %get3A_754 = vector.load %arg4[%get3A_752, %get3A_753] : memref<16x100xf32, #tpu.memory_space<vmem>>, vector<16x1xf32>
    %mul3A_755 = vector.broadcast %get3A_754 : vector<16x1xf32> to vector<16x2048xf32>
    %mul3A_756 = vector.broadcast %get3A_751 : vector<1x2048xf32> to vector<16x2048xf32>
    %mul3A_757 = arith.mulf %mul3A_755, %mul3A_756 : vector<16x2048xf32>
    %swap3A_758 = arith.constant 50 : index
    %swap3A_759 = arith.constant 0 : index
    %swap3A_760 = arith.constant 0 : index
    %swap3A_761 = vector.load %arg3[%swap3A_758, %swap3A_759, %swap3A_760] : memref<100x16x2048xf32, #tpu.memory_space<vmem>>, vector<1x16x2048xf32>
    %swap3A_762 = vector.shape_cast %swap3A_761 : vector<1x16x2048xf32> to vector<16x2048xf32>
    %swap3A_763 = vector.shape_cast %mul3A_757 : vector<16x2048xf32> to vector<1x16x2048xf32>
    tpu.vector_store %arg3[%swap3A_758, %swap3A_759, %swap3A_760], %swap3A_763 {strides = array<i32>} : memref<100x16x2048xf32, #tpu.memory_space<vmem>>, vector<1x16x2048xf32>,
    %get3A_764 = arith.constant 51 : index
    %get3A_765 = arith.constant 0 : index
    %get3A_766 = vector.load %arg2[%get3A_764, %get3A_765] : memref<100x2048xf32, #tpu.memory_space<vmem>>, vector<1x2048xf32>
    %get3A_767 = arith.constant 0 : index
    %get3A_768 = arith.constant 51 : index
    %get3A_769 = vector.load %arg4[%get3A_767, %get3A_768] : memref<16x100xf32, #tpu.memory_space<vmem>>, vector<16x1xf32>
    %mul3A_770 = vector.broadcast %get3A_769 : vector<16x1xf32> to vector<16x2048xf32>
    %mul3A_771 = vector.broadcast %get3A_766 : vector<1x2048xf32> to vector<16x2048xf32>
    %mul3A_772 = arith.mulf %mul3A_770, %mul3A_771 : vector<16x2048xf32>
    %swap3A_773 = arith.constant 51 : index
    %swap3A_774 = arith.constant 0 : index
    %swap3A_775 = arith.constant 0 : index
    %swap3A_776 = vector.load %arg3[%swap3A_773, %swap3A_774, %swap3A_775] : memref<100x16x2048xf32, #tpu.memory_space<vmem>>, vector<1x16x2048xf32>
    %swap3A_777 = vector.shape_cast %swap3A_776 : vector<1x16x2048xf32> to vector<16x2048xf32>
    %swap3A_778 = vector.shape_cast %mul3A_772 : vector<16x2048xf32> to vector<1x16x2048xf32>
    tpu.vector_store %arg3[%swap3A_773, %swap3A_774, %swap3A_775], %swap3A_778 {strides = array<i32>} : memref<100x16x2048xf32, #tpu.memory_space<vmem>>, vector<1x16x2048xf32>,
    %get3A_779 = arith.constant 52 : index
    %get3A_780 = arith.constant 0 : index
    %get3A_781 = vector.load %arg2[%get3A_779, %get3A_780] : memref<100x2048xf32, #tpu.memory_space<vmem>>, vector<1x2048xf32>
    %get3A_782 = arith.constant 0 : index
    %get3A_783 = arith.constant 52 : index
    %get3A_784 = vector.load %arg4[%get3A_782, %get3A_783] : memref<16x100xf32, #tpu.memory_space<vmem>>, vector<16x1xf32>
    %mul3A_785 = vector.broadcast %get3A_784 : vector<16x1xf32> to vector<16x2048xf32>
    %mul3A_786 = vector.broadcast %get3A_781 : vector<1x2048xf32> to vector<16x2048xf32>
    %mul3A_787 = arith.mulf %mul3A_785, %mul3A_786 : vector<16x2048xf32>
    %swap3A_788 = arith.constant 52 : index
    %swap3A_789 = arith.constant 0 : index
    %swap3A_790 = arith.constant 0 : index
    %swap3A_791 = vector.load %arg3[%swap3A_788, %swap3A_789, %swap3A_790] : memref<100x16x2048xf32, #tpu.memory_space<vmem>>, vector<1x16x2048xf32>
    %swap3A_792 = vector.shape_cast %swap3A_791 : vector<1x16x2048xf32> to vector<16x2048xf32>
    %swap3A_793 = vector.shape_cast %mul3A_787 : vector<16x2048xf32> to vector<1x16x2048xf32>
    tpu.vector_store %arg3[%swap3A_788, %swap3A_789, %swap3A_790], %swap3A_793 {strides = array<i32>} : memref<100x16x2048xf32, #tpu.memory_space<vmem>>, vector<1x16x2048xf32>,
    %get3A_794 = arith.constant 53 : index
    %get3A_795 = arith.constant 0 : index
    %get3A_796 = vector.load %arg2[%get3A_794, %get3A_795] : memref<100x2048xf32, #tpu.memory_space<vmem>>, vector<1x2048xf32>
    %get3A_797 = arith.constant 0 : index
    %get3A_798 = arith.constant 53 : index
    %get3A_799 = vector.load %arg4[%get3A_797, %get3A_798] : memref<16x100xf32, #tpu.memory_space<vmem>>, vector<16x1xf32>
    %mul3A_800 = vector.broadcast %get3A_799 : vector<16x1xf32> to vector<16x2048xf32>
    %mul3A_801 = vector.broadcast %get3A_796 : vector<1x2048xf32> to vector<16x2048xf32>
    %mul3A_802 = arith.mulf %mul3A_800, %mul3A_801 : vector<16x2048xf32>
    %swap3A_803 = arith.constant 53 : index
    %swap3A_804 = arith.constant 0 : index
    %swap3A_805 = arith.constant 0 : index
    %swap3A_806 = vector.load %arg3[%swap3A_803, %swap3A_804, %swap3A_805] : memref<100x16x2048xf32, #tpu.memory_space<vmem>>, vector<1x16x2048xf32>
    %swap3A_807 = vector.shape_cast %swap3A_806 : vector<1x16x2048xf32> to vector<16x2048xf32>
    %swap3A_808 = vector.shape_cast %mul3A_802 : vector<16x2048xf32> to vector<1x16x2048xf32>
    tpu.vector_store %arg3[%swap3A_803, %swap3A_804, %swap3A_805], %swap3A_808 {strides = array<i32>} : memref<100x16x2048xf32, #tpu.memory_space<vmem>>, vector<1x16x2048xf32>,
    %get3A_809 = arith.constant 54 : index
    %get3A_810 = arith.constant 0 : index
    %get3A_811 = vector.load %arg2[%get3A_809, %get3A_810] : memref<100x2048xf32, #tpu.memory_space<vmem>>, vector<1x2048xf32>
    %get3A_812 = arith.constant 0 : index
    %get3A_813 = arith.constant 54 : index
    %get3A_814 = vector.load %arg4[%get3A_812, %get3A_813] : memref<16x100xf32, #tpu.memory_space<vmem>>, vector<16x1xf32>
    %mul3A_815 = vector.broadcast %get3A_814 : vector<16x1xf32> to vector<16x2048xf32>
    %mul3A_816 = vector.broadcast %get3A_811 : vector<1x2048xf32> to vector<16x2048xf32>
    %mul3A_817 = arith.mulf %mul3A_815, %mul3A_816 : vector<16x2048xf32>
    %swap3A_818 = arith.constant 54 : index
    %swap3A_819 = arith.constant 0 : index
    %swap3A_820 = arith.constant 0 : index
    %swap3A_821 = vector.load %arg3[%swap3A_818, %swap3A_819, %swap3A_820] : memref<100x16x2048xf32, #tpu.memory_space<vmem>>, vector<1x16x2048xf32>
    %swap3A_822 = vector.shape_cast %swap3A_821 : vector<1x16x2048xf32> to vector<16x2048xf32>
    %swap3A_823 = vector.shape_cast %mul3A_817 : vector<16x2048xf32> to vector<1x16x2048xf32>
    tpu.vector_store %arg3[%swap3A_818, %swap3A_819, %swap3A_820], %swap3A_823 {strides = array<i32>} : memref<100x16x2048xf32, #tpu.memory_space<vmem>>, vector<1x16x2048xf32>,
    %get3A_824 = arith.constant 55 : index
    %get3A_825 = arith.constant 0 : index
    %get3A_826 = vector.load %arg2[%get3A_824, %get3A_825] : memref<100x2048xf32, #tpu.memory_space<vmem>>, vector<1x2048xf32>
    %get3A_827 = arith.constant 0 : index
    %get3A_828 = arith.constant 55 : index
    %get3A_829 = vector.load %arg4[%get3A_827, %get3A_828] : memref<16x100xf32, #tpu.memory_space<vmem>>, vector<16x1xf32>
    %mul3A_830 = vector.broadcast %get3A_829 : vector<16x1xf32> to vector<16x2048xf32>
    %mul3A_831 = vector.broadcast %get3A_826 : vector<1x2048xf32> to vector<16x2048xf32>
    %mul3A_832 = arith.mulf %mul3A_830, %mul3A_831 : vector<16x2048xf32>
    %swap3A_833 = arith.constant 55 : index
    %swap3A_834 = arith.constant 0 : index
    %swap3A_835 = arith.constant 0 : index
    %swap3A_836 = vector.load %arg3[%swap3A_833, %swap3A_834, %swap3A_835] : memref<100x16x2048xf32, #tpu.memory_space<vmem>>, vector<1x16x2048xf32>
    %swap3A_837 = vector.shape_cast %swap3A_836 : vector<1x16x2048xf32> to vector<16x2048xf32>
    %swap3A_838 = vector.shape_cast %mul3A_832 : vector<16x2048xf32> to vector<1x16x2048xf32>
    tpu.vector_store %arg3[%swap3A_833, %swap3A_834, %swap3A_835], %swap3A_838 {strides = array<i32>} : memref<100x16x2048xf32, #tpu.memory_space<vmem>>, vector<1x16x2048xf32>,
    %get3A_839 = arith.constant 56 : index
    %get3A_840 = arith.constant 0 : index
    %get3A_841 = vector.load %arg2[%get3A_839, %get3A_840] : memref<100x2048xf32, #tpu.memory_space<vmem>>, vector<1x2048xf32>
    %get3A_842 = arith.constant 0 : index
    %get3A_843 = arith.constant 56 : index
    %get3A_844 = vector.load %arg4[%get3A_842, %get3A_843] : memref<16x100xf32, #tpu.memory_space<vmem>>, vector<16x1xf32>
    %mul3A_845 = vector.broadcast %get3A_844 : vector<16x1xf32> to vector<16x2048xf32>
    %mul3A_846 = vector.broadcast %get3A_841 : vector<1x2048xf32> to vector<16x2048xf32>
    %mul3A_847 = arith.mulf %mul3A_845, %mul3A_846 : vector<16x2048xf32>
    %swap3A_848 = arith.constant 56 : index
    %swap3A_849 = arith.constant 0 : index
    %swap3A_850 = arith.constant 0 : index
    %swap3A_851 = vector.load %arg3[%swap3A_848, %swap3A_849, %swap3A_850] : memref<100x16x2048xf32, #tpu.memory_space<vmem>>, vector<1x16x2048xf32>
    %swap3A_852 = vector.shape_cast %swap3A_851 : vector<1x16x2048xf32> to vector<16x2048xf32>
    %swap3A_853 = vector.shape_cast %mul3A_847 : vector<16x2048xf32> to vector<1x16x2048xf32>
    tpu.vector_store %arg3[%swap3A_848, %swap3A_849, %swap3A_850], %swap3A_853 {strides = array<i32>} : memref<100x16x2048xf32, #tpu.memory_space<vmem>>, vector<1x16x2048xf32>,
    %get3A_854 = arith.constant 57 : index
    %get3A_855 = arith.constant 0 : index
    %get3A_856 = vector.load %arg2[%get3A_854, %get3A_855] : memref<100x2048xf32, #tpu.memory_space<vmem>>, vector<1x2048xf32>
    %get3A_857 = arith.constant 0 : index
    %get3A_858 = arith.constant 57 : index
    %get3A_859 = vector.load %arg4[%get3A_857, %get3A_858] : memref<16x100xf32, #tpu.memory_space<vmem>>, vector<16x1xf32>
    %mul3A_860 = vector.broadcast %get3A_859 : vector<16x1xf32> to vector<16x2048xf32>
    %mul3A_861 = vector.broadcast %get3A_856 : vector<1x2048xf32> to vector<16x2048xf32>
    %mul3A_862 = arith.mulf %mul3A_860, %mul3A_861 : vector<16x2048xf32>
    %swap3A_863 = arith.constant 57 : index
    %swap3A_864 = arith.constant 0 : index
    %swap3A_865 = arith.constant 0 : index
    %swap3A_866 = vector.load %arg3[%swap3A_863, %swap3A_864, %swap3A_865] : memref<100x16x2048xf32, #tpu.memory_space<vmem>>, vector<1x16x2048xf32>
    %swap3A_867 = vector.shape_cast %swap3A_866 : vector<1x16x2048xf32> to vector<16x2048xf32>
    %swap3A_868 = vector.shape_cast %mul3A_862 : vector<16x2048xf32> to vector<1x16x2048xf32>
    tpu.vector_store %arg3[%swap3A_863, %swap3A_864, %swap3A_865], %swap3A_868 {strides = array<i32>} : memref<100x16x2048xf32, #tpu.memory_space<vmem>>, vector<1x16x2048xf32>,
    %get3A_869 = arith.constant 58 : index
    %get3A_870 = arith.constant 0 : index
    %get3A_871 = vector.load %arg2[%get3A_869, %get3A_870] : memref<100x2048xf32, #tpu.memory_space<vmem>>, vector<1x2048xf32>
    %get3A_872 = arith.constant 0 : index
    %get3A_873 = arith.constant 58 : index
    %get3A_874 = vector.load %arg4[%get3A_872, %get3A_873] : memref<16x100xf32, #tpu.memory_space<vmem>>, vector<16x1xf32>
    %mul3A_875 = vector.broadcast %get3A_874 : vector<16x1xf32> to vector<16x2048xf32>
    %mul3A_876 = vector.broadcast %get3A_871 : vector<1x2048xf32> to vector<16x2048xf32>
    %mul3A_877 = arith.mulf %mul3A_875, %mul3A_876 : vector<16x2048xf32>
    %swap3A_878 = arith.constant 58 : index
    %swap3A_879 = arith.constant 0 : index
    %swap3A_880 = arith.constant 0 : index
    %swap3A_881 = vector.load %arg3[%swap3A_878, %swap3A_879, %swap3A_880] : memref<100x16x2048xf32, #tpu.memory_space<vmem>>, vector<1x16x2048xf32>
    %swap3A_882 = vector.shape_cast %swap3A_881 : vector<1x16x2048xf32> to vector<16x2048xf32>
    %swap3A_883 = vector.shape_cast %mul3A_877 : vector<16x2048xf32> to vector<1x16x2048xf32>
    tpu.vector_store %arg3[%swap3A_878, %swap3A_879, %swap3A_880], %swap3A_883 {strides = array<i32>} : memref<100x16x2048xf32, #tpu.memory_space<vmem>>, vector<1x16x2048xf32>,
    %get3A_884 = arith.constant 59 : index
    %get3A_885 = arith.constant 0 : index
    %get3A_886 = vector.load %arg2[%get3A_884, %get3A_885] : memref<100x2048xf32, #tpu.memory_space<vmem>>, vector<1x2048xf32>
    %get3A_887 = arith.constant 0 : index
    %get3A_888 = arith.constant 59 : index
    %get3A_889 = vector.load %arg4[%get3A_887, %get3A_888] : memref<16x100xf32, #tpu.memory_space<vmem>>, vector<16x1xf32>
    %mul3A_890 = vector.broadcast %get3A_889 : vector<16x1xf32> to vector<16x2048xf32>
    %mul3A_891 = vector.broadcast %get3A_886 : vector<1x2048xf32> to vector<16x2048xf32>
    %mul3A_892 = arith.mulf %mul3A_890, %mul3A_891 : vector<16x2048xf32>
    %swap3A_893 = arith.constant 59 : index
    %swap3A_894 = arith.constant 0 : index
    %swap3A_895 = arith.constant 0 : index
    %swap3A_896 = vector.load %arg3[%swap3A_893, %swap3A_894, %swap3A_895] : memref<100x16x2048xf32, #tpu.memory_space<vmem>>, vector<1x16x2048xf32>
    %swap3A_897 = vector.shape_cast %swap3A_896 : vector<1x16x2048xf32> to vector<16x2048xf32>
    %swap3A_898 = vector.shape_cast %mul3A_892 : vector<16x2048xf32> to vector<1x16x2048xf32>
    tpu.vector_store %arg3[%swap3A_893, %swap3A_894, %swap3A_895], %swap3A_898 {strides = array<i32>} : memref<100x16x2048xf32, #tpu.memory_space<vmem>>, vector<1x16x2048xf32>,
    %get3A_899 = arith.constant 60 : index
    %get3A_900 = arith.constant 0 : index
    %get3A_901 = vector.load %arg2[%get3A_899, %get3A_900] : memref<100x2048xf32, #tpu.memory_space<vmem>>, vector<1x2048xf32>
    %get3A_902 = arith.constant 0 : index
    %get3A_903 = arith.constant 60 : index
    %get3A_904 = vector.load %arg4[%get3A_902, %get3A_903] : memref<16x100xf32, #tpu.memory_space<vmem>>, vector<16x1xf32>
    %mul3A_905 = vector.broadcast %get3A_904 : vector<16x1xf32> to vector<16x2048xf32>
    %mul3A_906 = vector.broadcast %get3A_901 : vector<1x2048xf32> to vector<16x2048xf32>
    %mul3A_907 = arith.mulf %mul3A_905, %mul3A_906 : vector<16x2048xf32>
    %swap3A_908 = arith.constant 60 : index
    %swap3A_909 = arith.constant 0 : index
    %swap3A_910 = arith.constant 0 : index
    %swap3A_911 = vector.load %arg3[%swap3A_908, %swap3A_909, %swap3A_910] : memref<100x16x2048xf32, #tpu.memory_space<vmem>>, vector<1x16x2048xf32>
    %swap3A_912 = vector.shape_cast %swap3A_911 : vector<1x16x2048xf32> to vector<16x2048xf32>
    %swap3A_913 = vector.shape_cast %mul3A_907 : vector<16x2048xf32> to vector<1x16x2048xf32>
    tpu.vector_store %arg3[%swap3A_908, %swap3A_909, %swap3A_910], %swap3A_913 {strides = array<i32>} : memref<100x16x2048xf32, #tpu.memory_space<vmem>>, vector<1x16x2048xf32>,
    %get3A_914 = arith.constant 61 : index
    %get3A_915 = arith.constant 0 : index
    %get3A_916 = vector.load %arg2[%get3A_914, %get3A_915] : memref<100x2048xf32, #tpu.memory_space<vmem>>, vector<1x2048xf32>
    %get3A_917 = arith.constant 0 : index
    %get3A_918 = arith.constant 61 : index
    %get3A_919 = vector.load %arg4[%get3A_917, %get3A_918] : memref<16x100xf32, #tpu.memory_space<vmem>>, vector<16x1xf32>
    %mul3A_920 = vector.broadcast %get3A_919 : vector<16x1xf32> to vector<16x2048xf32>
    %mul3A_921 = vector.broadcast %get3A_916 : vector<1x2048xf32> to vector<16x2048xf32>
    %mul3A_922 = arith.mulf %mul3A_920, %mul3A_921 : vector<16x2048xf32>
    %swap3A_923 = arith.constant 61 : index
    %swap3A_924 = arith.constant 0 : index
    %swap3A_925 = arith.constant 0 : index
    %swap3A_926 = vector.load %arg3[%swap3A_923, %swap3A_924, %swap3A_925] : memref<100x16x2048xf32, #tpu.memory_space<vmem>>, vector<1x16x2048xf32>
    %swap3A_927 = vector.shape_cast %swap3A_926 : vector<1x16x2048xf32> to vector<16x2048xf32>
    %swap3A_928 = vector.shape_cast %mul3A_922 : vector<16x2048xf32> to vector<1x16x2048xf32>
    tpu.vector_store %arg3[%swap3A_923, %swap3A_924, %swap3A_925], %swap3A_928 {strides = array<i32>} : memref<100x16x2048xf32, #tpu.memory_space<vmem>>, vector<1x16x2048xf32>,
    %get3A_929 = arith.constant 62 : index
    %get3A_930 = arith.constant 0 : index
    %get3A_931 = vector.load %arg2[%get3A_929, %get3A_930] : memref<100x2048xf32, #tpu.memory_space<vmem>>, vector<1x2048xf32>
    %get3A_932 = arith.constant 0 : index
    %get3A_933 = arith.constant 62 : index
    %get3A_934 = vector.load %arg4[%get3A_932, %get3A_933] : memref<16x100xf32, #tpu.memory_space<vmem>>, vector<16x1xf32>
    %mul3A_935 = vector.broadcast %get3A_934 : vector<16x1xf32> to vector<16x2048xf32>
    %mul3A_936 = vector.broadcast %get3A_931 : vector<1x2048xf32> to vector<16x2048xf32>
    %mul3A_937 = arith.mulf %mul3A_935, %mul3A_936 : vector<16x2048xf32>
    %swap3A_938 = arith.constant 62 : index
    %swap3A_939 = arith.constant 0 : index
    %swap3A_940 = arith.constant 0 : index
    %swap3A_941 = vector.load %arg3[%swap3A_938, %swap3A_939, %swap3A_940] : memref<100x16x2048xf32, #tpu.memory_space<vmem>>, vector<1x16x2048xf32>
    %swap3A_942 = vector.shape_cast %swap3A_941 : vector<1x16x2048xf32> to vector<16x2048xf32>
    %swap3A_943 = vector.shape_cast %mul3A_937 : vector<16x2048xf32> to vector<1x16x2048xf32>
    tpu.vector_store %arg3[%swap3A_938, %swap3A_939, %swap3A_940], %swap3A_943 {strides = array<i32>} : memref<100x16x2048xf32, #tpu.memory_space<vmem>>, vector<1x16x2048xf32>,
    %get3A_944 = arith.constant 63 : index
    %get3A_945 = arith.constant 0 : index
    %get3A_946 = vector.load %arg2[%get3A_944, %get3A_945] : memref<100x2048xf32, #tpu.memory_space<vmem>>, vector<1x2048xf32>
    %get3A_947 = arith.constant 0 : index
    %get3A_948 = arith.constant 63 : index
    %get3A_949 = vector.load %arg4[%get3A_947, %get3A_948] : memref<16x100xf32, #tpu.memory_space<vmem>>, vector<16x1xf32>
    %mul3A_950 = vector.broadcast %get3A_949 : vector<16x1xf32> to vector<16x2048xf32>
    %mul3A_951 = vector.broadcast %get3A_946 : vector<1x2048xf32> to vector<16x2048xf32>
    %mul3A_952 = arith.mulf %mul3A_950, %mul3A_951 : vector<16x2048xf32>
    %swap3A_953 = arith.constant 63 : index
    %swap3A_954 = arith.constant 0 : index
    %swap3A_955 = arith.constant 0 : index
    %swap3A_956 = vector.load %arg3[%swap3A_953, %swap3A_954, %swap3A_955] : memref<100x16x2048xf32, #tpu.memory_space<vmem>>, vector<1x16x2048xf32>
    %swap3A_957 = vector.shape_cast %swap3A_956 : vector<1x16x2048xf32> to vector<16x2048xf32>
    %swap3A_958 = vector.shape_cast %mul3A_952 : vector<16x2048xf32> to vector<1x16x2048xf32>
    tpu.vector_store %arg3[%swap3A_953, %swap3A_954, %swap3A_955], %swap3A_958 {strides = array<i32>} : memref<100x16x2048xf32, #tpu.memory_space<vmem>>, vector<1x16x2048xf32>,
    %get3A_959 = arith.constant 64 : index
    %get3A_960 = arith.constant 0 : index
    %get3A_961 = vector.load %arg2[%get3A_959, %get3A_960] : memref<100x2048xf32, #tpu.memory_space<vmem>>, vector<1x2048xf32>
    %get3A_962 = arith.constant 0 : index
    %get3A_963 = arith.constant 64 : index
    %get3A_964 = vector.load %arg4[%get3A_962, %get3A_963] : memref<16x100xf32, #tpu.memory_space<vmem>>, vector<16x1xf32>
    %mul3A_965 = vector.broadcast %get3A_964 : vector<16x1xf32> to vector<16x2048xf32>
    %mul3A_966 = vector.broadcast %get3A_961 : vector<1x2048xf32> to vector<16x2048xf32>
    %mul3A_967 = arith.mulf %mul3A_965, %mul3A_966 : vector<16x2048xf32>
    %swap3A_968 = arith.constant 64 : index
    %swap3A_969 = arith.constant 0 : index
    %swap3A_970 = arith.constant 0 : index
    %swap3A_971 = vector.load %arg3[%swap3A_968, %swap3A_969, %swap3A_970] : memref<100x16x2048xf32, #tpu.memory_space<vmem>>, vector<1x16x2048xf32>
    %swap3A_972 = vector.shape_cast %swap3A_971 : vector<1x16x2048xf32> to vector<16x2048xf32>
    %swap3A_973 = vector.shape_cast %mul3A_967 : vector<16x2048xf32> to vector<1x16x2048xf32>
    tpu.vector_store %arg3[%swap3A_968, %swap3A_969, %swap3A_970], %swap3A_973 {strides = array<i32>} : memref<100x16x2048xf32, #tpu.memory_space<vmem>>, vector<1x16x2048xf32>,
    %get3A_974 = arith.constant 65 : index
    %get3A_975 = arith.constant 0 : index
    %get3A_976 = vector.load %arg2[%get3A_974, %get3A_975] : memref<100x2048xf32, #tpu.memory_space<vmem>>, vector<1x2048xf32>
    %get3A_977 = arith.constant 0 : index
    %get3A_978 = arith.constant 65 : index
    %get3A_979 = vector.load %arg4[%get3A_977, %get3A_978] : memref<16x100xf32, #tpu.memory_space<vmem>>, vector<16x1xf32>
    %mul3A_980 = vector.broadcast %get3A_979 : vector<16x1xf32> to vector<16x2048xf32>
    %mul3A_981 = vector.broadcast %get3A_976 : vector<1x2048xf32> to vector<16x2048xf32>
    %mul3A_982 = arith.mulf %mul3A_980, %mul3A_981 : vector<16x2048xf32>
    %swap3A_983 = arith.constant 65 : index
    %swap3A_984 = arith.constant 0 : index
    %swap3A_985 = arith.constant 0 : index
    %swap3A_986 = vector.load %arg3[%swap3A_983, %swap3A_984, %swap3A_985] : memref<100x16x2048xf32, #tpu.memory_space<vmem>>, vector<1x16x2048xf32>
    %swap3A_987 = vector.shape_cast %swap3A_986 : vector<1x16x2048xf32> to vector<16x2048xf32>
    %swap3A_988 = vector.shape_cast %mul3A_982 : vector<16x2048xf32> to vector<1x16x2048xf32>
    tpu.vector_store %arg3[%swap3A_983, %swap3A_984, %swap3A_985], %swap3A_988 {strides = array<i32>} : memref<100x16x2048xf32, #tpu.memory_space<vmem>>, vector<1x16x2048xf32>,
    %get3A_989 = arith.constant 66 : index
    %get3A_990 = arith.constant 0 : index
    %get3A_991 = vector.load %arg2[%get3A_989, %get3A_990] : memref<100x2048xf32, #tpu.memory_space<vmem>>, vector<1x2048xf32>
    %get3A_992 = arith.constant 0 : index
    %get3A_993 = arith.constant 66 : index
    %get3A_994 = vector.load %arg4[%get3A_992, %get3A_993] : memref<16x100xf32, #tpu.memory_space<vmem>>, vector<16x1xf32>
    %mul3A_995 = vector.broadcast %get3A_994 : vector<16x1xf32> to vector<16x2048xf32>
    %mul3A_996 = vector.broadcast %get3A_991 : vector<1x2048xf32> to vector<16x2048xf32>
    %mul3A_997 = arith.mulf %mul3A_995, %mul3A_996 : vector<16x2048xf32>
    %swap3A_998 = arith.constant 66 : index
    %swap3A_999 = arith.constant 0 : index
    %swap3A_1000 = arith.constant 0 : index
    %swap3A_1001 = vector.load %arg3[%swap3A_998, %swap3A_999, %swap3A_1000] : memref<100x16x2048xf32, #tpu.memory_space<vmem>>, vector<1x16x2048xf32>
    %swap3A_1002 = vector.shape_cast %swap3A_1001 : vector<1x16x2048xf32> to vector<16x2048xf32>
    %swap3A_1003 = vector.shape_cast %mul3A_997 : vector<16x2048xf32> to vector<1x16x2048xf32>
    tpu.vector_store %arg3[%swap3A_998, %swap3A_999, %swap3A_1000], %swap3A_1003 {strides = array<i32>} : memref<100x16x2048xf32, #tpu.memory_space<vmem>>, vector<1x16x2048xf32>,
    %get3A_1004 = arith.constant 67 : index
    %get3A_1005 = arith.constant 0 : index
    %get3A_1006 = vector.load %arg2[%get3A_1004, %get3A_1005] : memref<100x2048xf32, #tpu.memory_space<vmem>>, vector<1x2048xf32>
    %get3A_1007 = arith.constant 0 : index
    %get3A_1008 = arith.constant 67 : index
    %get3A_1009 = vector.load %arg4[%get3A_1007, %get3A_1008] : memref<16x100xf32, #tpu.memory_space<vmem>>, vector<16x1xf32>
    %mul3A_1010 = vector.broadcast %get3A_1009 : vector<16x1xf32> to vector<16x2048xf32>
    %mul3A_1011 = vector.broadcast %get3A_1006 : vector<1x2048xf32> to vector<16x2048xf32>
    %mul3A_1012 = arith.mulf %mul3A_1010, %mul3A_1011 : vector<16x2048xf32>
    %swap3A_1013 = arith.constant 67 : index
    %swap3A_1014 = arith.constant 0 : index
    %swap3A_1015 = arith.constant 0 : index
    %swap3A_1016 = vector.load %arg3[%swap3A_1013, %swap3A_1014, %swap3A_1015] : memref<100x16x2048xf32, #tpu.memory_space<vmem>>, vector<1x16x2048xf32>
    %swap3A_1017 = vector.shape_cast %swap3A_1016 : vector<1x16x2048xf32> to vector<16x2048xf32>
    %swap3A_1018 = vector.shape_cast %mul3A_1012 : vector<16x2048xf32> to vector<1x16x2048xf32>
    tpu.vector_store %arg3[%swap3A_1013, %swap3A_1014, %swap3A_1015], %swap3A_1018 {strides = array<i32>} : memref<100x16x2048xf32, #tpu.memory_space<vmem>>, vector<1x16x2048xf32>,
    %get3A_1019 = arith.constant 68 : index
    %get3A_1020 = arith.constant 0 : index
    %get3A_1021 = vector.load %arg2[%get3A_1019, %get3A_1020] : memref<100x2048xf32, #tpu.memory_space<vmem>>, vector<1x2048xf32>
    %get3A_1022 = arith.constant 0 : index
    %get3A_1023 = arith.constant 68 : index
    %get3A_1024 = vector.load %arg4[%get3A_1022, %get3A_1023] : memref<16x100xf32, #tpu.memory_space<vmem>>, vector<16x1xf32>
    %mul3A_1025 = vector.broadcast %get3A_1024 : vector<16x1xf32> to vector<16x2048xf32>
    %mul3A_1026 = vector.broadcast %get3A_1021 : vector<1x2048xf32> to vector<16x2048xf32>
    %mul3A_1027 = arith.mulf %mul3A_1025, %mul3A_1026 : vector<16x2048xf32>
    %swap3A_1028 = arith.constant 68 : index
    %swap3A_1029 = arith.constant 0 : index
    %swap3A_1030 = arith.constant 0 : index
    %swap3A_1031 = vector.load %arg3[%swap3A_1028, %swap3A_1029, %swap3A_1030] : memref<100x16x2048xf32, #tpu.memory_space<vmem>>, vector<1x16x2048xf32>
    %swap3A_1032 = vector.shape_cast %swap3A_1031 : vector<1x16x2048xf32> to vector<16x2048xf32>
    %swap3A_1033 = vector.shape_cast %mul3A_1027 : vector<16x2048xf32> to vector<1x16x2048xf32>
    tpu.vector_store %arg3[%swap3A_1028, %swap3A_1029, %swap3A_1030], %swap3A_1033 {strides = array<i32>} : memref<100x16x2048xf32, #tpu.memory_space<vmem>>, vector<1x16x2048xf32>,
    %get3A_1034 = arith.constant 69 : index
    %get3A_1035 = arith.constant 0 : index
    %get3A_1036 = vector.load %arg2[%get3A_1034, %get3A_1035] : memref<100x2048xf32, #tpu.memory_space<vmem>>, vector<1x2048xf32>
    %get3A_1037 = arith.constant 0 : index
    %get3A_1038 = arith.constant 69 : index
    %get3A_1039 = vector.load %arg4[%get3A_1037, %get3A_1038] : memref<16x100xf32, #tpu.memory_space<vmem>>, vector<16x1xf32>
    %mul3A_1040 = vector.broadcast %get3A_1039 : vector<16x1xf32> to vector<16x2048xf32>
    %mul3A_1041 = vector.broadcast %get3A_1036 : vector<1x2048xf32> to vector<16x2048xf32>
    %mul3A_1042 = arith.mulf %mul3A_1040, %mul3A_1041 : vector<16x2048xf32>
    %swap3A_1043 = arith.constant 69 : index
    %swap3A_1044 = arith.constant 0 : index
    %swap3A_1045 = arith.constant 0 : index
    %swap3A_1046 = vector.load %arg3[%swap3A_1043, %swap3A_1044, %swap3A_1045] : memref<100x16x2048xf32, #tpu.memory_space<vmem>>, vector<1x16x2048xf32>
    %swap3A_1047 = vector.shape_cast %swap3A_1046 : vector<1x16x2048xf32> to vector<16x2048xf32>
    %swap3A_1048 = vector.shape_cast %mul3A_1042 : vector<16x2048xf32> to vector<1x16x2048xf32>
    tpu.vector_store %arg3[%swap3A_1043, %swap3A_1044, %swap3A_1045], %swap3A_1048 {strides = array<i32>} : memref<100x16x2048xf32, #tpu.memory_space<vmem>>, vector<1x16x2048xf32>,
    %get3A_1049 = arith.constant 70 : index
    %get3A_1050 = arith.constant 0 : index
    %get3A_1051 = vector.load %arg2[%get3A_1049, %get3A_1050] : memref<100x2048xf32, #tpu.memory_space<vmem>>, vector<1x2048xf32>
    %get3A_1052 = arith.constant 0 : index
    %get3A_1053 = arith.constant 70 : index
    %get3A_1054 = vector.load %arg4[%get3A_1052, %get3A_1053] : memref<16x100xf32, #tpu.memory_space<vmem>>, vector<16x1xf32>
    %mul3A_1055 = vector.broadcast %get3A_1054 : vector<16x1xf32> to vector<16x2048xf32>
    %mul3A_1056 = vector.broadcast %get3A_1051 : vector<1x2048xf32> to vector<16x2048xf32>
    %mul3A_1057 = arith.mulf %mul3A_1055, %mul3A_1056 : vector<16x2048xf32>
    %swap3A_1058 = arith.constant 70 : index
    %swap3A_1059 = arith.constant 0 : index
    %swap3A_1060 = arith.constant 0 : index
    %swap3A_1061 = vector.load %arg3[%swap3A_1058, %swap3A_1059, %swap3A_1060] : memref<100x16x2048xf32, #tpu.memory_space<vmem>>, vector<1x16x2048xf32>
    %swap3A_1062 = vector.shape_cast %swap3A_1061 : vector<1x16x2048xf32> to vector<16x2048xf32>
    %swap3A_1063 = vector.shape_cast %mul3A_1057 : vector<16x2048xf32> to vector<1x16x2048xf32>
    tpu.vector_store %arg3[%swap3A_1058, %swap3A_1059, %swap3A_1060], %swap3A_1063 {strides = array<i32>} : memref<100x16x2048xf32, #tpu.memory_space<vmem>>, vector<1x16x2048xf32>,
    %get3A_1064 = arith.constant 71 : index
    %get3A_1065 = arith.constant 0 : index
    %get3A_1066 = vector.load %arg2[%get3A_1064, %get3A_1065] : memref<100x2048xf32, #tpu.memory_space<vmem>>, vector<1x2048xf32>
    %get3A_1067 = arith.constant 0 : index
    %get3A_1068 = arith.constant 71 : index
    %get3A_1069 = vector.load %arg4[%get3A_1067, %get3A_1068] : memref<16x100xf32, #tpu.memory_space<vmem>>, vector<16x1xf32>
    %mul3A_1070 = vector.broadcast %get3A_1069 : vector<16x1xf32> to vector<16x2048xf32>
    %mul3A_1071 = vector.broadcast %get3A_1066 : vector<1x2048xf32> to vector<16x2048xf32>
    %mul3A_1072 = arith.mulf %mul3A_1070, %mul3A_1071 : vector<16x2048xf32>
    %swap3A_1073 = arith.constant 71 : index
    %swap3A_1074 = arith.constant 0 : index
    %swap3A_1075 = arith.constant 0 : index
    %swap3A_1076 = vector.load %arg3[%swap3A_1073, %swap3A_1074, %swap3A_1075] : memref<100x16x2048xf32, #tpu.memory_space<vmem>>, vector<1x16x2048xf32>
    %swap3A_1077 = vector.shape_cast %swap3A_1076 : vector<1x16x2048xf32> to vector<16x2048xf32>
    %swap3A_1078 = vector.shape_cast %mul3A_1072 : vector<16x2048xf32> to vector<1x16x2048xf32>
    tpu.vector_store %arg3[%swap3A_1073, %swap3A_1074, %swap3A_1075], %swap3A_1078 {strides = array<i32>} : memref<100x16x2048xf32, #tpu.memory_space<vmem>>, vector<1x16x2048xf32>,
    %get3A_1079 = arith.constant 72 : index
    %get3A_1080 = arith.constant 0 : index
    %get3A_1081 = vector.load %arg2[%get3A_1079, %get3A_1080] : memref<100x2048xf32, #tpu.memory_space<vmem>>, vector<1x2048xf32>
    %get3A_1082 = arith.constant 0 : index
    %get3A_1083 = arith.constant 72 : index
    %get3A_1084 = vector.load %arg4[%get3A_1082, %get3A_1083] : memref<16x100xf32, #tpu.memory_space<vmem>>, vector<16x1xf32>
    %mul3A_1085 = vector.broadcast %get3A_1084 : vector<16x1xf32> to vector<16x2048xf32>
    %mul3A_1086 = vector.broadcast %get3A_1081 : vector<1x2048xf32> to vector<16x2048xf32>
    %mul3A_1087 = arith.mulf %mul3A_1085, %mul3A_1086 : vector<16x2048xf32>
    %swap3A_1088 = arith.constant 72 : index
    %swap3A_1089 = arith.constant 0 : index
    %swap3A_1090 = arith.constant 0 : index
    %swap3A_1091 = vector.load %arg3[%swap3A_1088, %swap3A_1089, %swap3A_1090] : memref<100x16x2048xf32, #tpu.memory_space<vmem>>, vector<1x16x2048xf32>
    %swap3A_1092 = vector.shape_cast %swap3A_1091 : vector<1x16x2048xf32> to vector<16x2048xf32>
    %swap3A_1093 = vector.shape_cast %mul3A_1087 : vector<16x2048xf32> to vector<1x16x2048xf32>
    tpu.vector_store %arg3[%swap3A_1088, %swap3A_1089, %swap3A_1090], %swap3A_1093 {strides = array<i32>} : memref<100x16x2048xf32, #tpu.memory_space<vmem>>, vector<1x16x2048xf32>,
    %get3A_1094 = arith.constant 73 : index
    %get3A_1095 = arith.constant 0 : index
    %get3A_1096 = vector.load %arg2[%get3A_1094, %get3A_1095] : memref<100x2048xf32, #tpu.memory_space<vmem>>, vector<1x2048xf32>
    %get3A_1097 = arith.constant 0 : index
    %get3A_1098 = arith.constant 73 : index
    %get3A_1099 = vector.load %arg4[%get3A_1097, %get3A_1098] : memref<16x100xf32, #tpu.memory_space<vmem>>, vector<16x1xf32>
    %mul3A_1100 = vector.broadcast %get3A_1099 : vector<16x1xf32> to vector<16x2048xf32>
    %mul3A_1101 = vector.broadcast %get3A_1096 : vector<1x2048xf32> to vector<16x2048xf32>
    %mul3A_1102 = arith.mulf %mul3A_1100, %mul3A_1101 : vector<16x2048xf32>
    %swap3A_1103 = arith.constant 73 : index
    %swap3A_1104 = arith.constant 0 : index
    %swap3A_1105 = arith.constant 0 : index
    %swap3A_1106 = vector.load %arg3[%swap3A_1103, %swap3A_1104, %swap3A_1105] : memref<100x16x2048xf32, #tpu.memory_space<vmem>>, vector<1x16x2048xf32>
    %swap3A_1107 = vector.shape_cast %swap3A_1106 : vector<1x16x2048xf32> to vector<16x2048xf32>
    %swap3A_1108 = vector.shape_cast %mul3A_1102 : vector<16x2048xf32> to vector<1x16x2048xf32>
    tpu.vector_store %arg3[%swap3A_1103, %swap3A_1104, %swap3A_1105], %swap3A_1108 {strides = array<i32>} : memref<100x16x2048xf32, #tpu.memory_space<vmem>>, vector<1x16x2048xf32>,
    %get3A_1109 = arith.constant 74 : index
    %get3A_1110 = arith.constant 0 : index
    %get3A_1111 = vector.load %arg2[%get3A_1109, %get3A_1110] : memref<100x2048xf32, #tpu.memory_space<vmem>>, vector<1x2048xf32>
    %get3A_1112 = arith.constant 0 : index
    %get3A_1113 = arith.constant 74 : index
    %get3A_1114 = vector.load %arg4[%get3A_1112, %get3A_1113] : memref<16x100xf32, #tpu.memory_space<vmem>>, vector<16x1xf32>
    %mul3A_1115 = vector.broadcast %get3A_1114 : vector<16x1xf32> to vector<16x2048xf32>
    %mul3A_1116 = vector.broadcast %get3A_1111 : vector<1x2048xf32> to vector<16x2048xf32>
    %mul3A_1117 = arith.mulf %mul3A_1115, %mul3A_1116 : vector<16x2048xf32>
    %swap3A_1118 = arith.constant 74 : index
    %swap3A_1119 = arith.constant 0 : index
    %swap3A_1120 = arith.constant 0 : index
    %swap3A_1121 = vector.load %arg3[%swap3A_1118, %swap3A_1119, %swap3A_1120] : memref<100x16x2048xf32, #tpu.memory_space<vmem>>, vector<1x16x2048xf32>
    %swap3A_1122 = vector.shape_cast %swap3A_1121 : vector<1x16x2048xf32> to vector<16x2048xf32>
    %swap3A_1123 = vector.shape_cast %mul3A_1117 : vector<16x2048xf32> to vector<1x16x2048xf32>
    tpu.vector_store %arg3[%swap3A_1118, %swap3A_1119, %swap3A_1120], %swap3A_1123 {strides = array<i32>} : memref<100x16x2048xf32, #tpu.memory_space<vmem>>, vector<1x16x2048xf32>,
    %get3A_1124 = arith.constant 75 : index
    %get3A_1125 = arith.constant 0 : index
    %get3A_1126 = vector.load %arg2[%get3A_1124, %get3A_1125] : memref<100x2048xf32, #tpu.memory_space<vmem>>, vector<1x2048xf32>
    %get3A_1127 = arith.constant 0 : index
    %get3A_1128 = arith.constant 75 : index
    %get3A_1129 = vector.load %arg4[%get3A_1127, %get3A_1128] : memref<16x100xf32, #tpu.memory_space<vmem>>, vector<16x1xf32>
    %mul3A_1130 = vector.broadcast %get3A_1129 : vector<16x1xf32> to vector<16x2048xf32>
    %mul3A_1131 = vector.broadcast %get3A_1126 : vector<1x2048xf32> to vector<16x2048xf32>
    %mul3A_1132 = arith.mulf %mul3A_1130, %mul3A_1131 : vector<16x2048xf32>
    %swap3A_1133 = arith.constant 75 : index
    %swap3A_1134 = arith.constant 0 : index
    %swap3A_1135 = arith.constant 0 : index
    %swap3A_1136 = vector.load %arg3[%swap3A_1133, %swap3A_1134, %swap3A_1135] : memref<100x16x2048xf32, #tpu.memory_space<vmem>>, vector<1x16x2048xf32>
    %swap3A_1137 = vector.shape_cast %swap3A_1136 : vector<1x16x2048xf32> to vector<16x2048xf32>
    %swap3A_1138 = vector.shape_cast %mul3A_1132 : vector<16x2048xf32> to vector<1x16x2048xf32>
    tpu.vector_store %arg3[%swap3A_1133, %swap3A_1134, %swap3A_1135], %swap3A_1138 {strides = array<i32>} : memref<100x16x2048xf32, #tpu.memory_space<vmem>>, vector<1x16x2048xf32>,
    %get3A_1139 = arith.constant 76 : index
    %get3A_1140 = arith.constant 0 : index
    %get3A_1141 = vector.load %arg2[%get3A_1139, %get3A_1140] : memref<100x2048xf32, #tpu.memory_space<vmem>>, vector<1x2048xf32>
    %get3A_1142 = arith.constant 0 : index
    %get3A_1143 = arith.constant 76 : index
    %get3A_1144 = vector.load %arg4[%get3A_1142, %get3A_1143] : memref<16x100xf32, #tpu.memory_space<vmem>>, vector<16x1xf32>
    %mul3A_1145 = vector.broadcast %get3A_1144 : vector<16x1xf32> to vector<16x2048xf32>
    %mul3A_1146 = vector.broadcast %get3A_1141 : vector<1x2048xf32> to vector<16x2048xf32>
    %mul3A_1147 = arith.mulf %mul3A_1145, %mul3A_1146 : vector<16x2048xf32>
    %swap3A_1148 = arith.constant 76 : index
    %swap3A_1149 = arith.constant 0 : index
    %swap3A_1150 = arith.constant 0 : index
    %swap3A_1151 = vector.load %arg3[%swap3A_1148, %swap3A_1149, %swap3A_1150] : memref<100x16x2048xf32, #tpu.memory_space<vmem>>, vector<1x16x2048xf32>
    %swap3A_1152 = vector.shape_cast %swap3A_1151 : vector<1x16x2048xf32> to vector<16x2048xf32>
    %swap3A_1153 = vector.shape_cast %mul3A_1147 : vector<16x2048xf32> to vector<1x16x2048xf32>
    tpu.vector_store %arg3[%swap3A_1148, %swap3A_1149, %swap3A_1150], %swap3A_1153 {strides = array<i32>} : memref<100x16x2048xf32, #tpu.memory_space<vmem>>, vector<1x16x2048xf32>,
    %get3A_1154 = arith.constant 77 : index
    %get3A_1155 = arith.constant 0 : index
    %get3A_1156 = vector.load %arg2[%get3A_1154, %get3A_1155] : memref<100x2048xf32, #tpu.memory_space<vmem>>, vector<1x2048xf32>
    %get3A_1157 = arith.constant 0 : index
    %get3A_1158 = arith.constant 77 : index
    %get3A_1159 = vector.load %arg4[%get3A_1157, %get3A_1158] : memref<16x100xf32, #tpu.memory_space<vmem>>, vector<16x1xf32>
    %mul3A_1160 = vector.broadcast %get3A_1159 : vector<16x1xf32> to vector<16x2048xf32>
    %mul3A_1161 = vector.broadcast %get3A_1156 : vector<1x2048xf32> to vector<16x2048xf32>
    %mul3A_1162 = arith.mulf %mul3A_1160, %mul3A_1161 : vector<16x2048xf32>
    %swap3A_1163 = arith.constant 77 : index
    %swap3A_1164 = arith.constant 0 : index
    %swap3A_1165 = arith.constant 0 : index
    %swap3A_1166 = vector.load %arg3[%swap3A_1163, %swap3A_1164, %swap3A_1165] : memref<100x16x2048xf32, #tpu.memory_space<vmem>>, vector<1x16x2048xf32>
    %swap3A_1167 = vector.shape_cast %swap3A_1166 : vector<1x16x2048xf32> to vector<16x2048xf32>
    %swap3A_1168 = vector.shape_cast %mul3A_1162 : vector<16x2048xf32> to vector<1x16x2048xf32>
    tpu.vector_store %arg3[%swap3A_1163, %swap3A_1164, %swap3A_1165], %swap3A_1168 {strides = array<i32>} : memref<100x16x2048xf32, #tpu.memory_space<vmem>>, vector<1x16x2048xf32>,
    %get3A_1169 = arith.constant 78 : index
    %get3A_1170 = arith.constant 0 : index
    %get3A_1171 = vector.load %arg2[%get3A_1169, %get3A_1170] : memref<100x2048xf32, #tpu.memory_space<vmem>>, vector<1x2048xf32>
    %get3A_1172 = arith.constant 0 : index
    %get3A_1173 = arith.constant 78 : index
    %get3A_1174 = vector.load %arg4[%get3A_1172, %get3A_1173] : memref<16x100xf32, #tpu.memory_space<vmem>>, vector<16x1xf32>
    %mul3A_1175 = vector.broadcast %get3A_1174 : vector<16x1xf32> to vector<16x2048xf32>
    %mul3A_1176 = vector.broadcast %get3A_1171 : vector<1x2048xf32> to vector<16x2048xf32>
    %mul3A_1177 = arith.mulf %mul3A_1175, %mul3A_1176 : vector<16x2048xf32>
    %swap3A_1178 = arith.constant 78 : index
    %swap3A_1179 = arith.constant 0 : index
    %swap3A_1180 = arith.constant 0 : index
    %swap3A_1181 = vector.load %arg3[%swap3A_1178, %swap3A_1179, %swap3A_1180] : memref<100x16x2048xf32, #tpu.memory_space<vmem>>, vector<1x16x2048xf32>
    %swap3A_1182 = vector.shape_cast %swap3A_1181 : vector<1x16x2048xf32> to vector<16x2048xf32>
    %swap3A_1183 = vector.shape_cast %mul3A_1177 : vector<16x2048xf32> to vector<1x16x2048xf32>
    tpu.vector_store %arg3[%swap3A_1178, %swap3A_1179, %swap3A_1180], %swap3A_1183 {strides = array<i32>} : memref<100x16x2048xf32, #tpu.memory_space<vmem>>, vector<1x16x2048xf32>,
    %get3A_1184 = arith.constant 79 : index
    %get3A_1185 = arith.constant 0 : index
    %get3A_1186 = vector.load %arg2[%get3A_1184, %get3A_1185] : memref<100x2048xf32, #tpu.memory_space<vmem>>, vector<1x2048xf32>
    %get3A_1187 = arith.constant 0 : index
    %get3A_1188 = arith.constant 79 : index
    %get3A_1189 = vector.load %arg4[%get3A_1187, %get3A_1188] : memref<16x100xf32, #tpu.memory_space<vmem>>, vector<16x1xf32>
    %mul3A_1190 = vector.broadcast %get3A_1189 : vector<16x1xf32> to vector<16x2048xf32>
    %mul3A_1191 = vector.broadcast %get3A_1186 : vector<1x2048xf32> to vector<16x2048xf32>
    %mul3A_1192 = arith.mulf %mul3A_1190, %mul3A_1191 : vector<16x2048xf32>
    %swap3A_1193 = arith.constant 79 : index
    %swap3A_1194 = arith.constant 0 : index
    %swap3A_1195 = arith.constant 0 : index
    %swap3A_1196 = vector.load %arg3[%swap3A_1193, %swap3A_1194, %swap3A_1195] : memref<100x16x2048xf32, #tpu.memory_space<vmem>>, vector<1x16x2048xf32>
    %swap3A_1197 = vector.shape_cast %swap3A_1196 : vector<1x16x2048xf32> to vector<16x2048xf32>
    %swap3A_1198 = vector.shape_cast %mul3A_1192 : vector<16x2048xf32> to vector<1x16x2048xf32>
    tpu.vector_store %arg3[%swap3A_1193, %swap3A_1194, %swap3A_1195], %swap3A_1198 {strides = array<i32>} : memref<100x16x2048xf32, #tpu.memory_space<vmem>>, vector<1x16x2048xf32>,
    %get3A_1199 = arith.constant 80 : index
    %get3A_1200 = arith.constant 0 : index
    %get3A_1201 = vector.load %arg2[%get3A_1199, %get3A_1200] : memref<100x2048xf32, #tpu.memory_space<vmem>>, vector<1x2048xf32>
    %get3A_1202 = arith.constant 0 : index
    %get3A_1203 = arith.constant 80 : index
    %get3A_1204 = vector.load %arg4[%get3A_1202, %get3A_1203] : memref<16x100xf32, #tpu.memory_space<vmem>>, vector<16x1xf32>
    %mul3A_1205 = vector.broadcast %get3A_1204 : vector<16x1xf32> to vector<16x2048xf32>
    %mul3A_1206 = vector.broadcast %get3A_1201 : vector<1x2048xf32> to vector<16x2048xf32>
    %mul3A_1207 = arith.mulf %mul3A_1205, %mul3A_1206 : vector<16x2048xf32>
    %swap3A_1208 = arith.constant 80 : index
    %swap3A_1209 = arith.constant 0 : index
    %swap3A_1210 = arith.constant 0 : index
    %swap3A_1211 = vector.load %arg3[%swap3A_1208, %swap3A_1209, %swap3A_1210] : memref<100x16x2048xf32, #tpu.memory_space<vmem>>, vector<1x16x2048xf32>
    %swap3A_1212 = vector.shape_cast %swap3A_1211 : vector<1x16x2048xf32> to vector<16x2048xf32>
    %swap3A_1213 = vector.shape_cast %mul3A_1207 : vector<16x2048xf32> to vector<1x16x2048xf32>
    tpu.vector_store %arg3[%swap3A_1208, %swap3A_1209, %swap3A_1210], %swap3A_1213 {strides = array<i32>} : memref<100x16x2048xf32, #tpu.memory_space<vmem>>, vector<1x16x2048xf32>,
    %get3A_1214 = arith.constant 81 : index
    %get3A_1215 = arith.constant 0 : index
    %get3A_1216 = vector.load %arg2[%get3A_1214, %get3A_1215] : memref<100x2048xf32, #tpu.memory_space<vmem>>, vector<1x2048xf32>
    %get3A_1217 = arith.constant 0 : index
    %get3A_1218 = arith.constant 81 : index
    %get3A_1219 = vector.load %arg4[%get3A_1217, %get3A_1218] : memref<16x100xf32, #tpu.memory_space<vmem>>, vector<16x1xf32>
    %mul3A_1220 = vector.broadcast %get3A_1219 : vector<16x1xf32> to vector<16x2048xf32>
    %mul3A_1221 = vector.broadcast %get3A_1216 : vector<1x2048xf32> to vector<16x2048xf32>
    %mul3A_1222 = arith.mulf %mul3A_1220, %mul3A_1221 : vector<16x2048xf32>
    %swap3A_1223 = arith.constant 81 : index
    %swap3A_1224 = arith.constant 0 : index
    %swap3A_1225 = arith.constant 0 : index
    %swap3A_1226 = vector.load %arg3[%swap3A_1223, %swap3A_1224, %swap3A_1225] : memref<100x16x2048xf32, #tpu.memory_space<vmem>>, vector<1x16x2048xf32>
    %swap3A_1227 = vector.shape_cast %swap3A_1226 : vector<1x16x2048xf32> to vector<16x2048xf32>
    %swap3A_1228 = vector.shape_cast %mul3A_1222 : vector<16x2048xf32> to vector<1x16x2048xf32>
    tpu.vector_store %arg3[%swap3A_1223, %swap3A_1224, %swap3A_1225], %swap3A_1228 {strides = array<i32>} : memref<100x16x2048xf32, #tpu.memory_space<vmem>>, vector<1x16x2048xf32>,
    %get3A_1229 = arith.constant 82 : index
    %get3A_1230 = arith.constant 0 : index
    %get3A_1231 = vector.load %arg2[%get3A_1229, %get3A_1230] : memref<100x2048xf32, #tpu.memory_space<vmem>>, vector<1x2048xf32>
    %get3A_1232 = arith.constant 0 : index
    %get3A_1233 = arith.constant 82 : index
    %get3A_1234 = vector.load %arg4[%get3A_1232, %get3A_1233] : memref<16x100xf32, #tpu.memory_space<vmem>>, vector<16x1xf32>
    %mul3A_1235 = vector.broadcast %get3A_1234 : vector<16x1xf32> to vector<16x2048xf32>
    %mul3A_1236 = vector.broadcast %get3A_1231 : vector<1x2048xf32> to vector<16x2048xf32>
    %mul3A_1237 = arith.mulf %mul3A_1235, %mul3A_1236 : vector<16x2048xf32>
    %swap3A_1238 = arith.constant 82 : index
    %swap3A_1239 = arith.constant 0 : index
    %swap3A_1240 = arith.constant 0 : index
    %swap3A_1241 = vector.load %arg3[%swap3A_1238, %swap3A_1239, %swap3A_1240] : memref<100x16x2048xf32, #tpu.memory_space<vmem>>, vector<1x16x2048xf32>
    %swap3A_1242 = vector.shape_cast %swap3A_1241 : vector<1x16x2048xf32> to vector<16x2048xf32>
    %swap3A_1243 = vector.shape_cast %mul3A_1237 : vector<16x2048xf32> to vector<1x16x2048xf32>
    tpu.vector_store %arg3[%swap3A_1238, %swap3A_1239, %swap3A_1240], %swap3A_1243 {strides = array<i32>} : memref<100x16x2048xf32, #tpu.memory_space<vmem>>, vector<1x16x2048xf32>,
    %get3A_1244 = arith.constant 83 : index
    %get3A_1245 = arith.constant 0 : index
    %get3A_1246 = vector.load %arg2[%get3A_1244, %get3A_1245] : memref<100x2048xf32, #tpu.memory_space<vmem>>, vector<1x2048xf32>
    %get3A_1247 = arith.constant 0 : index
    %get3A_1248 = arith.constant 83 : index
    %get3A_1249 = vector.load %arg4[%get3A_1247, %get3A_1248] : memref<16x100xf32, #tpu.memory_space<vmem>>, vector<16x1xf32>
    %mul3A_1250 = vector.broadcast %get3A_1249 : vector<16x1xf32> to vector<16x2048xf32>
    %mul3A_1251 = vector.broadcast %get3A_1246 : vector<1x2048xf32> to vector<16x2048xf32>
    %mul3A_1252 = arith.mulf %mul3A_1250, %mul3A_1251 : vector<16x2048xf32>
    %swap3A_1253 = arith.constant 83 : index
    %swap3A_1254 = arith.constant 0 : index
    %swap3A_1255 = arith.constant 0 : index
    %swap3A_1256 = vector.load %arg3[%swap3A_1253, %swap3A_1254, %swap3A_1255] : memref<100x16x2048xf32, #tpu.memory_space<vmem>>, vector<1x16x2048xf32>
    %swap3A_1257 = vector.shape_cast %swap3A_1256 : vector<1x16x2048xf32> to vector<16x2048xf32>
    %swap3A_1258 = vector.shape_cast %mul3A_1252 : vector<16x2048xf32> to vector<1x16x2048xf32>
    tpu.vector_store %arg3[%swap3A_1253, %swap3A_1254, %swap3A_1255], %swap3A_1258 {strides = array<i32>} : memref<100x16x2048xf32, #tpu.memory_space<vmem>>, vector<1x16x2048xf32>,
    %get3A_1259 = arith.constant 84 : index
    %get3A_1260 = arith.constant 0 : index
    %get3A_1261 = vector.load %arg2[%get3A_1259, %get3A_1260] : memref<100x2048xf32, #tpu.memory_space<vmem>>, vector<1x2048xf32>
    %get3A_1262 = arith.constant 0 : index
    %get3A_1263 = arith.constant 84 : index
    %get3A_1264 = vector.load %arg4[%get3A_1262, %get3A_1263] : memref<16x100xf32, #tpu.memory_space<vmem>>, vector<16x1xf32>
    %mul3A_1265 = vector.broadcast %get3A_1264 : vector<16x1xf32> to vector<16x2048xf32>
    %mul3A_1266 = vector.broadcast %get3A_1261 : vector<1x2048xf32> to vector<16x2048xf32>
    %mul3A_1267 = arith.mulf %mul3A_1265, %mul3A_1266 : vector<16x2048xf32>
    %swap3A_1268 = arith.constant 84 : index
    %swap3A_1269 = arith.constant 0 : index
    %swap3A_1270 = arith.constant 0 : index
    %swap3A_1271 = vector.load %arg3[%swap3A_1268, %swap3A_1269, %swap3A_1270] : memref<100x16x2048xf32, #tpu.memory_space<vmem>>, vector<1x16x2048xf32>
    %swap3A_1272 = vector.shape_cast %swap3A_1271 : vector<1x16x2048xf32> to vector<16x2048xf32>
    %swap3A_1273 = vector.shape_cast %mul3A_1267 : vector<16x2048xf32> to vector<1x16x2048xf32>
    tpu.vector_store %arg3[%swap3A_1268, %swap3A_1269, %swap3A_1270], %swap3A_1273 {strides = array<i32>} : memref<100x16x2048xf32, #tpu.memory_space<vmem>>, vector<1x16x2048xf32>,
    %get3A_1274 = arith.constant 85 : index
    %get3A_1275 = arith.constant 0 : index
    %get3A_1276 = vector.load %arg2[%get3A_1274, %get3A_1275] : memref<100x2048xf32, #tpu.memory_space<vmem>>, vector<1x2048xf32>
    %get3A_1277 = arith.constant 0 : index
    %get3A_1278 = arith.constant 85 : index
    %get3A_1279 = vector.load %arg4[%get3A_1277, %get3A_1278] : memref<16x100xf32, #tpu.memory_space<vmem>>, vector<16x1xf32>
    %mul3A_1280 = vector.broadcast %get3A_1279 : vector<16x1xf32> to vector<16x2048xf32>
    %mul3A_1281 = vector.broadcast %get3A_1276 : vector<1x2048xf32> to vector<16x2048xf32>
    %mul3A_1282 = arith.mulf %mul3A_1280, %mul3A_1281 : vector<16x2048xf32>
    %swap3A_1283 = arith.constant 85 : index
    %swap3A_1284 = arith.constant 0 : index
    %swap3A_1285 = arith.constant 0 : index
    %swap3A_1286 = vector.load %arg3[%swap3A_1283, %swap3A_1284, %swap3A_1285] : memref<100x16x2048xf32, #tpu.memory_space<vmem>>, vector<1x16x2048xf32>
    %swap3A_1287 = vector.shape_cast %swap3A_1286 : vector<1x16x2048xf32> to vector<16x2048xf32>
    %swap3A_1288 = vector.shape_cast %mul3A_1282 : vector<16x2048xf32> to vector<1x16x2048xf32>
    tpu.vector_store %arg3[%swap3A_1283, %swap3A_1284, %swap3A_1285], %swap3A_1288 {strides = array<i32>} : memref<100x16x2048xf32, #tpu.memory_space<vmem>>, vector<1x16x2048xf32>,
    %get3A_1289 = arith.constant 86 : index
    %get3A_1290 = arith.constant 0 : index
    %get3A_1291 = vector.load %arg2[%get3A_1289, %get3A_1290] : memref<100x2048xf32, #tpu.memory_space<vmem>>, vector<1x2048xf32>
    %get3A_1292 = arith.constant 0 : index
    %get3A_1293 = arith.constant 86 : index
    %get3A_1294 = vector.load %arg4[%get3A_1292, %get3A_1293] : memref<16x100xf32, #tpu.memory_space<vmem>>, vector<16x1xf32>
    %mul3A_1295 = vector.broadcast %get3A_1294 : vector<16x1xf32> to vector<16x2048xf32>
    %mul3A_1296 = vector.broadcast %get3A_1291 : vector<1x2048xf32> to vector<16x2048xf32>
    %mul3A_1297 = arith.mulf %mul3A_1295, %mul3A_1296 : vector<16x2048xf32>
    %swap3A_1298 = arith.constant 86 : index
    %swap3A_1299 = arith.constant 0 : index
    %swap3A_1300 = arith.constant 0 : index
    %swap3A_1301 = vector.load %arg3[%swap3A_1298, %swap3A_1299, %swap3A_1300] : memref<100x16x2048xf32, #tpu.memory_space<vmem>>, vector<1x16x2048xf32>
    %swap3A_1302 = vector.shape_cast %swap3A_1301 : vector<1x16x2048xf32> to vector<16x2048xf32>
    %swap3A_1303 = vector.shape_cast %mul3A_1297 : vector<16x2048xf32> to vector<1x16x2048xf32>
    tpu.vector_store %arg3[%swap3A_1298, %swap3A_1299, %swap3A_1300], %swap3A_1303 {strides = array<i32>} : memref<100x16x2048xf32, #tpu.memory_space<vmem>>, vector<1x16x2048xf32>,
    %get3A_1304 = arith.constant 87 : index
    %get3A_1305 = arith.constant 0 : index
    %get3A_1306 = vector.load %arg2[%get3A_1304, %get3A_1305] : memref<100x2048xf32, #tpu.memory_space<vmem>>, vector<1x2048xf32>
    %get3A_1307 = arith.constant 0 : index
    %get3A_1308 = arith.constant 87 : index
    %get3A_1309 = vector.load %arg4[%get3A_1307, %get3A_1308] : memref<16x100xf32, #tpu.memory_space<vmem>>, vector<16x1xf32>
    %mul3A_1310 = vector.broadcast %get3A_1309 : vector<16x1xf32> to vector<16x2048xf32>
    %mul3A_1311 = vector.broadcast %get3A_1306 : vector<1x2048xf32> to vector<16x2048xf32>
    %mul3A_1312 = arith.mulf %mul3A_1310, %mul3A_1311 : vector<16x2048xf32>
    %swap3A_1313 = arith.constant 87 : index
    %swap3A_1314 = arith.constant 0 : index
    %swap3A_1315 = arith.constant 0 : index
    %swap3A_1316 = vector.load %arg3[%swap3A_1313, %swap3A_1314, %swap3A_1315] : memref<100x16x2048xf32, #tpu.memory_space<vmem>>, vector<1x16x2048xf32>
    %swap3A_1317 = vector.shape_cast %swap3A_1316 : vector<1x16x2048xf32> to vector<16x2048xf32>
    %swap3A_1318 = vector.shape_cast %mul3A_1312 : vector<16x2048xf32> to vector<1x16x2048xf32>
    tpu.vector_store %arg3[%swap3A_1313, %swap3A_1314, %swap3A_1315], %swap3A_1318 {strides = array<i32>} : memref<100x16x2048xf32, #tpu.memory_space<vmem>>, vector<1x16x2048xf32>,
    %get3A_1319 = arith.constant 88 : index
    %get3A_1320 = arith.constant 0 : index
    %get3A_1321 = vector.load %arg2[%get3A_1319, %get3A_1320] : memref<100x2048xf32, #tpu.memory_space<vmem>>, vector<1x2048xf32>
    %get3A_1322 = arith.constant 0 : index
    %get3A_1323 = arith.constant 88 : index
    %get3A_1324 = vector.load %arg4[%get3A_1322, %get3A_1323] : memref<16x100xf32, #tpu.memory_space<vmem>>, vector<16x1xf32>
    %mul3A_1325 = vector.broadcast %get3A_1324 : vector<16x1xf32> to vector<16x2048xf32>
    %mul3A_1326 = vector.broadcast %get3A_1321 : vector<1x2048xf32> to vector<16x2048xf32>
    %mul3A_1327 = arith.mulf %mul3A_1325, %mul3A_1326 : vector<16x2048xf32>
    %swap3A_1328 = arith.constant 88 : index
    %swap3A_1329 = arith.constant 0 : index
    %swap3A_1330 = arith.constant 0 : index
    %swap3A_1331 = vector.load %arg3[%swap3A_1328, %swap3A_1329, %swap3A_1330] : memref<100x16x2048xf32, #tpu.memory_space<vmem>>, vector<1x16x2048xf32>
    %swap3A_1332 = vector.shape_cast %swap3A_1331 : vector<1x16x2048xf32> to vector<16x2048xf32>
    %swap3A_1333 = vector.shape_cast %mul3A_1327 : vector<16x2048xf32> to vector<1x16x2048xf32>
    tpu.vector_store %arg3[%swap3A_1328, %swap3A_1329, %swap3A_1330], %swap3A_1333 {strides = array<i32>} : memref<100x16x2048xf32, #tpu.memory_space<vmem>>, vector<1x16x2048xf32>,
    %get3A_1334 = arith.constant 89 : index
    %get3A_1335 = arith.constant 0 : index
    %get3A_1336 = vector.load %arg2[%get3A_1334, %get3A_1335] : memref<100x2048xf32, #tpu.memory_space<vmem>>, vector<1x2048xf32>
    %get3A_1337 = arith.constant 0 : index
    %get3A_1338 = arith.constant 89 : index
    %get3A_1339 = vector.load %arg4[%get3A_1337, %get3A_1338] : memref<16x100xf32, #tpu.memory_space<vmem>>, vector<16x1xf32>
    %mul3A_1340 = vector.broadcast %get3A_1339 : vector<16x1xf32> to vector<16x2048xf32>
    %mul3A_1341 = vector.broadcast %get3A_1336 : vector<1x2048xf32> to vector<16x2048xf32>
    %mul3A_1342 = arith.mulf %mul3A_1340, %mul3A_1341 : vector<16x2048xf32>
    %swap3A_1343 = arith.constant 89 : index
    %swap3A_1344 = arith.constant 0 : index
    %swap3A_1345 = arith.constant 0 : index
    %swap3A_1346 = vector.load %arg3[%swap3A_1343, %swap3A_1344, %swap3A_1345] : memref<100x16x2048xf32, #tpu.memory_space<vmem>>, vector<1x16x2048xf32>
    %swap3A_1347 = vector.shape_cast %swap3A_1346 : vector<1x16x2048xf32> to vector<16x2048xf32>
    %swap3A_1348 = vector.shape_cast %mul3A_1342 : vector<16x2048xf32> to vector<1x16x2048xf32>
    tpu.vector_store %arg3[%swap3A_1343, %swap3A_1344, %swap3A_1345], %swap3A_1348 {strides = array<i32>} : memref<100x16x2048xf32, #tpu.memory_space<vmem>>, vector<1x16x2048xf32>,
    %get3A_1349 = arith.constant 90 : index
    %get3A_1350 = arith.constant 0 : index
    %get3A_1351 = vector.load %arg2[%get3A_1349, %get3A_1350] : memref<100x2048xf32, #tpu.memory_space<vmem>>, vector<1x2048xf32>
    %get3A_1352 = arith.constant 0 : index
    %get3A_1353 = arith.constant 90 : index
    %get3A_1354 = vector.load %arg4[%get3A_1352, %get3A_1353] : memref<16x100xf32, #tpu.memory_space<vmem>>, vector<16x1xf32>
    %mul3A_1355 = vector.broadcast %get3A_1354 : vector<16x1xf32> to vector<16x2048xf32>
    %mul3A_1356 = vector.broadcast %get3A_1351 : vector<1x2048xf32> to vector<16x2048xf32>
    %mul3A_1357 = arith.mulf %mul3A_1355, %mul3A_1356 : vector<16x2048xf32>
    %swap3A_1358 = arith.constant 90 : index
    %swap3A_1359 = arith.constant 0 : index
    %swap3A_1360 = arith.constant 0 : index
    %swap3A_1361 = vector.load %arg3[%swap3A_1358, %swap3A_1359, %swap3A_1360] : memref<100x16x2048xf32, #tpu.memory_space<vmem>>, vector<1x16x2048xf32>
    %swap3A_1362 = vector.shape_cast %swap3A_1361 : vector<1x16x2048xf32> to vector<16x2048xf32>
    %swap3A_1363 = vector.shape_cast %mul3A_1357 : vector<16x2048xf32> to vector<1x16x2048xf32>
    tpu.vector_store %arg3[%swap3A_1358, %swap3A_1359, %swap3A_1360], %swap3A_1363 {strides = array<i32>} : memref<100x16x2048xf32, #tpu.memory_space<vmem>>, vector<1x16x2048xf32>,
    %get3A_1364 = arith.constant 91 : index
    %get3A_1365 = arith.constant 0 : index
    %get3A_1366 = vector.load %arg2[%get3A_1364, %get3A_1365] : memref<100x2048xf32, #tpu.memory_space<vmem>>, vector<1x2048xf32>
    %get3A_1367 = arith.constant 0 : index
    %get3A_1368 = arith.constant 91 : index
    %get3A_1369 = vector.load %arg4[%get3A_1367, %get3A_1368] : memref<16x100xf32, #tpu.memory_space<vmem>>, vector<16x1xf32>
    %mul3A_1370 = vector.broadcast %get3A_1369 : vector<16x1xf32> to vector<16x2048xf32>
    %mul3A_1371 = vector.broadcast %get3A_1366 : vector<1x2048xf32> to vector<16x2048xf32>
    %mul3A_1372 = arith.mulf %mul3A_1370, %mul3A_1371 : vector<16x2048xf32>
    %swap3A_1373 = arith.constant 91 : index
    %swap3A_1374 = arith.constant 0 : index
    %swap3A_1375 = arith.constant 0 : index
    %swap3A_1376 = vector.load %arg3[%swap3A_1373, %swap3A_1374, %swap3A_1375] : memref<100x16x2048xf32, #tpu.memory_space<vmem>>, vector<1x16x2048xf32>
    %swap3A_1377 = vector.shape_cast %swap3A_1376 : vector<1x16x2048xf32> to vector<16x2048xf32>
    %swap3A_1378 = vector.shape_cast %mul3A_1372 : vector<16x2048xf32> to vector<1x16x2048xf32>
    tpu.vector_store %arg3[%swap3A_1373, %swap3A_1374, %swap3A_1375], %swap3A_1378 {strides = array<i32>} : memref<100x16x2048xf32, #tpu.memory_space<vmem>>, vector<1x16x2048xf32>,
    %get3A_1379 = arith.constant 92 : index
    %get3A_1380 = arith.constant 0 : index
    %get3A_1381 = vector.load %arg2[%get3A_1379, %get3A_1380] : memref<100x2048xf32, #tpu.memory_space<vmem>>, vector<1x2048xf32>
    %get3A_1382 = arith.constant 0 : index
    %get3A_1383 = arith.constant 92 : index
    %get3A_1384 = vector.load %arg4[%get3A_1382, %get3A_1383] : memref<16x100xf32, #tpu.memory_space<vmem>>, vector<16x1xf32>
    %mul3A_1385 = vector.broadcast %get3A_1384 : vector<16x1xf32> to vector<16x2048xf32>
    %mul3A_1386 = vector.broadcast %get3A_1381 : vector<1x2048xf32> to vector<16x2048xf32>
    %mul3A_1387 = arith.mulf %mul3A_1385, %mul3A_1386 : vector<16x2048xf32>
    %swap3A_1388 = arith.constant 92 : index
    %swap3A_1389 = arith.constant 0 : index
    %swap3A_1390 = arith.constant 0 : index
    %swap3A_1391 = vector.load %arg3[%swap3A_1388, %swap3A_1389, %swap3A_1390] : memref<100x16x2048xf32, #tpu.memory_space<vmem>>, vector<1x16x2048xf32>
    %swap3A_1392 = vector.shape_cast %swap3A_1391 : vector<1x16x2048xf32> to vector<16x2048xf32>
    %swap3A_1393 = vector.shape_cast %mul3A_1387 : vector<16x2048xf32> to vector<1x16x2048xf32>
    tpu.vector_store %arg3[%swap3A_1388, %swap3A_1389, %swap3A_1390], %swap3A_1393 {strides = array<i32>} : memref<100x16x2048xf32, #tpu.memory_space<vmem>>, vector<1x16x2048xf32>,
    %get3A_1394 = arith.constant 93 : index
    %get3A_1395 = arith.constant 0 : index
    %get3A_1396 = vector.load %arg2[%get3A_1394, %get3A_1395] : memref<100x2048xf32, #tpu.memory_space<vmem>>, vector<1x2048xf32>
    %get3A_1397 = arith.constant 0 : index
    %get3A_1398 = arith.constant 93 : index
    %get3A_1399 = vector.load %arg4[%get3A_1397, %get3A_1398] : memref<16x100xf32, #tpu.memory_space<vmem>>, vector<16x1xf32>
    %mul3A_1400 = vector.broadcast %get3A_1399 : vector<16x1xf32> to vector<16x2048xf32>
    %mul3A_1401 = vector.broadcast %get3A_1396 : vector<1x2048xf32> to vector<16x2048xf32>
    %mul3A_1402 = arith.mulf %mul3A_1400, %mul3A_1401 : vector<16x2048xf32>
    %swap3A_1403 = arith.constant 93 : index
    %swap3A_1404 = arith.constant 0 : index
    %swap3A_1405 = arith.constant 0 : index
    %swap3A_1406 = vector.load %arg3[%swap3A_1403, %swap3A_1404, %swap3A_1405] : memref<100x16x2048xf32, #tpu.memory_space<vmem>>, vector<1x16x2048xf32>
    %swap3A_1407 = vector.shape_cast %swap3A_1406 : vector<1x16x2048xf32> to vector<16x2048xf32>
    %swap3A_1408 = vector.shape_cast %mul3A_1402 : vector<16x2048xf32> to vector<1x16x2048xf32>
    tpu.vector_store %arg3[%swap3A_1403, %swap3A_1404, %swap3A_1405], %swap3A_1408 {strides = array<i32>} : memref<100x16x2048xf32, #tpu.memory_space<vmem>>, vector<1x16x2048xf32>,
    %get3A_1409 = arith.constant 94 : index
    %get3A_1410 = arith.constant 0 : index
    %get3A_1411 = vector.load %arg2[%get3A_1409, %get3A_1410] : memref<100x2048xf32, #tpu.memory_space<vmem>>, vector<1x2048xf32>
    %get3A_1412 = arith.constant 0 : index
    %get3A_1413 = arith.constant 94 : index
    %get3A_1414 = vector.load %arg4[%get3A_1412, %get3A_1413] : memref<16x100xf32, #tpu.memory_space<vmem>>, vector<16x1xf32>
    %mul3A_1415 = vector.broadcast %get3A_1414 : vector<16x1xf32> to vector<16x2048xf32>
    %mul3A_1416 = vector.broadcast %get3A_1411 : vector<1x2048xf32> to vector<16x2048xf32>
    %mul3A_1417 = arith.mulf %mul3A_1415, %mul3A_1416 : vector<16x2048xf32>
    %swap3A_1418 = arith.constant 94 : index
    %swap3A_1419 = arith.constant 0 : index
    %swap3A_1420 = arith.constant 0 : index
    %swap3A_1421 = vector.load %arg3[%swap3A_1418, %swap3A_1419, %swap3A_1420] : memref<100x16x2048xf32, #tpu.memory_space<vmem>>, vector<1x16x2048xf32>
    %swap3A_1422 = vector.shape_cast %swap3A_1421 : vector<1x16x2048xf32> to vector<16x2048xf32>
    %swap3A_1423 = vector.shape_cast %mul3A_1417 : vector<16x2048xf32> to vector<1x16x2048xf32>
    tpu.vector_store %arg3[%swap3A_1418, %swap3A_1419, %swap3A_1420], %swap3A_1423 {strides = array<i32>} : memref<100x16x2048xf32, #tpu.memory_space<vmem>>, vector<1x16x2048xf32>,
    %get3A_1424 = arith.constant 95 : index
    %get3A_1425 = arith.constant 0 : index
    %get3A_1426 = vector.load %arg2[%get3A_1424, %get3A_1425] : memref<100x2048xf32, #tpu.memory_space<vmem>>, vector<1x2048xf32>
    %get3A_1427 = arith.constant 0 : index
    %get3A_1428 = arith.constant 95 : index
    %get3A_1429 = vector.load %arg4[%get3A_1427, %get3A_1428] : memref<16x100xf32, #tpu.memory_space<vmem>>, vector<16x1xf32>
    %mul3A_1430 = vector.broadcast %get3A_1429 : vector<16x1xf32> to vector<16x2048xf32>
    %mul3A_1431 = vector.broadcast %get3A_1426 : vector<1x2048xf32> to vector<16x2048xf32>
    %mul3A_1432 = arith.mulf %mul3A_1430, %mul3A_1431 : vector<16x2048xf32>
    %swap3A_1433 = arith.constant 95 : index
    %swap3A_1434 = arith.constant 0 : index
    %swap3A_1435 = arith.constant 0 : index
    %swap3A_1436 = vector.load %arg3[%swap3A_1433, %swap3A_1434, %swap3A_1435] : memref<100x16x2048xf32, #tpu.memory_space<vmem>>, vector<1x16x2048xf32>
    %swap3A_1437 = vector.shape_cast %swap3A_1436 : vector<1x16x2048xf32> to vector<16x2048xf32>
    %swap3A_1438 = vector.shape_cast %mul3A_1432 : vector<16x2048xf32> to vector<1x16x2048xf32>
    tpu.vector_store %arg3[%swap3A_1433, %swap3A_1434, %swap3A_1435], %swap3A_1438 {strides = array<i32>} : memref<100x16x2048xf32, #tpu.memory_space<vmem>>, vector<1x16x2048xf32>,
    %get3A_1439 = arith.constant 96 : index
    %get3A_1440 = arith.constant 0 : index
    %get3A_1441 = vector.load %arg2[%get3A_1439, %get3A_1440] : memref<100x2048xf32, #tpu.memory_space<vmem>>, vector<1x2048xf32>
    %get3A_1442 = arith.constant 0 : index
    %get3A_1443 = arith.constant 96 : index
    %get3A_1444 = vector.load %arg4[%get3A_1442, %get3A_1443] : memref<16x100xf32, #tpu.memory_space<vmem>>, vector<16x1xf32>
    %mul3A_1445 = vector.broadcast %get3A_1444 : vector<16x1xf32> to vector<16x2048xf32>
    %mul3A_1446 = vector.broadcast %get3A_1441 : vector<1x2048xf32> to vector<16x2048xf32>
    %mul3A_1447 = arith.mulf %mul3A_1445, %mul3A_1446 : vector<16x2048xf32>
    %swap3A_1448 = arith.constant 96 : index
    %swap3A_1449 = arith.constant 0 : index
    %swap3A_1450 = arith.constant 0 : index
    %swap3A_1451 = vector.load %arg3[%swap3A_1448, %swap3A_1449, %swap3A_1450] : memref<100x16x2048xf32, #tpu.memory_space<vmem>>, vector<1x16x2048xf32>
    %swap3A_1452 = vector.shape_cast %swap3A_1451 : vector<1x16x2048xf32> to vector<16x2048xf32>
    %swap3A_1453 = vector.shape_cast %mul3A_1447 : vector<16x2048xf32> to vector<1x16x2048xf32>
    tpu.vector_store %arg3[%swap3A_1448, %swap3A_1449, %swap3A_1450], %swap3A_1453 {strides = array<i32>} : memref<100x16x2048xf32, #tpu.memory_space<vmem>>, vector<1x16x2048xf32>,
    %get3A_1454 = arith.constant 97 : index
    %get3A_1455 = arith.constant 0 : index
    %get3A_1456 = vector.load %arg2[%get3A_1454, %get3A_1455] : memref<100x2048xf32, #tpu.memory_space<vmem>>, vector<1x2048xf32>
    %get3A_1457 = arith.constant 0 : index
    %get3A_1458 = arith.constant 97 : index
    %get3A_1459 = vector.load %arg4[%get3A_1457, %get3A_1458] : memref<16x100xf32, #tpu.memory_space<vmem>>, vector<16x1xf32>
    %mul3A_1460 = vector.broadcast %get3A_1459 : vector<16x1xf32> to vector<16x2048xf32>
    %mul3A_1461 = vector.broadcast %get3A_1456 : vector<1x2048xf32> to vector<16x2048xf32>
    %mul3A_1462 = arith.mulf %mul3A_1460, %mul3A_1461 : vector<16x2048xf32>
    %swap3A_1463 = arith.constant 97 : index
    %swap3A_1464 = arith.constant 0 : index
    %swap3A_1465 = arith.constant 0 : index
    %swap3A_1466 = vector.load %arg3[%swap3A_1463, %swap3A_1464, %swap3A_1465] : memref<100x16x2048xf32, #tpu.memory_space<vmem>>, vector<1x16x2048xf32>
    %swap3A_1467 = vector.shape_cast %swap3A_1466 : vector<1x16x2048xf32> to vector<16x2048xf32>
    %swap3A_1468 = vector.shape_cast %mul3A_1462 : vector<16x2048xf32> to vector<1x16x2048xf32>
    tpu.vector_store %arg3[%swap3A_1463, %swap3A_1464, %swap3A_1465], %swap3A_1468 {strides = array<i32>} : memref<100x16x2048xf32, #tpu.memory_space<vmem>>, vector<1x16x2048xf32>,
    %get3A_1469 = arith.constant 98 : index
    %get3A_1470 = arith.constant 0 : index
    %get3A_1471 = vector.load %arg2[%get3A_1469, %get3A_1470] : memref<100x2048xf32, #tpu.memory_space<vmem>>, vector<1x2048xf32>
    %get3A_1472 = arith.constant 0 : index
    %get3A_1473 = arith.constant 98 : index
    %get3A_1474 = vector.load %arg4[%get3A_1472, %get3A_1473] : memref<16x100xf32, #tpu.memory_space<vmem>>, vector<16x1xf32>
    %mul3A_1475 = vector.broadcast %get3A_1474 : vector<16x1xf32> to vector<16x2048xf32>
    %mul3A_1476 = vector.broadcast %get3A_1471 : vector<1x2048xf32> to vector<16x2048xf32>
    %mul3A_1477 = arith.mulf %mul3A_1475, %mul3A_1476 : vector<16x2048xf32>
    %swap3A_1478 = arith.constant 98 : index
    %swap3A_1479 = arith.constant 0 : index
    %swap3A_1480 = arith.constant 0 : index
    %swap3A_1481 = vector.load %arg3[%swap3A_1478, %swap3A_1479, %swap3A_1480] : memref<100x16x2048xf32, #tpu.memory_space<vmem>>, vector<1x16x2048xf32>
    %swap3A_1482 = vector.shape_cast %swap3A_1481 : vector<1x16x2048xf32> to vector<16x2048xf32>
    %swap3A_1483 = vector.shape_cast %mul3A_1477 : vector<16x2048xf32> to vector<1x16x2048xf32>
    tpu.vector_store %arg3[%swap3A_1478, %swap3A_1479, %swap3A_1480], %swap3A_1483 {strides = array<i32>} : memref<100x16x2048xf32, #tpu.memory_space<vmem>>, vector<1x16x2048xf32>,
    %get3A_1484 = arith.constant 99 : index
    %get3A_1485 = arith.constant 0 : index
    %get3A_1486 = vector.load %arg2[%get3A_1484, %get3A_1485] : memref<100x2048xf32, #tpu.memory_space<vmem>>, vector<1x2048xf32>
    %get3A_1487 = arith.constant 0 : index
    %get3A_1488 = arith.constant 99 : index
    %get3A_1489 = vector.load %arg4[%get3A_1487, %get3A_1488] : memref<16x100xf32, #tpu.memory_space<vmem>>, vector<16x1xf32>
    %mul3A_1490 = vector.broadcast %get3A_1489 : vector<16x1xf32> to vector<16x2048xf32>
    %mul3A_1491 = vector.broadcast %get3A_1486 : vector<1x2048xf32> to vector<16x2048xf32>
    %mul3A_1492 = arith.mulf %mul3A_1490, %mul3A_1491 : vector<16x2048xf32>
    %swap3A_1493 = arith.constant 99 : index
    %swap3A_1494 = arith.constant 0 : index
    %swap3A_1495 = arith.constant 0 : index
    %swap3A_1496 = vector.load %arg3[%swap3A_1493, %swap3A_1494, %swap3A_1495] : memref<100x16x2048xf32, #tpu.memory_space<vmem>>, vector<1x16x2048xf32>
    %swap3A_1497 = vector.shape_cast %swap3A_1496 : vector<1x16x2048xf32> to vector<16x2048xf32>
    %swap3A_1498 = vector.shape_cast %mul3A_1492 : vector<16x2048xf32> to vector<1x16x2048xf32>
    tpu.vector_store %arg3[%swap3A_1493, %swap3A_1494, %swap3A_1495], %swap3A_1498 {strides = array<i32>} : memref<100x16x2048xf32, #tpu.memory_space<vmem>>, vector<1x16x2048xf32>,
    return
  }
  func.func @transform_0(%arg0: i32) -> (i32, i32) {
    %c0_i32 = arith.constant 0 : i32
    %c0_i32_0 = arith.constant 0 : i32
    %c0_i32_1 = arith.constant 0 : i32
    return %c0_i32, %c0_i32_0 : i32, i32
  }
  func.func @transform_1(%arg0: i32) -> (i32, i32) {
    %c0_i32 = arith.constant 0 : i32
    %c0_i32_0 = arith.constant 0 : i32
    return %c0_i32, %arg0 : i32, i32
  }
  func.func @transform_2(%arg0: i32) -> (i32, i32, i32) {
    %c0_i32 = arith.constant 0 : i32
    %c0_i32_0 = arith.constant 0 : i32
    %c0_i32_1 = arith.constant 0 : i32
    return %c0_i32, %c0_i32_0, %arg0 : i32, i32, i32
  }
}

</mosaic_0001>

<sc_bundles>
// kernel: kernel.4.cloned.1.call-start
scs
__scs_entry_jumppad:
0x0: {  	(pc) =	sbr.rel $0x88, $3  }
0x1: {  	(tag) =	ssettag $0x0;
	lr =	simm.s32 $0x1  }
0x2: {  	[smem:$0x3F9E] =	sst lr;
	_ =	strace $0xD0000000  }
0x3: {  	_ = 	snop  }
0x4: {  	_ = 	snop  }
0x5: {  	_ = 	snop  }
0x6: {  	_ = 	snop  }
0x7: {  	_ = 	snop  }
__scs_overlays_trampoline_lowered:
0x8: {  	[smem:$0x3FAD] =	sst s0  }
0x9: {  	[smem:$0x3FAE] =	sst s1  }
0xa: {  	[smem:$0x3FAF] =	sst s2  }
0xb: {  	[smem:$0x3FB0] =	sst s3  }
0xc: {  	[smem:$0x3FB1] =	sst s4  }
0xd: {  	[smem:$0x3FB2] =	sst s5  }
0xe: {  	[smem:$0x3FB3] =	sst s6  }
0xf: {  	[smem:$0x3FB4] =	sst s7  }
0x10: {  	[smem:$0x3FB5] =	sst s8  }
0x11: {  	[smem:$0x3FB6] =	sst s9;
	s0 =	simm.s32 @!p0 $0x0  }
0x12: {  	s1 =	sld [smem:$0x3F9C];
	s0 =	simm.s32 @p0 $0x1  }
0x13: {  	[smem:$0x3FB7] =	sst s0;
	s0 =	simm.s32 @!p1 $0x0  }
0x14: {  	s2 =	sld [smem:$0x3F9B];
	s0 =	simm.s32 @p1 $0x1  }
0x15: {  	[smem:$0x3FB8] =	sst s0;
	s0 =	simm.s32 @!p2 $0x0  }
0x16: {  	s3 =	sld [smem:$0x3FDB];
	s0 =	simm.s32 @p2 $0x1  }
0x17: {  	s4 =	simm.s32 $0x1BF5;
	[smem:$0x3FBA] =	sst s0  }
0x18: {  	s0 =	sld [smem:$0x3F9D];
	_ =	swait.ge [sflag:s4], $0x0  }
0x19: {  	s7 =	sld [smem:$0x3F9E]  }
0x1a: {  	s8 =	sadd.s32 $0xFFFFE003, lr  }
0x1b: {  	s9 =	sadd.s32 $0xFFFFFEF7, lr;
	s5 =	simm.s32 $0xFFFFFFFF;
	p2 =	slt.u32 s8, $0xFFFFF086  }
0x1c: {  	p1 =	slt.u32 s9, $0xF7A;
	s5 =	simm.s32 @!p2 $0x0  }
0x1d: {  	s5 =	simm.s32 @p1 $0x1;
	p0 =	seq.s32 s7, s2  }
0x1e: {  	s7 =	smul.u32 @!p0 $0xF7A, s2;
	p2 =	seq.s32 @!p0 s5, $0x0  }
0x1f: {  	s9 =	smul.u32 $0xF7A, s1;
	s8 =	simm.s32 @!p0 $0x1BF5;
	p2 =	por !p2, p0  }
0x20: {  	[sflag:s8] =	ssyncset.s32 @!p0 $0xFFFFF086;
	s6 =	sadd.s32 @!p0 s3, s7;
	s7 =	simm.s32 @!p0 $0x108  }
0x21: {  	s3 =	sadd.s32 s3, s9;
	s6 =	sadd.s32 @!p0 $0x88, s6;
	s7 =	simm.s32 @p2 $0x1082  }
0x22: {  	[simem:s7], [sflag:s8] =	dma.local @!p0 [hbm:s6], $0xF7A  }
0x23: {  	s9 =	sor.u32 $0xD0000000, s2;
	s6 =	simm.s32 $0x108;
	_ =	swait.ge @!p0 [sflag:s8], $0x0  }
0x24: {  	s3 =	sadd.s32 $0x88, s3;
	s6 =	simm.s32 @!p1 $0x1082;
	[sflag:s4] =	ssyncset.s32 $0xFFFFF086  }
0x25: {  	[simem:s6], [sflag:s4] =	dma.local [hbm:s3], $0xF7A  }
0x26: {  	[smem:$0x3F9E] =	sst s1;
	(tag) =	ssettag s2;
	_ =	strace s9  }
0x27: {  	s1 =	sld [smem:$0x3FAE]  }
0x28: {  	s2 =	sld [smem:$0x3FAF]  }
0x29: {  	s4 =	sld [smem:$0x3FB1]  }
0x2a: {  	p0 =	seq.s32 s5, $0x0;
	s5 =	sld [smem:$0x3FB2]  }
0x2b: {  	s6 =	sld [smem:$0x3FB3]  }
0x2c: {  	s7 =	sld [smem:$0x3FB4]  }
0x2d: {  	s3 =	simm.s32 $0x108;
	s8 =	sld [smem:$0x3FB5]  }
0x2e: {  	s3 =	simm.s32 @!p0 $0x1082;
	s9 =	sld [smem:$0x3FB6]  }
0x2f: {  	lr =	sadd.s32 s0, s3;
	s0 =	sld [smem:$0x3FAD]  }
0x30: {  	s3 =	sld [smem:$0x3FB0]  }
0x31: {  	[smem:$0x3FB9] =	sst s10  }
0x32: {  	s10 =	sld [smem:$0x3FB7];
	_ =	sdelay $0x3  }
0x33: {  	p0 =	seq.s32 s10, $0x1;
	s10 =	sld [smem:$0x3FB9];
	_ =	sdelay $0x3  }
0x34: {  	[smem:$0x3FB9] =	sst s10  }
0x35: {  	s10 =	sld [smem:$0x3FB8];
	_ =	sdelay $0x3  }
0x36: {  	p1 =	seq.s32 s10, $0x1;
	s10 =	sld [smem:$0x3FB9];
	_ =	sdelay $0x3  }
0x37: {  	[smem:$0x3FB9] =	sst s10  }
0x38: {  	s10 =	sld [smem:$0x3FBA]  }
0x39: {  	_ = 	snop;
	(pc) =	sbr.ind lr, $3  }
0x3a: {  	_ = 	snop  }
0x3b: {  	_ = 	snop  }
0x3c: {  	p2 =	seq.s32 s10, $0x1;
	s10 =	sld [smem:$0x3FB9]  }
0x3d: {  	_ =	shalt  }
0x3e: {  	_ =	shalt  }
0x3f: {  	_ =	shalt  }
0x40: {  	_ =	shalt  }
0x41: {  	_ =	shalt  }
0x42: {  	_ =	shalt  }
0x43: {  	_ =	shalt  }
0x44: {  	_ =	shalt  }
0x45: {  	_ =	shalt  }
0x46: {  	_ =	shalt  }
0x47: {  	_ =	shalt  }
0x48: {  	_ =	shalt  }
0x49: {  	_ =	shalt  }
0x4a: {  	_ =	shalt  }
0x4b: {  	_ =	shalt  }
0x4c: {  	_ =	shalt  }
0x4d: {  	_ =	shalt  }
0x4e: {  	_ =	shalt  }
0x4f: {  	_ =	shalt  }
0x50: {  	_ =	shalt  }
0x51: {  	_ =	shalt  }
0x52: {  	_ =	shalt  }
0x53: {  	_ =	shalt  }
0x54: {  	_ =	shalt  }
0x55: {  	_ =	shalt  }
0x56: {  	_ =	shalt  }
0x57: {  	_ =	shalt  }
0x58: {  	_ =	shalt  }
0x59: {  	_ =	shalt  }
0x5a: {  	_ =	shalt  }
0x5b: {  	_ =	shalt  }
0x5c: {  	_ =	shalt  }
0x5d: {  	_ =	shalt  }
0x5e: {  	_ =	shalt  }
0x5f: {  	_ =	shalt  }
0x60: {  	_ =	shalt  }
0x61: {  	_ =	shalt  }
0x62: {  	_ =	shalt  }
0x63: {  	_ =	shalt  }
0x64: {  	_ =	shalt  }
0x65: {  	_ =	shalt  }
0x66: {  	_ =	shalt  }
0x67: {  	_ =	shalt  }
0x68: {  	_ =	shalt  }
0x69: {  	_ =	shalt  }
0x6a: {  	_ =	shalt  }
0x6b: {  	_ =	shalt  }
0x6c: {  	_ =	shalt  }
0x6d: {  	_ =	shalt  }
0x6e: {  	_ =	shalt  }
0x6f: {  	_ =	shalt  }
0x70: {  	_ =	shalt  }
0x71: {  	_ =	shalt  }
0x72: {  	_ =	shalt  }
0x73: {  	_ =	shalt  }
0x74: {  	_ =	shalt  }
0x75: {  	_ =	shalt  }
0x76: {  	_ =	shalt  }
0x77: {  	_ =	shalt  }
0x78: {  	_ =	shalt  }
0x79: {  	_ =	shalt  }
0x7a: {  	_ =	shalt  }
0x7b: {  	_ =	shalt  }
0x7c: {  	_ =	shalt  }
0x7d: {  	_ =	shalt  }
0x7e: {  	_ =	shalt  }
0x7f: {  	_ =	shalt  }
0x80: {  	_ =	shalt  }
0x81: {  	_ =	shalt  }
0x82: {  	_ =	shalt  }
0x83: {  	_ =	shalt  }
0x84: {  	_ =	shalt  }
0x85: {  	_ =	shalt  }
0x86: {  	_ =	shalt  }
0x87: {  	_ =	shalt  }
.Lfunc_end0:
.L_simem_size_0:
called_computation_lowered:
.L_overlay_start_0:
0x88: {  	s2 =	sld [smem:$0x3FD9]  }
0x89: {  	s3 =	sld [smem:$0x3FFE];
	_ =	sdelay $0x1  }
0x8a: {  	s1 =	srdreg.scid  }
0x8b: {  	s0 =	sand.u32 $0x1, s1  }
0x8c: {  	s17 =	sshll.u32 s0, $0xA;
	s2 =	sadd.s32 s3, s2  }
0x8d: {  	s2 =	sadd.s32 s2, s17  }
0x8e: {  	[smem:$0x3FC5] =	sst s2  }
0x8f: {  	_ = 	snop  }
0x90: {  	s2 =	sld [smem:$0x3FC7]  }
0x91: {  	s18 =	sld [smem:$0x3FD0];
	(tm) =	ssettm $0x1  }
0x92: {  	s4 =	sld [smem:$0x3FFB];
	_ =	sdelay $0x3  }
0x93: {  	_ =	strace s4  }
0x94: {  	s4 =	sld [smem:$0x3FFC];
	_ =	sdelay $0x3  }
0x95: {  	_ =	strace s4  }
0x96: {  	s4 =	sld [smem:$0x3FFD];
	_ =	sdelay $0x3  }
0x97: {  	_ =	strace s4  }
0x98: {  	_ =	strace $0x8FFFFFFF  }
0x99: {  	s19 =	sld [smem:$0x3FDB];
	_ =	sdelay $0x1  }
0x9a: {  	s5 =	simm.s32 $_scs_section_size  }
0x9b: {  	s6 =	simm.s32 $_size__tile_overlayer_lowered;
	s7 =	simm.s32 $_tile_overlayer_lowered  }
0x9c: {  	s22 =	simm.s32 $0x1BFF;
	s21 =	sshll.u32 s7, $0x1;
	s4 =	sadd.s32 s5, s19  }
0x9d: {  	s8 =	simm.s32 $0x0;
	s20 =	sshll.u32 s6, $0x1;
	s6 =	sadd.s32 s21, s4  }
0x9e: {  	[timem:s8], [sflag:s22] =	dma.local [hbm:s6], s20  }
0x9f: {  	_ =	swait.ge [sflag:s22], s20  }
0xa0: {  	s5 =	ssub.s32 $0x0, s20;
	[sflag:s22] =	ssyncset.done $0x0  }
0xa1: {  	[sflag:s22] =	ssyncadd.s32 s5;
	_ =	sdelay $0x1  }
0xa2: {  	s23 =	simm.s32 $0x1B8B  }
0xa3: {  	_ =	swait.ge [sflag:s23], $0x1  }
0xa4: {  	[sflag:s23] =	ssyncset.done $0x0  }
0xa5: {  	s25 =	simm.s32 $0x1B8E;
	s24 =	sld [smem:$0x3FFE];
	[sflag:s23] =	ssyncadd.s32 $0xFFFFFFFF  }
0xa6: {  	s26 =	simm.s32 $execute0_lowered;
	[smem:$0x3FD2] =	sst s25  }
0xa7: {  	s6 =	sshll.u32 s26, $0x1;
	_ =	strace $0x80000046;
	[dreg:$0x1] =	wrdreg $0xFFFFFFFF  }
0xa8: {  	s28 =	simm.s32 $_size_execute0_lowered;
	s4 =	sadd.s32 s4, s6;
	[dreg:$0x0] =	wrdreg $0x0  }
0xa9: {  	s6 =	sshll.u32 s28, $0x1;
	[dreg:$0x2] =	wrdreg s4  }
0xaa: {  	[dreg:$0x3] =	wrdreg s6  }
0xab: {  	[dreg:$0x4] =	wrdreg $0xC0  }
0xac: {  	_ =	task [dreg:s8], $0x5FFFF  }
0xad: {  	[dreg:$0x1] =	wrdreg $0xFFFFFFFF  }
0xae: {  	[dreg:$0x0] =	wrdreg $0x60  }
0xaf: {  	[dreg:$0x2] =	wrdreg s18  }
0xb0: {  	[dreg:$0x3] =	wrdreg s2  }
0xb1: {  	[dreg:$0x4] =	wrdreg s24  }
0xb2: {  	[dreg:$0x5] =	wrdreg $0x9  }
0xb3: {  	_ =	task.clear_ibuf [dreg:s8], $0x6FFFF;
	_ =	strace $0x90000046  }
0xb4: {  	s29 =	simm.s32 $0x9;
	_ =	strace $0x80000048  }
0xb5: {  	_ =	swait.ge [sflag:s29], $0x1  }
0xb6: {  	[sflag:s29] =	ssyncadd.s32 $0xFFFFFFFF  }
0xb7: {  	_ =	strace $0x90000048  }
0xb8: {  	_ =	sfence  }
0xb9: {  	s30 =	sld [smem:$0x0];
	_ =	sdelay $0x2  }
0xba: {  	s31 =	sshll.u32 s1, $0xD;
	s1 =	sshrl.u32 s1, $0x2  }
0xbb: {  	s3 =	sand.u32 $0x4000, s31;
	s1 =	sadd.s32 s1, s30  }
0xbc: {  	s0 =	sor.u32 s3, s0;
	s1 =	sshll.u32 s1, $0x11  }
0xbd: {  	s0 =	sor.u32 s1, s0  }
0xbe: {  	s0 =	sadd.s32 $0x8F2B, s0  }
0xbf: {  	[sflag:s0] =	ssyncadd.remote.s32 $0x1  }
0xc0: {  	_ =	sfence.sel $0xFFFF  }
0xc1: {  	[dreg:$0x0] =	wrdreg $0xFFFFFFFF;
	(pc) =	sbr.abs _section_cstart, $3  }
0xc2: {  	[dreg:$0x1] =	wrdreg $0xFFFFFFFF  }
0xc3: {  	_ =	task.clear_ibuf [dreg:s8], $0x2FFFF;
	_ =	strace $0x9FFFFFFF  }
0xc4: {  	(tm) =	ssettm $0x7FFFFFFF  }
0xc5: {  	_ =	shalt  }
tec
execute0_lowered:
.L_overlay_start_1:
0x0: {  	(tag) =	ssettag $0x1  }
0x1: {  	s0 =	srdreg.scid  }
0x2: {  	s5 =	sand.u32 $0x1, s0;
	s0 =	stileid.u32  }
0x3: {  	s6 =	sshll.u32 s0, $0x1;
	s7 =	ssub.s32 $0x0, s5  }
0x4: {  	p0 =	sne.s32 s6, s7  }
.Ltmp0:
0x5: {  	_ = 	snop;
	(pc) =	sbr.rel @p0 .LBB2_3-.Ltmp0, $4  }
0x6: {  	s1 =	rddreg [dreg:$0x0]  }
0x7: {  	s3 =	rddreg [dreg:$0x1]  }
0x8: {  	s4 =	rddreg [dreg:$0x2]  }
0x9: {  	s2 =	rddreg [dreg:$0x3];
	_ =	strace $0x80000047  }
0xa: {  	s5 =	ssub.s32 $0x2, s5;
	s4 =	sadd.s32 $0x600, s4;
	s7 =	simm.s32 $0x3  }
0xb: {  	s8 =	simm.s32 $0x64;
	s9 =	simm.s32 $0x80;
	s6 =	sshrl.u32 s5, $0x1  }
0xc: {  	s10 =	simm.s32 $0x1;
	s11 =	simm.s32 $0x3480;
	s5 =	ssub.s32 s5, s6  }
0xd: {  	s12 =	simm.s32 $0x2;
	s6 =	simm.s32 $0x0;
	s5 =	smax.u32 s5, $0x1  }
.LBB2_2:
0xe: {  	[tilespmem:s6], [sflag:$0x3] =	stream.linear.gather [hbm4b:s3+s6], $0x80, $0x38;
	[tilespmem:$0x3B00] =	vst v63  }
0xf: {  	_ =	swait.ge [sflag:s7], $0x80  }
0x10: {  	[sflag:s7] =	ssyncset.done $0x0  }
0x11: {  	[sflag:s7] =	ssyncadd.s32 $0xFFFFFF80  }
0x12: {  	[tilespmem:s9], [sflag:$0x1] =	stream.indirect.gather [hbm4b:s1+s8], $0x80, s6, s8, $0xb8;
	[tilespmem:$0x3B00] =	vst v63  }
0x13: {  	_ =	swait.ge [sflag:s10], $0x3200  }
0x14: {  	[sflag:s10] =	ssyncset.done $0x0  }
0x15: {  	[sflag:s10] =	ssyncadd.s32 $0xFFFFCE00  }
0x16: {  	v0 =	vld [tilespmem:$0x80]  }
0x17: {  	v1 =	vld [tilespmem:$0x100]  }
0x18: {  	v2 =	vld [tilespmem:$0x180]  }
0x19: {  	v3 =	vld [tilespmem:$0x200]  }
0x1a: {  	v4 =	vld [tilespmem:$0x280]  }
0x1b: {  	v25 =	vld [tilespmem:$0x300];
	[tilespmem:$0x3480] =	vst v0  }
0x1c: {  	v26 =	vld [tilespmem:$0x380];
	[tilespmem:$0x3490] =	vst v1  }
0x1d: {  	v27 =	vld [tilespmem:$0x400];
	[tilespmem:$0x34A0] =	vst v2  }
0x1e: {  	v28 =	vld [tilespmem:$0x480];
	[tilespmem:$0x34B0] =	vst v3  }
0x1f: {  	v29 =	vld [tilespmem:$0x500];
	[tilespmem:$0x34C0] =	vst v4  }
0x20: {  	v30 =	vld [tilespmem:$0x580];
	[tilespmem:$0x34D0] =	vst v25  }
0x21: {  	v31 =	vld [tilespmem:$0x600];
	[tilespmem:$0x34E0] =	vst v26  }
0x22: {  	v32 =	vld [tilespmem:$0x680];
	[tilespmem:$0x34F0] =	vst v27  }
0x23: {  	v33 =	vld [tilespmem:$0x700];
	[tilespmem:$0x3500] =	vst v28  }
0x24: {  	v34 =	vld [tilespmem:$0x780];
	[tilespmem:$0x3510] =	vst v29  }
0x25: {  	v35 =	vld [tilespmem:$0x800];
	[tilespmem:$0x3520] =	vst v30  }
0x26: {  	v36 =	vld [tilespmem:$0x880];
	[tilespmem:$0x3530] =	vst v31  }
0x27: {  	v37 =	vld [tilespmem:$0x900];
	[tilespmem:$0x3540] =	vst v32  }
0x28: {  	v38 =	vld [tilespmem:$0x980];
	[tilespmem:$0x3550] =	vst v33  }
0x29: {  	v39 =	vld [tilespmem:$0xA00];
	[tilespmem:$0x3560] =	vst v34  }
0x2a: {  	v40 =	vld [tilespmem:$0xA80];
	[tilespmem:$0x3570] =	vst v35  }
0x2b: {  	v41 =	vld [tilespmem:$0xB00];
	[tilespmem:$0x3580] =	vst v36  }
0x2c: {  	v42 =	vld [tilespmem:$0xB80];
	[tilespmem:$0x3590] =	vst v37  }
0x2d: {  	v43 =	vld [tilespmem:$0xC00];
	[tilespmem:$0x35A0] =	vst v38  }
0x2e: {  	v44 =	vld [tilespmem:$0xC80];
	[tilespmem:$0x35B0] =	vst v39  }
0x2f: {  	v45 =	vld [tilespmem:$0xD00];
	[tilespmem:$0x35C0] =	vst v40  }
0x30: {  	v46 =	vld [tilespmem:$0xD80];
	[tilespmem:$0x35D0] =	vst v41  }
0x31: {  	v47 =	vld [tilespmem:$0xE00];
	[tilespmem:$0x35E0] =	vst v42  }
0x32: {  	v48 =	vld [tilespmem:$0xE80];
	[tilespmem:$0x35F0] =	vst v43  }
0x33: {  	v49 =	vld [tilespmem:$0xF00];
	[tilespmem:$0x3600] =	vst v44  }
0x34: {  	v50 =	vld [tilespmem:$0xF80];
	[tilespmem:$0x3610] =	vst v45  }
0x35: {  	v51 =	vld [tilespmem:$0x1000];
	[tilespmem:$0x3620] =	vst v46  }
0x36: {  	v52 =	vld [tilespmem:$0x1080];
	[tilespmem:$0x3630] =	vst v47  }
0x37: {  	v53 =	vld [tilespmem:$0x1100];
	[tilespmem:$0x3640] =	vst v48  }
0x38: {  	v54 =	vld [tilespmem:$0x1180];
	[tilespmem:$0x3650] =	vst v49  }
0x39: {  	v55 =	vld [tilespmem:$0x1200];
	[tilespmem:$0x3660] =	vst v50  }
0x3a: {  	v56 =	vld [tilespmem:$0x1280];
	[tilespmem:$0x3670] =	vst v51  }
0x3b: {  	v57 =	vld [tilespmem:$0x1300];
	[tilespmem:$0x3680] =	vst v52  }
0x3c: {  	v58 =	vld [tilespmem:$0x1380];
	[tilespmem:$0x3690] =	vst v53  }
0x3d: {  	v59 =	vld [tilespmem:$0x1400];
	[tilespmem:$0x36A0] =	vst v54  }
0x3e: {  	v60 =	vld [tilespmem:$0x1480];
	[tilespmem:$0x36B0] =	vst v55  }
0x3f: {  	v61 =	vld [tilespmem:$0x1500];
	[tilespmem:$0x36C0] =	vst v56  }
0x40: {  	v62 =	vld [tilespmem:$0x1580];
	[tilespmem:$0x36D0] =	vst v57  }
0x41: {  	v63 =	vld [tilespmem:$0x1600];
	[tilespmem:$0x36E0] =	vst v58  }
0x42: {  	v8 =	vld [tilespmem:$0x1680];
	[tilespmem:$0x36F0] =	vst v59  }
0x43: {  	v9 =	vld [tilespmem:$0x1700];
	[tilespmem:$0x3700] =	vst v60  }
0x44: {  	v10 =	vld [tilespmem:$0x1780];
	[tilespmem:$0x3710] =	vst v61  }
0x45: {  	v11 =	vld [tilespmem:$0x1800];
	[tilespmem:$0x3720] =	vst v62  }
0x46: {  	v12 =	vld [tilespmem:$0x1880];
	[tilespmem:$0x3730] =	vst v63  }
0x47: {  	v13 =	vld [tilespmem:$0x1900];
	[tilespmem:$0x3740] =	vst v8  }
0x48: {  	v14 =	vld [tilespmem:$0x1980];
	[tilespmem:$0x3750] =	vst v9  }
0x49: {  	v15 =	vld [tilespmem:$0x1A00];
	[tilespmem:$0x3760] =	vst v10  }
0x4a: {  	v16 =	vld [tilespmem:$0x1A80];
	[tilespmem:$0x3770] =	vst v11  }
0x4b: {  	v17 =	vld [tilespmem:$0x1B00];
	[tilespmem:$0x3780] =	vst v12  }
0x4c: {  	v18 =	vld [tilespmem:$0x1B80];
	[tilespmem:$0x3790] =	vst v13  }
0x4d: {  	v19 =	vld [tilespmem:$0x1C00];
	[tilespmem:$0x37A0] =	vst v14  }
0x4e: {  	v20 =	vld [tilespmem:$0x1C80];
	[tilespmem:$0x37B0] =	vst v15  }
0x4f: {  	v21 =	vld [tilespmem:$0x1D00];
	[tilespmem:$0x37C0] =	vst v16  }
0x50: {  	v22 =	vld [tilespmem:$0x1D80];
	[tilespmem:$0x37D0] =	vst v17  }
0x51: {  	v23 =	vld [tilespmem:$0x1E00];
	[tilespmem:$0x37E0] =	vst v18  }
0x52: {  	v24 =	vld [tilespmem:$0x1E80];
	[tilespmem:$0x37F0] =	vst v19  }
0x53: {  	[tilespmem:$0x3800] =	vst v20;
	v25 =	vld [tilespmem:$0x1F00]  }
0x54: {  	[tilespmem:$0x3810] =	vst v21;
	v26 =	vld [tilespmem:$0x1F80]  }
0x55: {  	[tilespmem:$0x3820] =	vst v22;
	v27 =	vld [tilespmem:$0x2000]  }
0x56: {  	[tilespmem:$0x3830] =	vst v23;
	v28 =	vld [tilespmem:$0x2080]  }
0x57: {  	[tilespmem:$0x3840] =	vst v24;
	v29 =	vld [tilespmem:$0x2100]  }
0x58: {  	v30 =	vld [tilespmem:$0x2180];
	[tilespmem:$0x3850] =	vst v25  }
0x59: {  	v31 =	vld [tilespmem:$0x2200];
	[tilespmem:$0x3860] =	vst v26  }
0x5a: {  	v32 =	vld [tilespmem:$0x2280];
	[tilespmem:$0x3870] =	vst v27  }
0x5b: {  	v33 =	vld [tilespmem:$0x2300];
	[tilespmem:$0x3880] =	vst v28  }
0x5c: {  	v34 =	vld [tilespmem:$0x2380];
	[tilespmem:$0x3890] =	vst v29  }
0x5d: {  	v35 =	vld [tilespmem:$0x2400];
	[tilespmem:$0x38A0] =	vst v30  }
0x5e: {  	v36 =	vld [tilespmem:$0x2480];
	[tilespmem:$0x38B0] =	vst v31  }
0x5f: {  	v37 =	vld [tilespmem:$0x2500];
	[tilespmem:$0x38C0] =	vst v32  }
0x60: {  	v38 =	vld [tilespmem:$0x2580];
	[tilespmem:$0x38D0] =	vst v33  }
0x61: {  	v39 =	vld [tilespmem:$0x2600];
	[tilespmem:$0x38E0] =	vst v34  }
0x62: {  	v40 =	vld [tilespmem:$0x2680];
	[tilespmem:$0x38F0] =	vst v35  }
0x63: {  	v41 =	vld [tilespmem:$0x2700];
	[tilespmem:$0x3900] =	vst v36  }
0x64: {  	v42 =	vld [tilespmem:$0x2780];
	[tilespmem:$0x3910] =	vst v37  }
0x65: {  	v43 =	vld [tilespmem:$0x2800];
	[tilespmem:$0x3920] =	vst v38  }
0x66: {  	v44 =	vld [tilespmem:$0x2880];
	[tilespmem:$0x3930] =	vst v39  }
0x67: {  	v45 =	vld [tilespmem:$0x2900];
	[tilespmem:$0x3940] =	vst v40  }
0x68: {  	v46 =	vld [tilespmem:$0x2980];
	[tilespmem:$0x3950] =	vst v41  }
0x69: {  	v47 =	vld [tilespmem:$0x2A00];
	[tilespmem:$0x3960] =	vst v42  }
0x6a: {  	v48 =	vld [tilespmem:$0x2A80];
	[tilespmem:$0x3970] =	vst v43  }
0x6b: {  	v49 =	vld [tilespmem:$0x2B00];
	[tilespmem:$0x3980] =	vst v44  }
0x6c: {  	v50 =	vld [tilespmem:$0x2B80];
	[tilespmem:$0x3990] =	vst v45  }
0x6d: {  	v51 =	vld [tilespmem:$0x2C00];
	[tilespmem:$0x39A0] =	vst v46  }
0x6e: {  	v52 =	vld [tilespmem:$0x2C80];
	[tilespmem:$0x39B0] =	vst v47  }
0x6f: {  	v53 =	vld [tilespmem:$0x2D00];
	[tilespmem:$0x39C0] =	vst v48  }
0x70: {  	v54 =	vld [tilespmem:$0x2D80];
	[tilespmem:$0x39D0] =	vst v49  }
0x71: {  	v55 =	vld [tilespmem:$0x2E00];
	[tilespmem:$0x39E0] =	vst v50  }
0x72: {  	v56 =	vld [tilespmem:$0x2E80];
	[tilespmem:$0x39F0] =	vst v51  }
0x73: {  	v57 =	vld [tilespmem:$0x2F00];
	[tilespmem:$0x3A00] =	vst v52  }
0x74: {  	v58 =	vld [tilespmem:$0x2F80];
	[tilespmem:$0x3A10] =	vst v53  }
0x75: {  	v59 =	vld [tilespmem:$0x3000];
	[tilespmem:$0x3A20] =	vst v54  }
0x76: {  	v60 =	vld [tilespmem:$0x3080];
	[tilespmem:$0x3A30] =	vst v55  }
0x77: {  	v61 =	vld [tilespmem:$0x3100];
	[tilespmem:$0x3A40] =	vst v56  }
0x78: {  	v62 =	vld [tilespmem:$0x3180];
	[tilespmem:$0x3A50] =	vst v57  }
0x79: {  	v63 =	vld [tilespmem:$0x3200];
	[tilespmem:$0x3A60] =	vst v58  }
0x7a: {  	[tilespmem:$0x3A70] =	vst v59  }
0x7b: {  	[tilespmem:$0x3A80] =	vst v60  }
0x7c: {  	[tilespmem:$0x3A90] =	vst v61  }
0x7d: {  	p0 =	sne.s32 s5, $0x1;
	[tilespmem:$0x3AA0] =	vst v62  }
.Ltmp1:
0x7e: {  	[tilespmem:$0x3AB0] =	vst v63;
	(pc) =	sbr.rel @p0 .LBB2_2-.Ltmp1, $4  }
0x7f: {  	[hbm4b:s4+s6] =	stream.linear.scatter [tilespmem:s11], [sflag:$0x2], $0x680, $0x38;
	[tilespmem:$0x3B00] =	vst v63  }
0x80: {  	_ =	swait.ge [sflag:s12], $0x680  }
0x81: {  	[sflag:s12] =	ssyncset.done $0x0  }
0x82: {  	s5 =	sadd.s32 $0xFFFFFFFF, s5;
	[sflag:s12] =	ssyncadd.s32 $0xFFFFF980  }
.LBB2_3:
0x83: {  	_ =	sfence.sel $0x180000  }
0x84: {  	[bflag:$0x0] =	sbarrier.arrive $0xFFFF  }
0x85: {  	p0 =	sne.s32 s0, $0x0;
	_ =	strace $0x90000047  }
0x86: {  	s0 =	sadd.s32 @!p0 $0x100000, s2;
	[bflag:$0x2] =	sbarrier.arrive $0xFFFF  }
0x87: {  	[sflag:s0] =	ssyncadd.tile.s32 @!p0 $0x1;
	_ =	shalt  }
.Lfunc_end2:
_tile_overlayer_lowered:
.L_overlay_start_2:
0x88: {  	(tag) =	ssettag $0x2  }
0x89: {  	s0 =	rddreg [dreg:$0x0];
	s2 =	stileid.u32  }
0x8a: {  	s1 =	rddreg [dreg:$0x1];
	p0 =	sne.s32 s2, $0x0  }
0x8b: {  	s3 =	rddreg [dreg:$0x2];
	[bflag:$0x3] =	sbarrier.arrive $0xFFFF;
	s2 =	simm.s32 @!p0 $0x1C03  }
0x8c: {  	[timem:s3], [sflag:s2] =	dma.local @!p0 [hbm:s0], s1  }
0x8d: {  	s0 =	simm.s32 @!p0 $0x3  }
0x8e: {  	_ =	swait.ge @!p0 [sflag:s0], s1  }
0x8f: {  	s1 =	ssub.s32 @!p0 $0x0, s1;
	[sflag:s0] =	ssyncset.done @!p0 $0x0  }
0x90: {  	[sflag:s0] =	ssyncadd.s32 @!p0 s1  }
0x91: {  	[bflag:$0x3] =	sbarrier.arrive $0xFFFF  }
0x92: {  	_ =	shalt  }

</sc_bundles>
